<compile_context>
chip_gen: v7x
topology: tpu7x:2x2x1
jax: 0.10.2.dev20260603
libtpu: 0.0.44.dev20260713+nightly
codegen_flags: <defaults>
</compile_context>

<pallas_src>
import functools

import jax
import jax.numpy as jnp
from jax import lax
from jax.experimental import pallas as pl
from jax.experimental.pallas import tpu as pltpu
from jax.experimental.pallas import tpu_sc as plsc

N_NODES = 10000
N_EDGES = 160000
HIDDEN = 256
HALF = 128
NUM_REL = 16

NC = 2
NS = 16
LANES = 16

EPT = N_EDGES // NS
CHUNK = 128
EPT_PAD = 10240
NCHUNK = EPT_PAD // CHUNK
ACC_ROWS = 10240
ZROWS = ACC_ROWS // NS
C_WORDS = ACC_ROWS * NUM_REL
C_ZWORDS = C_WORDS // NS
OUT_ROWS_PT = ACC_ROWS // NS

NBUF = 2
IBUF = 4
ZBUF = 2048


def _sc_aggregate(src2, dst_p, rel_p, nodes_split, z2d, z1d):
    mesh = plsc.VectorSubcoreMesh(core_axis_name="c", subcore_axis_name="s")

    @functools.partial(
        pl.kernel,
        out_type=(
            jax.ShapeDtypeStruct((2 * N_NODES, HALF), jnp.float32),
            jax.ShapeDtypeStruct((N_NODES * NUM_REL,), jnp.float32),
            jax.ShapeDtypeStruct((N_NODES * NUM_REL,), jnp.float32),
        ),
        mesh=mesh,
        scratch_types=[
            [pltpu.VMEM((CHUNK, HALF), jnp.float32) for _ in range(NBUF)],
            [pltpu.VMEM((CHUNK,), jnp.int32) for _ in range(IBUF)],
            [pltpu.VMEM((CHUNK,), jnp.int32) for _ in range(IBUF)],
            [pltpu.VMEM((CHUNK,), jnp.int32) for _ in range(IBUF)],
            [pltpu.VMEM((CHUNK,), jnp.int32) for _ in range(NBUF)],
            pltpu.VMEM((CHUNK,), jnp.float32),
            pltpu.VMEM((ZBUF,), jnp.float32),
            pltpu.VMEM_SHARED((ACC_ROWS, HALF), jnp.float32),
            pltpu.VMEM_SHARED((C_WORDS,), jnp.float32),
            [pltpu.SemaphoreType.DMA for _ in range(NBUF)],
            [pltpu.SemaphoreType.DMA for _ in range(IBUF)],
            [pltpu.SemaphoreType.DMA for _ in range(NBUF)],
            pltpu.SemaphoreType.DMA,
        ],
    )
    def sc_kernel(src2_hbm, dst_hbm, rel_hbm, nodes_hbm, z2d_hbm, z1d_hbm,
                  out_nodes_hbm, out_c0_hbm, out_c1_hbm,
                  rows_v, srcs, dsts, rels, cidxr, ones_v, zbuf_v,
                  acc_s, c_s, gsem, isem, ssem, csem):
        cid = lax.axis_index("c")
        sid = lax.axis_index("s")

        pltpu.sync_copy(z2d_hbm, acc_s.at[pl.ds(sid * ZROWS, ZROWS)])
        pltpu.sync_copy(z1d_hbm, zbuf_v)
        for k in range(C_ZWORDS // ZBUF):
            pltpu.sync_copy(zbuf_v,
                            c_s.at[pl.ds(sid * C_ZWORDS + k * ZBUF, ZBUF)])
        for t in range(CHUNK // LANES):
            ones_v[pl.ds(t * LANES, LANES)] = jnp.full((LANES,), 1.0, jnp.float32)

        seg_base = sid * EPT_PAD
        src_base = cid * (NS * EPT_PAD) + seg_base

        def idx_start(j, q):
            pltpu.async_copy(src2_hbm.at[pl.ds(src_base + j * CHUNK, CHUNK)],
                             srcs[q], isem[q])
            pltpu.async_copy(dst_hbm.at[pl.ds(seg_base + j * CHUNK, CHUNK)],
                             dsts[q], isem[q])
            pltpu.async_copy(rel_hbm.at[pl.ds(seg_base + j * CHUNK, CHUNK)],
                             rels[q], isem[q])

        def idx_wait(q):
            for r in range(3):
                pltpu.make_async_copy(
                    dst_hbm.at[pl.ds(0, CHUNK)], dsts[q], isem[q]).wait()

        def gather_start(j, b, q):
            pltpu.async_copy(nodes_hbm.at[srcs[q]], rows_v[b], gsem[b])

        def gather_wait(b):
            pltpu.make_async_copy(nodes_hbm.at[srcs[0]], rows_v[b],
                                  gsem[b]).wait()

        def scatter_wait(b):
            pltpu.make_async_copy(z2d_hbm.at[pl.ds(0, CHUNK)], rows_v[b],
                                  ssem[b]).wait()

        def cscatter_wait():
            pltpu.make_async_copy(z1d_hbm.at[pl.ds(0, CHUNK)], ones_v,
                                  csem).wait()

        plsc.subcore_barrier()

        for q in range(IBUF):
            idx_start(q, q)
        idx_wait(0)
        gather_start(0, 0, 0)

        def step_body(s, carry):
            for u in range(IBUF):
                j = s * IBUF + u
                b = u % NBUF
                q = u
                bn = (u + 1) % NBUF
                qp = (u + 3) % IBUF

                @pl.when(j >= 1)
                def _():
                    scatter_wait(bn)

                    @pl.when(j + 3 < NCHUNK)
                    def _():
                        idx_start(j + 3, qp)

                @pl.when(j + 1 < NCHUNK)
                def _():
                    idx_wait((u + 1) % IBUF)
                    gather_start(j + 1, bn, (u + 1) % IBUF)

                gather_wait(b)

                @pl.when(cid == (u % 2))
                def _():
                    @pl.when(j >= 2)
                    def _():
                        cscatter_wait()

                    for t in range(CHUNK // LANES):
                        sl = pl.ds(t * LANES, LANES)
                        cidxr[u % 2][sl] = (dsts[q][sl] * NUM_REL
                                            + rels[q][sl])
                    pltpu.async_copy(ones_v, c_s.at[cidxr[u % 2]], csem,
                                     add=True)

                pltpu.async_copy(rows_v[b], acc_s.at[dsts[q]],
                                 ssem[b], add=True)
            return carry

        lax.fori_loop(0, NCHUNK // IBUF, step_body, 0)
        scatter_wait((NCHUNK - 1) % NBUF)
        cscatter_wait()
        plsc.subcore_barrier()

        @pl.when(sid < NS - 1)
        def _():
            pltpu.sync_copy(
                acc_s.at[pl.ds(sid * OUT_ROWS_PT, OUT_ROWS_PT)],
                out_nodes_hbm.at[pl.ds(cid * N_NODES + sid * OUT_ROWS_PT,
                                       OUT_ROWS_PT)])

        @pl.when(sid == NS - 1)
        def _():
            last = N_NODES - (NS - 1) * OUT_ROWS_PT
            pltpu.sync_copy(
                acc_s.at[pl.ds((NS - 1) * OUT_ROWS_PT, last)],
                out_nodes_hbm.at[pl.ds(cid * N_NODES + (NS - 1) * OUT_ROWS_PT,
                                       last)])

        cw = N_EDGES // NS
        for k in range(5):
            piece = pl.ds(0, cw // 5)
            csl = pl.ds(sid * cw + k * (cw // 5), cw // 5)
            pltpu.sync_copy(c_s.at[csl], zbuf_v.at[piece])

            @pl.when(cid == 0)
            def _():
                pltpu.sync_copy(zbuf_v.at[piece], out_c0_hbm.at[csl])

            @pl.when(cid == 1)
            def _():
                pltpu.sync_copy(zbuf_v.at[piece], out_c1_hbm.at[csl])

    return sc_kernel(src2, dst_p, rel_p, nodes_split, z2d, z1d)


BLK = 400
GRID = N_NODES // BLK
RIGHT_OFF = N_NODES // BLK


def _tc_finish(x, node_part, C0, C1, Ws, bs2, Wm, bm2, rel_emb, gamma2, beta2):
    prec = lax.Precision.DEFAULT

    def body(x_ref, l_ref, r_ref, c0_ref, c1_ref, ws_ref, bs_ref, wm_ref,
             bm_ref, rel_ref, g_ref, b_ref, o_ref):
        xb = x_ref[...]
        cb = c0_ref[...] + c1_ref[...]
        deg = jnp.sum(cb, axis=1, keepdims=True)
        mrel = jnp.dot(rel_ref[...], wm_ref[...],
                       preferred_element_type=jnp.float32, precision=prec)
        t = (jnp.dot(l_ref[...], wm_ref[:HALF, :],
                     preferred_element_type=jnp.float32, precision=prec)
             + jnp.dot(r_ref[...], wm_ref[HALF:, :],
                       preferred_element_type=jnp.float32, precision=prec)
             + jnp.dot(cb, mrel, preferred_element_type=jnp.float32,
                       precision=prec))
        agg = (t + deg * bm_ref[...]) / jnp.maximum(deg, 1.0)
        u = (jnp.dot(xb, ws_ref[...],
                     preferred_element_type=jnp.float32, precision=prec)
             + bs_ref[...] + agg)
        g = 0.5 * u * (1.0 + lax.erf(u * 0.7071067811865476))
        r = g + xb
        mu = jnp.mean(r, axis=1, keepdims=True)
        var = jnp.mean((r - mu) ** 2, axis=1, keepdims=True)
        o_ref[...] = (r - mu) * lax.rsqrt(var + 1e-5) * g_ref[...] + b_ref[...]

    full = lambda shape: pl.BlockSpec(shape, lambda i: (0, 0))
    return pl.pallas_call(
        body,
        grid=(GRID,),
        in_specs=[
            pl.BlockSpec((BLK, HIDDEN), lambda i: (i, 0)),
            pl.BlockSpec((BLK, HALF), lambda i: (i, 0)),
            pl.BlockSpec((BLK, HALF), lambda i: (i + RIGHT_OFF, 0)),
            pl.BlockSpec((BLK, NUM_REL), lambda i: (i, 0)),
            pl.BlockSpec((BLK, NUM_REL), lambda i: (i, 0)),
            full((HIDDEN, HIDDEN)),
            full((1, HIDDEN)),
            full((HIDDEN, HIDDEN)),
            full((1, HIDDEN)),
            full((NUM_REL, HIDDEN)),
            full((1, HIDDEN)),
            full((1, HIDDEN)),
        ],
        out_specs=pl.BlockSpec((BLK, HIDDEN), lambda i: (i, 0)),
        out_shape=jax.ShapeDtypeStruct((N_NODES, HIDDEN), jnp.float32),
    )(x, node_part, node_part, C0, C1, Ws, bs2, Wm, bm2, rel_emb, gamma2,
      beta2)


def kernel(node_states, Ws, bs, Wm, bm, rel_emb, ln_gamma, ln_beta,
           edge_index, edge_type_ids):
    src = edge_index[0].astype(jnp.int32)
    dst = edge_index[1].astype(jnp.int32)
    rel = jnp.clip(edge_type_ids.astype(jnp.int32), 0, NUM_REL - 1)

    pad = EPT_PAD - EPT
    src_p = jnp.pad(src.reshape(NS, EPT), ((0, 0), (0, pad))).reshape(-1)
    dst_p = jnp.pad(dst.reshape(NS, EPT), ((0, 0), (0, pad)),
                    constant_values=N_NODES).reshape(-1)
    rel_p = jnp.pad(rel.reshape(NS, EPT), ((0, 0), (0, pad))).reshape(-1)
    src2 = jnp.concatenate([2 * src_p, 2 * src_p + 1])
    nodes_split = node_states.reshape(2 * N_NODES, HALF)
    z2d = jnp.zeros((ZROWS, HALF), jnp.float32)
    z1d = jnp.zeros((ZBUF,), jnp.float32)

    node_part, c0, c1 = _sc_aggregate(src2, dst_p, rel_p, nodes_split,
                                      z2d, z1d)
    C0 = c0.reshape(N_NODES, NUM_REL)
    C1 = c1.reshape(N_NODES, NUM_REL)

    return _tc_finish(node_states, node_part, C0, C1, Ws,
                      bs.reshape(1, HIDDEN), Wm, bm.reshape(1, HIDDEN),
                      rel_emb, ln_gamma.reshape(1, HIDDEN),
                      ln_beta.reshape(1, HIDDEN))

# --- scband reference (transcript-rebuilt; emitter-appended) ---
"""Pipeline reference for scband-residual-rgcnlayer-53687091200302 (READ-ONLY COPY).

The authoritative reference and input builder live on the scoring server;
editing this copy changes nothing except your own understanding.
"""

import jax, jax.numpy as jnp
import numpy as np

N_NODES = 10000
N_EDGES = 160000
HIDDEN = 256
NUM_REL = 16


def setup_inputs(seed: int = 0) -> dict:
    key = jax.random.key(seed)
    ks = jax.random.split(key, 10)
    node_states = jax.random.normal(ks[0], (N_NODES, HIDDEN), dtype=jnp.float32)
    edge_index = jax.random.randint(ks[1], (2, N_EDGES), 0, N_NODES, dtype=jnp.int64)
    edge_type_ids = jax.random.randint(ks[2], (N_EDGES,), 0, NUM_REL, dtype=jnp.int64)
    scale = 1.0 / np.sqrt(HIDDEN)
    Ws = jax.random.uniform(ks[3], (HIDDEN, HIDDEN), dtype=jnp.float32, minval=-scale, maxval=scale)
    bs = jax.random.uniform(ks[4], (HIDDEN,), dtype=jnp.float32, minval=-scale, maxval=scale)
    Wm = jax.random.uniform(ks[5], (HIDDEN, HIDDEN), dtype=jnp.float32, minval=-scale, maxval=scale)
    bm = jax.random.uniform(ks[6], (HIDDEN,), dtype=jnp.float32, minval=-scale, maxval=scale)
    rel_emb = jax.random.normal(ks[7], (NUM_REL, HIDDEN), dtype=jnp.float32)
    ln_gamma = jnp.ones((HIDDEN,), dtype=jnp.float32)
    ln_beta = jnp.zeros((HIDDEN,), dtype=jnp.float32)
    return {
        'node_states': node_states,
        'Ws': Ws, 'bs': bs, 'Wm': Wm, 'bm': bm,
        'rel_emb': rel_emb, 'ln_gamma': ln_gamma, 'ln_beta': ln_beta,
        'edge_index': edge_index, 'edge_type_ids': edge_type_ids,
    }


def _layer_norm(x, gamma, beta, eps=1e-5):
    mu = jnp.mean(x, axis=-1, keepdims=True)
    var = jnp.mean((x - mu) ** 2, axis=-1, keepdims=True)
    return (x - mu) / jnp.sqrt(var + eps) * gamma + beta


def reference(node_states, Ws, bs, Wm, bm, rel_emb, ln_gamma, ln_beta, edge_index, edge_type_ids):
    # SimpleRelationalConv fallback path
    src = edge_index[0]
    dst = edge_index[1]
    rel_ids = jnp.clip(edge_type_ids, 0, rel_emb.shape[0] - 1)
    rel_vec = jnp.take(rel_emb, rel_ids, axis=0)
    msg = (jnp.take(node_states, src, axis=0) + rel_vec) @ Wm + bm
    agg = jnp.zeros_like(node_states).at[dst].add(msg)
    deg = jnp.zeros((node_states.shape[0], 1), dtype=node_states.dtype).at[dst].add(
        jnp.ones((dst.shape[0], 1), dtype=node_states.dtype))
    agg = agg / jnp.clip(deg, 1.0, None)
    updated = node_states @ Ws + bs + agg
    # ResidualRGCNLayer: gelu (exact), dropout=identity (eval), residual + layernorm
    updated = jax.nn.gelu(updated, approximate=False)
    return _layer_norm(updated + node_states, ln_gamma, ln_beta)

if __name__ == "__main__":
    import jax
    _d = setup_inputs()
    print(jax.jit(kernel)(*tuple(_d.values())))

</pallas_src>

<mosaic_0001>
#map = affine_map<(d0, d1) -> (0)>
#map1 = affine_map<(d0, d1) -> (0, 0)>
module attributes {stable_mosaic.version = 14 : i64} {
  func.func @sc_kernel(%arg0: i32, %arg1: i32, %arg2: memref<327680xi32, #tpu.memory_space<hbm>>, %arg3: memref<163840xi32, #tpu.memory_space<hbm>>, %arg4: memref<163840xi32, #tpu.memory_space<hbm>>, %arg5: memref<20000x128xf32, #tpu.memory_space<hbm>>, %arg6: memref<640x128xf32, #tpu.memory_space<hbm>>, %arg7: memref<2048xf32, #tpu.memory_space<hbm>>, %arg8: memref<20000x128xf32, #tpu.memory_space<hbm>>, %arg9: memref<160000xf32, #tpu.memory_space<hbm>>, %arg10: memref<160000xf32, #tpu.memory_space<hbm>>, %arg11: memref<128x128xf32, #tpu.memory_space<vmem>>, %arg12: memref<128x128xf32, #tpu.memory_space<vmem>>, %arg13: memref<128xi32, #tpu.memory_space<vmem>>, %arg14: memref<128xi32, #tpu.memory_space<vmem>>, %arg15: memref<128xi32, #tpu.memory_space<vmem>>, %arg16: memref<128xi32, #tpu.memory_space<vmem>>, %arg17: memref<128xi32, #tpu.memory_space<vmem>>, %arg18: memref<128xi32, #tpu.memory_space<vmem>>, %arg19: memref<128xi32, #tpu.memory_space<vmem>>, %arg20: memref<128xi32, #tpu.memory_space<vmem>>, %arg21: memref<128xi32, #tpu.memory_space<vmem>>, %arg22: memref<128xi32, #tpu.memory_space<vmem>>, %arg23: memref<128xi32, #tpu.memory_space<vmem>>, %arg24: memref<128xi32, #tpu.memory_space<vmem>>, %arg25: memref<128xi32, #tpu.memory_space<vmem>>, %arg26: memref<128xi32, #tpu.memory_space<vmem>>, %arg27: memref<128xf32, #tpu.memory_space<vmem>>, %arg28: memref<2048xf32, #tpu.memory_space<vmem>>, %arg29: memref<10240x128xf32, #tpu.memory_space<vmem_shared>>, %arg30: memref<163840xf32, #tpu.memory_space<vmem_shared>>, %arg31: memref<!tpu.dma_semaphore, #tpu.memory_space<semaphore_mem>>, %arg32: memref<!tpu.dma_semaphore, #tpu.memory_space<semaphore_mem>>, %arg33: memref<!tpu.dma_semaphore, #tpu.memory_space<semaphore_mem>>, %arg34: memref<!tpu.dma_semaphore, #tpu.memory_space<semaphore_mem>>, %arg35: memref<!tpu.dma_semaphore, #tpu.memory_space<semaphore_mem>>, %arg36: memref<!tpu.dma_semaphore, #tpu.memory_space<semaphore_mem>>, %arg37: memref<!tpu.dma_semaphore, #tpu.memory_space<semaphore_mem>>, %arg38: memref<!tpu.dma_semaphore, #tpu.memory_space<semaphore_mem>>, %arg39: memref<!tpu.dma_semaphore, #tpu.memory_space<semaphore_mem>>) attributes {dimension_semantics = [#tpu.dimension_semantics<core_parallel>, #tpu.dimension_semantics<subcore_parallel>], iteration_bounds = array<i64: 2, 16>, scalar_prefetch = 0 : i64, scratch_operands = 29 : i64, tpu.core_type = #tpu.core_type<sc_vector_subcore>, window_params = [{transform_indices = #map}, {transform_indices = #map}, {transform_indices = #map}, {transform_indices = #map1}, {transform_indices = #map1}, {transform_indices = #map}, {transform_indices = #map1}, {transform_indices = #map}, {transform_indices = #map}]} {
    %mul3A = arith.constant 640 : i32
    %mul3A_0 = arith.muli %arg1, %mul3A : i32
    "tpu.region"() ({
      %run_scoped3A = tpu.sem_alloc : memref<!tpu.dma_semaphore, #tpu.memory_space<semaphore_mem>>
      %dma_start3A_224 = arith.constant 0 : i32
      %dma_start3A_225 = tpu.memref_slice %arg29[%mul3A_0, %dma_start3A_224] : memref<10240x128xf32, #tpu.memory_space<vmem_shared>> -> memref<640x128xf32, #tpu.memory_space<vmem_shared>>
      tpu.enqueue_dma source(%arg6 : memref<640x128xf32, #tpu.memory_space<hbm>>) target(%dma_start3A_225 : memref<640x128xf32, #tpu.memory_space<vmem_shared>>) target_semaphore(%run_scoped3A : memref<!tpu.dma_semaphore, #tpu.memory_space<semaphore_mem>>)
      %dma_wait3A_226 = arith.constant 0 : i32
      %dma_wait3A_227 = tpu.memref_slice %arg29[%mul3A_0, %dma_wait3A_226] : memref<10240x128xf32, #tpu.memory_space<vmem_shared>> -> memref<640x128xf32, #tpu.memory_space<vmem_shared>>
      tpu.wait_dma2 semaphore(%run_scoped3A : memref<!tpu.dma_semaphore, #tpu.memory_space<semaphore_mem>>) src(%arg6 : memref<640x128xf32, #tpu.memory_space<hbm>>) dst(%dma_wait3A_227 : memref<640x128xf32, #tpu.memory_space<vmem_shared>>)
      tpu.yield
    }) : () -> ()
    "tpu.region"() ({
      %run_scoped3A = tpu.sem_alloc : memref<!tpu.dma_semaphore, #tpu.memory_space<semaphore_mem>>
      tpu.enqueue_dma source(%arg7 : memref<2048xf32, #tpu.memory_space<hbm>>) target(%arg28 : memref<2048xf32, #tpu.memory_space<vmem>>) target_semaphore(%run_scoped3A : memref<!tpu.dma_semaphore, #tpu.memory_space<semaphore_mem>>)
      tpu.wait_dma2 semaphore(%run_scoped3A : memref<!tpu.dma_semaphore, #tpu.memory_space<semaphore_mem>>) src(%arg7 : memref<2048xf32, #tpu.memory_space<hbm>>) dst(%arg28 : memref<2048xf32, #tpu.memory_space<vmem>>)
      tpu.yield
    }) : () -> ()
    %mul3A_1 = arith.constant 10240 : i32
    %mul3A_2 = arith.muli %arg1, %mul3A_1 : i32
    %add3A = arith.constant 0 : i32
    %add3A_3 = arith.addi %mul3A_2, %add3A : i32
    "tpu.region"() ({
      %run_scoped3A = tpu.sem_alloc : memref<!tpu.dma_semaphore, #tpu.memory_space<semaphore_mem>>
      %dma_start3A_224 = tpu.memref_slice %arg30[%add3A_3] : memref<163840xf32, #tpu.memory_space<vmem_shared>> -> memref<2048xf32, #tpu.memory_space<vmem_shared>>
      %dma_start3A_225 = tpu.memref_slice %arg30[%add3A_3] : memref<163840xf32, #tpu.memory_space<vmem_shared>> -> memref<2048xf32, #tpu.memory_space<vmem_shared>>
      tpu.enqueue_dma source(%arg28 : memref<2048xf32, #tpu.memory_space<vmem>>) target(%dma_start3A_225 : memref<2048xf32, #tpu.memory_space<vmem_shared>>) target_semaphore(%run_scoped3A : memref<!tpu.dma_semaphore, #tpu.memory_space<semaphore_mem>>)
      %dma_wait3A_226 = tpu.memref_slice %arg30[%add3A_3] : memref<163840xf32, #tpu.memory_space<vmem_shared>> -> memref<2048xf32, #tpu.memory_space<vmem_shared>>
      %dma_wait3A_227 = tpu.memref_slice %arg30[%add3A_3] : memref<163840xf32, #tpu.memory_space<vmem_shared>> -> memref<2048xf32, #tpu.memory_space<vmem_shared>>
      tpu.wait_dma2 semaphore(%run_scoped3A : memref<!tpu.dma_semaphore, #tpu.memory_space<semaphore_mem>>) src(%arg28 : memref<2048xf32, #tpu.memory_space<vmem>>) dst(%dma_wait3A_227 : memref<2048xf32, #tpu.memory_space<vmem_shared>>)
      tpu.yield
    }) : () -> ()
    %mul3A_4 = arith.constant 10240 : i32
    %mul3A_5 = arith.muli %arg1, %mul3A_4 : i32
    %add3A_6 = arith.constant 2048 : i32
    %add3A_7 = arith.addi %mul3A_5, %add3A_6 : i32
    "tpu.region"() ({
      %run_scoped3A = tpu.sem_alloc : memref<!tpu.dma_semaphore, #tpu.memory_space<semaphore_mem>>
      %dma_start3A_224 = tpu.memref_slice %arg30[%add3A_7] : memref<163840xf32, #tpu.memory_space<vmem_shared>> -> memref<2048xf32, #tpu.memory_space<vmem_shared>>
      %dma_start3A_225 = tpu.memref_slice %arg30[%add3A_7] : memref<163840xf32, #tpu.memory_space<vmem_shared>> -> memref<2048xf32, #tpu.memory_space<vmem_shared>>
      tpu.enqueue_dma source(%arg28 : memref<2048xf32, #tpu.memory_space<vmem>>) target(%dma_start3A_225 : memref<2048xf32, #tpu.memory_space<vmem_shared>>) target_semaphore(%run_scoped3A : memref<!tpu.dma_semaphore, #tpu.memory_space<semaphore_mem>>)
      %dma_wait3A_226 = tpu.memref_slice %arg30[%add3A_7] : memref<163840xf32, #tpu.memory_space<vmem_shared>> -> memref<2048xf32, #tpu.memory_space<vmem_shared>>
      %dma_wait3A_227 = tpu.memref_slice %arg30[%add3A_7] : memref<163840xf32, #tpu.memory_space<vmem_shared>> -> memref<2048xf32, #tpu.memory_space<vmem_shared>>
      tpu.wait_dma2 semaphore(%run_scoped3A : memref<!tpu.dma_semaphore, #tpu.memory_space<semaphore_mem>>) src(%arg28 : memref<2048xf32, #tpu.memory_space<vmem>>) dst(%dma_wait3A_227 : memref<2048xf32, #tpu.memory_space<vmem_shared>>)
      tpu.yield
    }) : () -> ()
    %mul3A_8 = arith.constant 10240 : i32
    %mul3A_9 = arith.muli %arg1, %mul3A_8 : i32
    %add3A_10 = arith.constant 4096 : i32
    %add3A_11 = arith.addi %mul3A_9, %add3A_10 : i32
    "tpu.region"() ({
      %run_scoped3A = tpu.sem_alloc : memref<!tpu.dma_semaphore, #tpu.memory_space<semaphore_mem>>
      %dma_start3A_224 = tpu.memref_slice %arg30[%add3A_11] : memref<163840xf32, #tpu.memory_space<vmem_shared>> -> memref<2048xf32, #tpu.memory_space<vmem_shared>>
      %dma_start3A_225 = tpu.memref_slice %arg30[%add3A_11] : memref<163840xf32, #tpu.memory_space<vmem_shared>> -> memref<2048xf32, #tpu.memory_space<vmem_shared>>
      tpu.enqueue_dma source(%arg28 : memref<2048xf32, #tpu.memory_space<vmem>>) target(%dma_start3A_225 : memref<2048xf32, #tpu.memory_space<vmem_shared>>) target_semaphore(%run_scoped3A : memref<!tpu.dma_semaphore, #tpu.memory_space<semaphore_mem>>)
      %dma_wait3A_226 = tpu.memref_slice %arg30[%add3A_11] : memref<163840xf32, #tpu.memory_space<vmem_shared>> -> memref<2048xf32, #tpu.memory_space<vmem_shared>>
      %dma_wait3A_227 = tpu.memref_slice %arg30[%add3A_11] : memref<163840xf32, #tpu.memory_space<vmem_shared>> -> memref<2048xf32, #tpu.memory_space<vmem_shared>>
      tpu.wait_dma2 semaphore(%run_scoped3A : memref<!tpu.dma_semaphore, #tpu.memory_space<semaphore_mem>>) src(%arg28 : memref<2048xf32, #tpu.memory_space<vmem>>) dst(%dma_wait3A_227 : memref<2048xf32, #tpu.memory_space<vmem_shared>>)
      tpu.yield
    }) : () -> ()
    %mul3A_12 = arith.constant 10240 : i32
    %mul3A_13 = arith.muli %arg1, %mul3A_12 : i32
    %add3A_14 = arith.constant 6144 : i32
    %add3A_15 = arith.addi %mul3A_13, %add3A_14 : i32
    "tpu.region"() ({
      %run_scoped3A = tpu.sem_alloc : memref<!tpu.dma_semaphore, #tpu.memory_space<semaphore_mem>>
      %dma_start3A_224 = tpu.memref_slice %arg30[%add3A_15] : memref<163840xf32, #tpu.memory_space<vmem_shared>> -> memref<2048xf32, #tpu.memory_space<vmem_shared>>
      %dma_start3A_225 = tpu.memref_slice %arg30[%add3A_15] : memref<163840xf32, #tpu.memory_space<vmem_shared>> -> memref<2048xf32, #tpu.memory_space<vmem_shared>>
      tpu.enqueue_dma source(%arg28 : memref<2048xf32, #tpu.memory_space<vmem>>) target(%dma_start3A_225 : memref<2048xf32, #tpu.memory_space<vmem_shared>>) target_semaphore(%run_scoped3A : memref<!tpu.dma_semaphore, #tpu.memory_space<semaphore_mem>>)
      %dma_wait3A_226 = tpu.memref_slice %arg30[%add3A_15] : memref<163840xf32, #tpu.memory_space<vmem_shared>> -> memref<2048xf32, #tpu.memory_space<vmem_shared>>
      %dma_wait3A_227 = tpu.memref_slice %arg30[%add3A_15] : memref<163840xf32, #tpu.memory_space<vmem_shared>> -> memref<2048xf32, #tpu.memory_space<vmem_shared>>
      tpu.wait_dma2 semaphore(%run_scoped3A : memref<!tpu.dma_semaphore, #tpu.memory_space<semaphore_mem>>) src(%arg28 : memref<2048xf32, #tpu.memory_space<vmem>>) dst(%dma_wait3A_227 : memref<2048xf32, #tpu.memory_space<vmem_shared>>)
      tpu.yield
    }) : () -> ()
    %mul3A_16 = arith.constant 10240 : i32
    %mul3A_17 = arith.muli %arg1, %mul3A_16 : i32
    %add3A_18 = arith.constant 8192 : i32
    %add3A_19 = arith.addi %mul3A_17, %add3A_18 : i32
    "tpu.region"() ({
      %run_scoped3A = tpu.sem_alloc : memref<!tpu.dma_semaphore, #tpu.memory_space<semaphore_mem>>
      %dma_start3A_224 = tpu.memref_slice %arg30[%add3A_19] : memref<163840xf32, #tpu.memory_space<vmem_shared>> -> memref<2048xf32, #tpu.memory_space<vmem_shared>>
      %dma_start3A_225 = tpu.memref_slice %arg30[%add3A_19] : memref<163840xf32, #tpu.memory_space<vmem_shared>> -> memref<2048xf32, #tpu.memory_space<vmem_shared>>
      tpu.enqueue_dma source(%arg28 : memref<2048xf32, #tpu.memory_space<vmem>>) target(%dma_start3A_225 : memref<2048xf32, #tpu.memory_space<vmem_shared>>) target_semaphore(%run_scoped3A : memref<!tpu.dma_semaphore, #tpu.memory_space<semaphore_mem>>)
      %dma_wait3A_226 = tpu.memref_slice %arg30[%add3A_19] : memref<163840xf32, #tpu.memory_space<vmem_shared>> -> memref<2048xf32, #tpu.memory_space<vmem_shared>>
      %dma_wait3A_227 = tpu.memref_slice %arg30[%add3A_19] : memref<163840xf32, #tpu.memory_space<vmem_shared>> -> memref<2048xf32, #tpu.memory_space<vmem_shared>>
      tpu.wait_dma2 semaphore(%run_scoped3A : memref<!tpu.dma_semaphore, #tpu.memory_space<semaphore_mem>>) src(%arg28 : memref<2048xf32, #tpu.memory_space<vmem>>) dst(%dma_wait3A_227 : memref<2048xf32, #tpu.memory_space<vmem_shared>>)
      tpu.yield
    }) : () -> ()
    %broadcast_in_dim3A = arith.constant 1.000000e+00 : f32
    %broadcast_in_dim3A_20 = vector.broadcast %broadcast_in_dim3A : f32 to vector<16xf32>
    %swap3A = arith.constant 0 : index
    %swap3A_21 = tpu.vector_load %arg27[%swap3A] {strides = array<i32>} : memref<128xf32, #tpu.memory_space<vmem>>, vector<16xf32>,
    %swap3A_22 = vector.shape_cast %swap3A_21 : vector<16xf32> to vector<16xf32>
    %swap3A_23 = vector.shape_cast %broadcast_in_dim3A_20 : vector<16xf32> to vector<16xf32>
    tpu.vector_store %arg27[%swap3A], %swap3A_23 {strides = array<i32>} : memref<128xf32, #tpu.memory_space<vmem>>, vector<16xf32>,
    %broadcast_in_dim3A_24 = arith.constant 1.000000e+00 : f32
    %broadcast_in_dim3A_25 = vector.broadcast %broadcast_in_dim3A_24 : f32 to vector<16xf32>
    %swap3A_26 = arith.constant 16 : index
    %swap3A_27 = tpu.vector_load %arg27[%swap3A_26] {strides = array<i32>} : memref<128xf32, #tpu.memory_space<vmem>>, vector<16xf32>,
    %swap3A_28 = vector.shape_cast %swap3A_27 : vector<16xf32> to vector<16xf32>
    %swap3A_29 = vector.shape_cast %broadcast_in_dim3A_25 : vector<16xf32> to vector<16xf32>
    tpu.vector_store %arg27[%swap3A_26], %swap3A_29 {strides = array<i32>} : memref<128xf32, #tpu.memory_space<vmem>>, vector<16xf32>,
    %broadcast_in_dim3A_30 = arith.constant 1.000000e+00 : f32
    %broadcast_in_dim3A_31 = vector.broadcast %broadcast_in_dim3A_30 : f32 to vector<16xf32>
    %swap3A_32 = arith.constant 32 : index
    %swap3A_33 = tpu.vector_load %arg27[%swap3A_32] {strides = array<i32>} : memref<128xf32, #tpu.memory_space<vmem>>, vector<16xf32>,
    %swap3A_34 = vector.shape_cast %swap3A_33 : vector<16xf32> to vector<16xf32>
    %swap3A_35 = vector.shape_cast %broadcast_in_dim3A_31 : vector<16xf32> to vector<16xf32>
    tpu.vector_store %arg27[%swap3A_32], %swap3A_35 {strides = array<i32>} : memref<128xf32, #tpu.memory_space<vmem>>, vector<16xf32>,
    %broadcast_in_dim3A_36 = arith.constant 1.000000e+00 : f32
    %broadcast_in_dim3A_37 = vector.broadcast %broadcast_in_dim3A_36 : f32 to vector<16xf32>
    %swap3A_38 = arith.constant 48 : index
    %swap3A_39 = tpu.vector_load %arg27[%swap3A_38] {strides = array<i32>} : memref<128xf32, #tpu.memory_space<vmem>>, vector<16xf32>,
    %swap3A_40 = vector.shape_cast %swap3A_39 : vector<16xf32> to vector<16xf32>
    %swap3A_41 = vector.shape_cast %broadcast_in_dim3A_37 : vector<16xf32> to vector<16xf32>
    tpu.vector_store %arg27[%swap3A_38], %swap3A_41 {strides = array<i32>} : memref<128xf32, #tpu.memory_space<vmem>>, vector<16xf32>,
    %broadcast_in_dim3A_42 = arith.constant 1.000000e+00 : f32
    %broadcast_in_dim3A_43 = vector.broadcast %broadcast_in_dim3A_42 : f32 to vector<16xf32>
    %swap3A_44 = arith.constant 64 : index
    %swap3A_45 = tpu.vector_load %arg27[%swap3A_44] {strides = array<i32>} : memref<128xf32, #tpu.memory_space<vmem>>, vector<16xf32>,
    %swap3A_46 = vector.shape_cast %swap3A_45 : vector<16xf32> to vector<16xf32>
    %swap3A_47 = vector.shape_cast %broadcast_in_dim3A_43 : vector<16xf32> to vector<16xf32>
    tpu.vector_store %arg27[%swap3A_44], %swap3A_47 {strides = array<i32>} : memref<128xf32, #tpu.memory_space<vmem>>, vector<16xf32>,
    %broadcast_in_dim3A_48 = arith.constant 1.000000e+00 : f32
    %broadcast_in_dim3A_49 = vector.broadcast %broadcast_in_dim3A_48 : f32 to vector<16xf32>
    %swap3A_50 = arith.constant 80 : index
    %swap3A_51 = tpu.vector_load %arg27[%swap3A_50] {strides = array<i32>} : memref<128xf32, #tpu.memory_space<vmem>>, vector<16xf32>,
    %swap3A_52 = vector.shape_cast %swap3A_51 : vector<16xf32> to vector<16xf32>
    %swap3A_53 = vector.shape_cast %broadcast_in_dim3A_49 : vector<16xf32> to vector<16xf32>
    tpu.vector_store %arg27[%swap3A_50], %swap3A_53 {strides = array<i32>} : memref<128xf32, #tpu.memory_space<vmem>>, vector<16xf32>,
    %broadcast_in_dim3A_54 = arith.constant 1.000000e+00 : f32
    %broadcast_in_dim3A_55 = vector.broadcast %broadcast_in_dim3A_54 : f32 to vector<16xf32>
    %swap3A_56 = arith.constant 96 : index
    %swap3A_57 = tpu.vector_load %arg27[%swap3A_56] {strides = array<i32>} : memref<128xf32, #tpu.memory_space<vmem>>, vector<16xf32>,
    %swap3A_58 = vector.shape_cast %swap3A_57 : vector<16xf32> to vector<16xf32>
    %swap3A_59 = vector.shape_cast %broadcast_in_dim3A_55 : vector<16xf32> to vector<16xf32>
    tpu.vector_store %arg27[%swap3A_56], %swap3A_59 {strides = array<i32>} : memref<128xf32, #tpu.memory_space<vmem>>, vector<16xf32>,
    %broadcast_in_dim3A_60 = arith.constant 1.000000e+00 : f32
    %broadcast_in_dim3A_61 = vector.broadcast %broadcast_in_dim3A_60 : f32 to vector<16xf32>
    %swap3A_62 = arith.constant 112 : index
    %swap3A_63 = tpu.vector_load %arg27[%swap3A_62] {strides = array<i32>} : memref<128xf32, #tpu.memory_space<vmem>>, vector<16xf32>,
    %swap3A_64 = vector.shape_cast %swap3A_63 : vector<16xf32> to vector<16xf32>
    %swap3A_65 = vector.shape_cast %broadcast_in_dim3A_61 : vector<16xf32> to vector<16xf32>
    tpu.vector_store %arg27[%swap3A_62], %swap3A_65 {strides = array<i32>} : memref<128xf32, #tpu.memory_space<vmem>>, vector<16xf32>,
    %mul3A_66 = arith.constant 10240 : i32
    %mul3A_67 = arith.muli %arg1, %mul3A_66 : i32
    %mul3A_68 = arith.constant 163840 : i32
    %mul3A_69 = arith.muli %arg0, %mul3A_68 : i32
    %add3A_70 = arith.addi %mul3A_69, %mul3A_67 : i32
    %barrier3A = arith.constant 0 : index
    tpu.barrier barrier_id(%barrier3A)
    %add3A_71 = arith.constant 0 : i32
    %add3A_72 = arith.addi %add3A_70, %add3A_71 : i32
    %dma_start3A = tpu.memref_slice %arg2[%add3A_72] : memref<327680xi32, #tpu.memory_space<hbm>> -> memref<128xi32, #tpu.memory_space<hbm>>
    %dma_start3A_73 = tpu.memref_slice %arg2[%add3A_72] : memref<327680xi32, #tpu.memory_space<hbm>> -> memref<128xi32, #tpu.memory_space<hbm>>
    tpu.enqueue_dma source(%dma_start3A_73 : memref<128xi32, #tpu.memory_space<hbm>>) target(%arg13 : memref<128xi32, #tpu.memory_space<vmem>>) target_semaphore(%arg33 : memref<!tpu.dma_semaphore, #tpu.memory_space<semaphore_mem>>)
    %add3A_74 = arith.constant 0 : i32
    %add3A_75 = arith.addi %mul3A_67, %add3A_74 : i32
    %dma_start3A_76 = tpu.memref_slice %arg3[%add3A_75] : memref<163840xi32, #tpu.memory_space<hbm>> -> memref<128xi32, #tpu.memory_space<hbm>>
    %dma_start3A_77 = tpu.memref_slice %arg3[%add3A_75] : memref<163840xi32, #tpu.memory_space<hbm>> -> memref<128xi32, #tpu.memory_space<hbm>>
    tpu.enqueue_dma source(%dma_start3A_77 : memref<128xi32, #tpu.memory_space<hbm>>) target(%arg17 : memref<128xi32, #tpu.memory_space<vmem>>) target_semaphore(%arg33 : memref<!tpu.dma_semaphore, #tpu.memory_space<semaphore_mem>>)
    %add3A_78 = arith.constant 0 : i32
    %add3A_79 = arith.addi %mul3A_67, %add3A_78 : i32
    %dma_start3A_80 = tpu.memref_slice %arg4[%add3A_79] : memref<163840xi32, #tpu.memory_space<hbm>> -> memref<128xi32, #tpu.memory_space<hbm>>
    %dma_start3A_81 = tpu.memref_slice %arg4[%add3A_79] : memref<163840xi32, #tpu.memory_space<hbm>> -> memref<128xi32, #tpu.memory_space<hbm>>
    tpu.enqueue_dma source(%dma_start3A_81 : memref<128xi32, #tpu.memory_space<hbm>>) target(%arg21 : memref<128xi32, #tpu.memory_space<vmem>>) target_semaphore(%arg33 : memref<!tpu.dma_semaphore, #tpu.memory_space<semaphore_mem>>)
    %add3A_82 = arith.constant 128 : i32
    %add3A_83 = arith.addi %add3A_70, %add3A_82 : i32
    %dma_start3A_84 = tpu.memref_slice %arg2[%add3A_83] : memref<327680xi32, #tpu.memory_space<hbm>> -> memref<128xi32, #tpu.memory_space<hbm>>
    %dma_start3A_85 = tpu.memref_slice %arg2[%add3A_83] : memref<327680xi32, #tpu.memory_space<hbm>> -> memref<128xi32, #tpu.memory_space<hbm>>
    tpu.enqueue_dma source(%dma_start3A_85 : memref<128xi32, #tpu.memory_space<hbm>>) target(%arg14 : memref<128xi32, #tpu.memory_space<vmem>>) target_semaphore(%arg34 : memref<!tpu.dma_semaphore, #tpu.memory_space<semaphore_mem>>)
    %add3A_86 = arith.constant 128 : i32
    %add3A_87 = arith.addi %mul3A_67, %add3A_86 : i32
    %dma_start3A_88 = tpu.memref_slice %arg3[%add3A_87] : memref<163840xi32, #tpu.memory_space<hbm>> -> memref<128xi32, #tpu.memory_space<hbm>>
    %dma_start3A_89 = tpu.memref_slice %arg3[%add3A_87] : memref<163840xi32, #tpu.memory_space<hbm>> -> memref<128xi32, #tpu.memory_space<hbm>>
    tpu.enqueue_dma source(%dma_start3A_89 : memref<128xi32, #tpu.memory_space<hbm>>) target(%arg18 : memref<128xi32, #tpu.memory_space<vmem>>) target_semaphore(%arg34 : memref<!tpu.dma_semaphore, #tpu.memory_space<semaphore_mem>>)
    %add3A_90 = arith.constant 128 : i32
    %add3A_91 = arith.addi %mul3A_67, %add3A_90 : i32
    %dma_start3A_92 = tpu.memref_slice %arg4[%add3A_91] : memref<163840xi32, #tpu.memory_space<hbm>> -> memref<128xi32, #tpu.memory_space<hbm>>
    %dma_start3A_93 = tpu.memref_slice %arg4[%add3A_91] : memref<163840xi32, #tpu.memory_space<hbm>> -> memref<128xi32, #tpu.memory_space<hbm>>
    tpu.enqueue_dma source(%dma_start3A_93 : memref<128xi32, #tpu.memory_space<hbm>>) target(%arg22 : memref<128xi32, #tpu.memory_space<vmem>>) target_semaphore(%arg34 : memref<!tpu.dma_semaphore, #tpu.memory_space<semaphore_mem>>)
    %add3A_94 = arith.constant 256 : i32
    %add3A_95 = arith.addi %add3A_70, %add3A_94 : i32
    %dma_start3A_96 = tpu.memref_slice %arg2[%add3A_95] : memref<327680xi32, #tpu.memory_space<hbm>> -> memref<128xi32, #tpu.memory_space<hbm>>
    %dma_start3A_97 = tpu.memref_slice %arg2[%add3A_95] : memref<327680xi32, #tpu.memory_space<hbm>> -> memref<128xi32, #tpu.memory_space<hbm>>
    tpu.enqueue_dma source(%dma_start3A_97 : memref<128xi32, #tpu.memory_space<hbm>>) target(%arg15 : memref<128xi32, #tpu.memory_space<vmem>>) target_semaphore(%arg35 : memref<!tpu.dma_semaphore, #tpu.memory_space<semaphore_mem>>)
    %add3A_98 = arith.constant 256 : i32
    %add3A_99 = arith.addi %mul3A_67, %add3A_98 : i32
    %dma_start3A_100 = tpu.memref_slice %arg3[%add3A_99] : memref<163840xi32, #tpu.memory_space<hbm>> -> memref<128xi32, #tpu.memory_space<hbm>>
    %dma_start3A_101 = tpu.memref_slice %arg3[%add3A_99] : memref<163840xi32, #tpu.memory_space<hbm>> -> memref<128xi32, #tpu.memory_space<hbm>>
    tpu.enqueue_dma source(%dma_start3A_101 : memref<128xi32, #tpu.memory_space<hbm>>) target(%arg19 : memref<128xi32, #tpu.memory_space<vmem>>) target_semaphore(%arg35 : memref<!tpu.dma_semaphore, #tpu.memory_space<semaphore_mem>>)
    %add3A_102 = arith.constant 256 : i32
    %add3A_103 = arith.addi %mul3A_67, %add3A_102 : i32
    %dma_start3A_104 = tpu.memref_slice %arg4[%add3A_103] : memref<163840xi32, #tpu.memory_space<hbm>> -> memref<128xi32, #tpu.memory_space<hbm>>
    %dma_start3A_105 = tpu.memref_slice %arg4[%add3A_103] : memref<163840xi32, #tpu.memory_space<hbm>> -> memref<128xi32, #tpu.memory_space<hbm>>
    tpu.enqueue_dma source(%dma_start3A_105 : memref<128xi32, #tpu.memory_space<hbm>>) target(%arg23 : memref<128xi32, #tpu.memory_space<vmem>>) target_semaphore(%arg35 : memref<!tpu.dma_semaphore, #tpu.memory_space<semaphore_mem>>)
    %add3A_106 = arith.constant 384 : i32
    %add3A_107 = arith.addi %add3A_70, %add3A_106 : i32
    %dma_start3A_108 = tpu.memref_slice %arg2[%add3A_107] : memref<327680xi32, #tpu.memory_space<hbm>> -> memref<128xi32, #tpu.memory_space<hbm>>
    %dma_start3A_109 = tpu.memref_slice %arg2[%add3A_107] : memref<327680xi32, #tpu.memory_space<hbm>> -> memref<128xi32, #tpu.memory_space<hbm>>
    tpu.enqueue_dma source(%dma_start3A_109 : memref<128xi32, #tpu.memory_space<hbm>>) target(%arg16 : memref<128xi32, #tpu.memory_space<vmem>>) target_semaphore(%arg36 : memref<!tpu.dma_semaphore, #tpu.memory_space<semaphore_mem>>)
    %add3A_110 = arith.constant 384 : i32
    %add3A_111 = arith.addi %mul3A_67, %add3A_110 : i32
    %dma_start3A_112 = tpu.memref_slice %arg3[%add3A_111] : memref<163840xi32, #tpu.memory_space<hbm>> -> memref<128xi32, #tpu.memory_space<hbm>>
    %dma_start3A_113 = tpu.memref_slice %arg3[%add3A_111] : memref<163840xi32, #tpu.memory_space<hbm>> -> memref<128xi32, #tpu.memory_space<hbm>>
    tpu.enqueue_dma source(%dma_start3A_113 : memref<128xi32, #tpu.memory_space<hbm>>) target(%arg20 : memref<128xi32, #tpu.memory_space<vmem>>) target_semaphore(%arg36 : memref<!tpu.dma_semaphore, #tpu.memory_space<semaphore_mem>>)
    %add3A_114 = arith.constant 384 : i32
    %add3A_115 = arith.addi %mul3A_67, %add3A_114 : i32
    %dma_start3A_116 = tpu.memref_slice %arg4[%add3A_115] : memref<163840xi32, #tpu.memory_space<hbm>> -> memref<128xi32, #tpu.memory_space<hbm>>
    %dma_start3A_117 = tpu.memref_slice %arg4[%add3A_115] : memref<163840xi32, #tpu.memory_space<hbm>> -> memref<128xi32, #tpu.memory_space<hbm>>
    tpu.enqueue_dma source(%dma_start3A_117 : memref<128xi32, #tpu.memory_space<hbm>>) target(%arg24 : memref<128xi32, #tpu.memory_space<vmem>>) target_semaphore(%arg36 : memref<!tpu.dma_semaphore, #tpu.memory_space<semaphore_mem>>)
    %dma_wait3A = arith.constant 0 : i32
    %dma_wait3A_118 = tpu.memref_slice %arg3[%dma_wait3A] : memref<163840xi32, #tpu.memory_space<hbm>> -> memref<128xi32, #tpu.memory_space<hbm>>
    %dma_wait3A_119 = arith.constant 0 : i32
    %dma_wait3A_120 = tpu.memref_slice %arg3[%dma_wait3A_119] : memref<163840xi32, #tpu.memory_space<hbm>> -> memref<128xi32, #tpu.memory_space<hbm>>
    tpu.wait_dma2 semaphore(%arg33 : memref<!tpu.dma_semaphore, #tpu.memory_space<semaphore_mem>>) src(%dma_wait3A_120 : memref<128xi32, #tpu.memory_space<hbm>>) dst(%arg17 : memref<128xi32, #tpu.memory_space<vmem>>)
    %dma_wait3A_121 = arith.constant 0 : i32
    %dma_wait3A_122 = tpu.memref_slice %arg3[%dma_wait3A_121] : memref<163840xi32, #tpu.memory_space<hbm>> -> memref<128xi32, #tpu.memory_space<hbm>>
    %dma_wait3A_123 = arith.constant 0 : i32
    %dma_wait3A_124 = tpu.memref_slice %arg3[%dma_wait3A_123] : memref<163840xi32, #tpu.memory_space<hbm>> -> memref<128xi32, #tpu.memory_space<hbm>>
    tpu.wait_dma2 semaphore(%arg33 : memref<!tpu.dma_semaphore, #tpu.memory_space<semaphore_mem>>) src(%dma_wait3A_124 : memref<128xi32, #tpu.memory_space<hbm>>) dst(%arg17 : memref<128xi32, #tpu.memory_space<vmem>>)
    %dma_wait3A_125 = arith.constant 0 : i32
    %dma_wait3A_126 = tpu.memref_slice %arg3[%dma_wait3A_125] : memref<163840xi32, #tpu.memory_space<hbm>> -> memref<128xi32, #tpu.memory_space<hbm>>
    %dma_wait3A_127 = arith.constant 0 : i32
    %dma_wait3A_128 = tpu.memref_slice %arg3[%dma_wait3A_127] : memref<163840xi32, #tpu.memory_space<hbm>> -> memref<128xi32, #tpu.memory_space<hbm>>
    tpu.wait_dma2 semaphore(%arg33 : memref<!tpu.dma_semaphore, #tpu.memory_space<semaphore_mem>>) src(%dma_wait3A_128 : memref<128xi32, #tpu.memory_space<hbm>>) dst(%arg17 : memref<128xi32, #tpu.memory_space<vmem>>)
    %dma_start3A_129 = arith.constant 0 : i32
    %dma_start3A_130 = arith.constant 0 : i32
    %dma_start3A_131 = tpu.memref_slice %arg5[%dma_start3A_129, %dma_start3A_130] : memref<20000x128xf32, #tpu.memory_space<hbm>> -> memref<20000x128xf32, #tpu.memory_space<hbm>>
    tpu.enqueue_indirect_dma source(%dma_start3A_131 : memref<20000x128xf32, #tpu.memory_space<hbm>>) target(%arg11 : memref<128x128xf32, #tpu.memory_space<vmem>>) offsets(%arg13 : memref<128xi32, #tpu.memory_space<vmem>>) semaphore(%arg31 : memref<!tpu.dma_semaphore, #tpu.memory_space<semaphore_mem>>)
    %scan3A = arith.constant 0 : i32
    %scan3A_132 = arith.constant 0 : i32
    %scan3A_133 = arith.constant 20 : i32
    %scan3A_134 = arith.addi %scan3A_132, %scan3A_133 : i32
    %scan3A_135 = arith.constant 1 : i32
    scf.for %scan3A_224 = %scan3A_132 to %scan3A_134 step %scan3A_135  : i32 {
      %mul3A_225 = arith.constant 4 : i32
      %mul3A_226 = arith.muli %scan3A_224, %mul3A_225 : i32
      %add3A_227 = arith.constant 0 : i32
      %add3A_228 = arith.addi %mul3A_226, %add3A_227 : i32
      %ge3A = arith.constant 1 : i32
      %ge3A_229 = arith.cmpi sge, %add3A_228, %ge3A : i32
      %convert_element_type3A_230 = arith.extui %ge3A_229 : i1 to i32
      %cond3A_231 = arith.constant 0 : i32
      %cond3A_232 = arith.cmpi ne, %convert_element_type3A_230, %cond3A_231 : i32
      scf.if %cond3A_232 {
        %dma_wait3A_332 = arith.constant 0 : i32
        %dma_wait3A_333 = arith.constant 0 : i32
        %dma_wait3A_334 = tpu.memref_slice %arg6[%dma_wait3A_332, %dma_wait3A_333] : memref<640x128xf32, #tpu.memory_space<hbm>> -> memref<128x128xf32, #tpu.memory_space<hbm>>
        %dma_wait3A_335 = arith.constant 0 : i32
        %dma_wait3A_336 = arith.constant 0 : i32
        %dma_wait3A_337 = tpu.memref_slice %arg6[%dma_wait3A_335, %dma_wait3A_336] : memref<640x128xf32, #tpu.memory_space<hbm>> -> memref<128x128xf32, #tpu.memory_space<hbm>>
        tpu.wait_dma2 semaphore(%arg38 : memref<!tpu.dma_semaphore, #tpu.memory_space<semaphore_mem>>) src(%dma_wait3A_337 : memref<128x128xf32, #tpu.memory_space<hbm>>) dst(%arg12 : memref<128x128xf32, #tpu.memory_space<vmem>>)
        %add3A_338 = arith.constant 3 : i32
        %add3A_339 = arith.addi %add3A_228, %add3A_338 : i32
        %lt3A_340 = arith.constant 80 : i32
        %lt3A_341 = arith.cmpi slt, %add3A_339, %lt3A_340 : i32
        %convert_element_type3A_342 = arith.extui %lt3A_341 : i1 to i32
        %cond3A_343 = arith.constant 0 : i32
        %cond3A_344 = arith.cmpi ne, %convert_element_type3A_342, %cond3A_343 : i32
        scf.if %cond3A_344 {
          %add3A_345 = arith.constant 3 : i32
          %add3A_346 = arith.addi %add3A_228, %add3A_345 : i32
          %mul3A_347 = arith.constant 128 : i32
          %mul3A_348 = arith.muli %add3A_346, %mul3A_347 : i32
          %add3A_349 = arith.addi %add3A_70, %mul3A_348 : i32
          %dma_start3A_350 = tpu.memref_slice %arg2[%add3A_349] : memref<327680xi32, #tpu.memory_space<hbm>> -> memref<128xi32, #tpu.memory_space<hbm>>
          %dma_start3A_351 = tpu.memref_slice %arg2[%add3A_349] : memref<327680xi32, #tpu.memory_space<hbm>> -> memref<128xi32, #tpu.memory_space<hbm>>
          tpu.enqueue_dma source(%dma_start3A_351 : memref<128xi32, #tpu.memory_space<hbm>>) target(%arg16 : memref<128xi32, #tpu.memory_space<vmem>>) target_semaphore(%arg36 : memref<!tpu.dma_semaphore, #tpu.memory_space<semaphore_mem>>)
          %mul3A_352 = arith.constant 128 : i32
          %mul3A_353 = arith.muli %add3A_346, %mul3A_352 : i32
          %add3A_354 = arith.addi %mul3A_67, %mul3A_353 : i32
          %dma_start3A_355 = tpu.memref_slice %arg3[%add3A_354] : memref<163840xi32, #tpu.memory_space<hbm>> -> memref<128xi32, #tpu.memory_space<hbm>>
          %dma_start3A_356 = tpu.memref_slice %arg3[%add3A_354] : memref<163840xi32, #tpu.memory_space<hbm>> -> memref<128xi32, #tpu.memory_space<hbm>>
          tpu.enqueue_dma source(%dma_start3A_356 : memref<128xi32, #tpu.memory_space<hbm>>) target(%arg20 : memref<128xi32, #tpu.memory_space<vmem>>) target_semaphore(%arg36 : memref<!tpu.dma_semaphore, #tpu.memory_space<semaphore_mem>>)
          %mul3A_357 = arith.constant 128 : i32
          %mul3A_358 = arith.muli %add3A_346, %mul3A_357 : i32
          %add3A_359 = arith.addi %mul3A_67, %mul3A_358 : i32
          %dma_start3A_360 = tpu.memref_slice %arg4[%add3A_359] : memref<163840xi32, #tpu.memory_space<hbm>> -> memref<128xi32, #tpu.memory_space<hbm>>
          %dma_start3A_361 = tpu.memref_slice %arg4[%add3A_359] : memref<163840xi32, #tpu.memory_space<hbm>> -> memref<128xi32, #tpu.memory_space<hbm>>
          tpu.enqueue_dma source(%dma_start3A_361 : memref<128xi32, #tpu.memory_space<hbm>>) target(%arg24 : memref<128xi32, #tpu.memory_space<vmem>>) target_semaphore(%arg36 : memref<!tpu.dma_semaphore, #tpu.memory_space<semaphore_mem>>)
        } else {
        }
      } else {
      }
      %add3A_233 = arith.constant 1 : i32
      %add3A_234 = arith.addi %add3A_228, %add3A_233 : i32
      %lt3A_235 = arith.constant 80 : i32
      %lt3A_236 = arith.cmpi slt, %add3A_234, %lt3A_235 : i32
      %convert_element_type3A_237 = arith.extui %lt3A_236 : i1 to i32
      %cond3A_238 = arith.constant 0 : i32
      %cond3A_239 = arith.cmpi ne, %convert_element_type3A_237, %cond3A_238 : i32
      scf.if %cond3A_239 {
        %dma_wait3A_332 = arith.constant 0 : i32
        %dma_wait3A_333 = tpu.memref_slice %arg3[%dma_wait3A_332] : memref<163840xi32, #tpu.memory_space<hbm>> -> memref<128xi32, #tpu.memory_space<hbm>>
        %dma_wait3A_334 = arith.constant 0 : i32
        %dma_wait3A_335 = tpu.memref_slice %arg3[%dma_wait3A_334] : memref<163840xi32, #tpu.memory_space<hbm>> -> memref<128xi32, #tpu.memory_space<hbm>>
        tpu.wait_dma2 semaphore(%arg34 : memref<!tpu.dma_semaphore, #tpu.memory_space<semaphore_mem>>) src(%dma_wait3A_335 : memref<128xi32, #tpu.memory_space<hbm>>) dst(%arg18 : memref<128xi32, #tpu.memory_space<vmem>>)
        %dma_wait3A_336 = arith.constant 0 : i32
        %dma_wait3A_337 = tpu.memref_slice %arg3[%dma_wait3A_336] : memref<163840xi32, #tpu.memory_space<hbm>> -> memref<128xi32, #tpu.memory_space<hbm>>
        %dma_wait3A_338 = arith.constant 0 : i32
        %dma_wait3A_339 = tpu.memref_slice %arg3[%dma_wait3A_338] : memref<163840xi32, #tpu.memory_space<hbm>> -> memref<128xi32, #tpu.memory_space<hbm>>
        tpu.wait_dma2 semaphore(%arg34 : memref<!tpu.dma_semaphore, #tpu.memory_space<semaphore_mem>>) src(%dma_wait3A_339 : memref<128xi32, #tpu.memory_space<hbm>>) dst(%arg18 : memref<128xi32, #tpu.memory_space<vmem>>)
        %dma_wait3A_340 = arith.constant 0 : i32
        %dma_wait3A_341 = tpu.memref_slice %arg3[%dma_wait3A_340] : memref<163840xi32, #tpu.memory_space<hbm>> -> memref<128xi32, #tpu.memory_space<hbm>>
        %dma_wait3A_342 = arith.constant 0 : i32
        %dma_wait3A_343 = tpu.memref_slice %arg3[%dma_wait3A_342] : memref<163840xi32, #tpu.memory_space<hbm>> -> memref<128xi32, #tpu.memory_space<hbm>>
        tpu.wait_dma2 semaphore(%arg34 : memref<!tpu.dma_semaphore, #tpu.memory_space<semaphore_mem>>) src(%dma_wait3A_343 : memref<128xi32, #tpu.memory_space<hbm>>) dst(%arg18 : memref<128xi32, #tpu.memory_space<vmem>>)
        %add3A_344 = arith.constant 1 : i32
        %add3A_345 = arith.addi %add3A_228, %add3A_344 : i32
        %dma_start3A_346 = arith.constant 0 : i32
        %dma_start3A_347 = arith.constant 0 : i32
        %dma_start3A_348 = tpu.memref_slice %arg5[%dma_start3A_346, %dma_start3A_347] : memref<20000x128xf32, #tpu.memory_space<hbm>> -> memref<20000x128xf32, #tpu.memory_space<hbm>>
        tpu.enqueue_indirect_dma source(%dma_start3A_348 : memref<20000x128xf32, #tpu.memory_space<hbm>>) target(%arg12 : memref<128x128xf32, #tpu.memory_space<vmem>>) offsets(%arg14 : memref<128xi32, #tpu.memory_space<vmem>>) semaphore(%arg32 : memref<!tpu.dma_semaphore, #tpu.memory_space<semaphore_mem>>)
      } else {
      }
      %dma_wait3A_240 = arith.constant 0 : i32
      %dma_wait3A_241 = arith.constant 0 : i32
      %dma_wait3A_242 = tpu.memref_slice %arg5[%dma_wait3A_240, %dma_wait3A_241] : memref<20000x128xf32, #tpu.memory_space<hbm>> -> memref<20000x128xf32, #tpu.memory_space<hbm>>
      tpu.wait_indirect_dma semaphore(%arg31 : memref<!tpu.dma_semaphore, #tpu.memory_space<semaphore_mem>>) src(%dma_wait3A_242 : memref<20000x128xf32, #tpu.memory_space<hbm>>) dst(%arg11 : memref<128x128xf32, #tpu.memory_space<vmem>>)
      %eq3A_243 = arith.constant 0 : i32
      %eq3A_244 = arith.cmpi eq, %arg0, %eq3A_243 : i32
      %convert_element_type3A_245 = arith.extui %eq3A_244 : i1 to i32
      %cond3A_246 = arith.constant 0 : i32
      %cond3A_247 = arith.cmpi ne, %convert_element_type3A_245, %cond3A_246 : i32
      scf.if %cond3A_247 {
        %ge3A_332 = arith.constant 2 : i32
        %ge3A_333 = arith.cmpi sge, %add3A_228, %ge3A_332 : i32
        %convert_element_type3A_334 = arith.extui %ge3A_333 : i1 to i32
        %cond3A_335 = arith.constant 0 : i32
        %cond3A_336 = arith.cmpi ne, %convert_element_type3A_334, %cond3A_335 : i32
        scf.if %cond3A_336 {
          %dma_wait3A_450 = arith.constant 0 : i32
          %dma_wait3A_451 = tpu.memref_slice %arg7[%dma_wait3A_450] : memref<2048xf32, #tpu.memory_space<hbm>> -> memref<128xf32, #tpu.memory_space<hbm>>
          %dma_wait3A_452 = arith.constant 0 : i32
          %dma_wait3A_453 = tpu.memref_slice %arg7[%dma_wait3A_452] : memref<2048xf32, #tpu.memory_space<hbm>> -> memref<128xf32, #tpu.memory_space<hbm>>
          tpu.wait_dma2 semaphore(%arg39 : memref<!tpu.dma_semaphore, #tpu.memory_space<semaphore_mem>>) src(%dma_wait3A_453 : memref<128xf32, #tpu.memory_space<hbm>>) dst(%arg27 : memref<128xf32, #tpu.memory_space<vmem>>)
        } else {
        }
        %get3A = arith.constant 0 : index
        %get3A_337 = tpu.vector_load %arg17[%get3A] {strides = array<i32>} : memref<128xi32, #tpu.memory_space<vmem>>, vector<16xi32>,
        %get3A_338 = vector.shape_cast %get3A_337 : vector<16xi32> to vector<16xi32>
        %mul3A_339 = arith.constant 16 : i32
        %mul3A_340 = vector.broadcast %mul3A_339 : i32 to vector<16xi32>
        %mul3A_341 = arith.muli %get3A_338, %mul3A_340 : vector<16xi32>
        %get3A_342 = arith.constant 0 : index
        %get3A_343 = tpu.vector_load %arg21[%get3A_342] {strides = array<i32>} : memref<128xi32, #tpu.memory_space<vmem>>, vector<16xi32>,
        %get3A_344 = vector.shape_cast %get3A_343 : vector<16xi32> to vector<16xi32>
        %add3A_345 = arith.addi %mul3A_341, %get3A_344 : vector<16xi32>
        %swap3A_346 = arith.constant 0 : index
        %swap3A_347 = tpu.vector_load %arg25[%swap3A_346] {strides = array<i32>} : memref<128xi32, #tpu.memory_space<vmem>>, vector<16xi32>,
        %swap3A_348 = vector.shape_cast %swap3A_347 : vector<16xi32> to vector<16xi32>
        %swap3A_349 = vector.shape_cast %add3A_345 : vector<16xi32> to vector<16xi32>
        tpu.vector_store %arg25[%swap3A_346], %swap3A_349 {strides = array<i32>} : memref<128xi32, #tpu.memory_space<vmem>>, vector<16xi32>,
        %get3A_350 = arith.constant 16 : index
        %get3A_351 = tpu.vector_load %arg17[%get3A_350] {strides = array<i32>} : memref<128xi32, #tpu.memory_space<vmem>>, vector<16xi32>,
        %get3A_352 = vector.shape_cast %get3A_351 : vector<16xi32> to vector<16xi32>
        %mul3A_353 = arith.constant 16 : i32
        %mul3A_354 = vector.broadcast %mul3A_353 : i32 to vector<16xi32>
        %mul3A_355 = arith.muli %get3A_352, %mul3A_354 : vector<16xi32>
        %get3A_356 = arith.constant 16 : index
        %get3A_357 = tpu.vector_load %arg21[%get3A_356] {strides = array<i32>} : memref<128xi32, #tpu.memory_space<vmem>>, vector<16xi32>,
        %get3A_358 = vector.shape_cast %get3A_357 : vector<16xi32> to vector<16xi32>
        %add3A_359 = arith.addi %mul3A_355, %get3A_358 : vector<16xi32>
        %swap3A_360 = arith.constant 16 : index
        %swap3A_361 = tpu.vector_load %arg25[%swap3A_360] {strides = array<i32>} : memref<128xi32, #tpu.memory_space<vmem>>, vector<16xi32>,
        %swap3A_362 = vector.shape_cast %swap3A_361 : vector<16xi32> to vector<16xi32>
        %swap3A_363 = vector.shape_cast %add3A_359 : vector<16xi32> to vector<16xi32>
        tpu.vector_store %arg25[%swap3A_360], %swap3A_363 {strides = array<i32>} : memref<128xi32, #tpu.memory_space<vmem>>, vector<16xi32>,
        %get3A_364 = arith.constant 32 : index
        %get3A_365 = tpu.vector_load %arg17[%get3A_364] {strides = array<i32>} : memref<128xi32, #tpu.memory_space<vmem>>, vector<16xi32>,
        %get3A_366 = vector.shape_cast %get3A_365 : vector<16xi32> to vector<16xi32>
        %mul3A_367 = arith.constant 16 : i32
        %mul3A_368 = vector.broadcast %mul3A_367 : i32 to vector<16xi32>
        %mul3A_369 = arith.muli %get3A_366, %mul3A_368 : vector<16xi32>
        %get3A_370 = arith.constant 32 : index
        %get3A_371 = tpu.vector_load %arg21[%get3A_370] {strides = array<i32>} : memref<128xi32, #tpu.memory_space<vmem>>, vector<16xi32>,
        %get3A_372 = vector.shape_cast %get3A_371 : vector<16xi32> to vector<16xi32>
        %add3A_373 = arith.addi %mul3A_369, %get3A_372 : vector<16xi32>
        %swap3A_374 = arith.constant 32 : index
        %swap3A_375 = tpu.vector_load %arg25[%swap3A_374] {strides = array<i32>} : memref<128xi32, #tpu.memory_space<vmem>>, vector<16xi32>,
        %swap3A_376 = vector.shape_cast %swap3A_375 : vector<16xi32> to vector<16xi32>
        %swap3A_377 = vector.shape_cast %add3A_373 : vector<16xi32> to vector<16xi32>
        tpu.vector_store %arg25[%swap3A_374], %swap3A_377 {strides = array<i32>} : memref<128xi32, #tpu.memory_space<vmem>>, vector<16xi32>,
        %get3A_378 = arith.constant 48 : index
        %get3A_379 = tpu.vector_load %arg17[%get3A_378] {strides = array<i32>} : memref<128xi32, #tpu.memory_space<vmem>>, vector<16xi32>,
        %get3A_380 = vector.shape_cast %get3A_379 : vector<16xi32> to vector<16xi32>
        %mul3A_381 = arith.constant 16 : i32
        %mul3A_382 = vector.broadcast %mul3A_381 : i32 to vector<16xi32>
        %mul3A_383 = arith.muli %get3A_380, %mul3A_382 : vector<16xi32>
        %get3A_384 = arith.constant 48 : index
        %get3A_385 = tpu.vector_load %arg21[%get3A_384] {strides = array<i32>} : memref<128xi32, #tpu.memory_space<vmem>>, vector<16xi32>,
        %get3A_386 = vector.shape_cast %get3A_385 : vector<16xi32> to vector<16xi32>
        %add3A_387 = arith.addi %mul3A_383, %get3A_386 : vector<16xi32>
        %swap3A_388 = arith.constant 48 : index
        %swap3A_389 = tpu.vector_load %arg25[%swap3A_388] {strides = array<i32>} : memref<128xi32, #tpu.memory_space<vmem>>, vector<16xi32>,
        %swap3A_390 = vector.shape_cast %swap3A_389 : vector<16xi32> to vector<16xi32>
        %swap3A_391 = vector.shape_cast %add3A_387 : vector<16xi32> to vector<16xi32>
        tpu.vector_store %arg25[%swap3A_388], %swap3A_391 {strides = array<i32>} : memref<128xi32, #tpu.memory_space<vmem>>, vector<16xi32>,
        %get3A_392 = arith.constant 64 : index
        %get3A_393 = tpu.vector_load %arg17[%get3A_392] {strides = array<i32>} : memref<128xi32, #tpu.memory_space<vmem>>, vector<16xi32>,
        %get3A_394 = vector.shape_cast %get3A_393 : vector<16xi32> to vector<16xi32>
        %mul3A_395 = arith.constant 16 : i32
        %mul3A_396 = vector.broadcast %mul3A_395 : i32 to vector<16xi32>
        %mul3A_397 = arith.muli %get3A_394, %mul3A_396 : vector<16xi32>
        %get3A_398 = arith.constant 64 : index
        %get3A_399 = tpu.vector_load %arg21[%get3A_398] {strides = array<i32>} : memref<128xi32, #tpu.memory_space<vmem>>, vector<16xi32>,
        %get3A_400 = vector.shape_cast %get3A_399 : vector<16xi32> to vector<16xi32>
        %add3A_401 = arith.addi %mul3A_397, %get3A_400 : vector<16xi32>
        %swap3A_402 = arith.constant 64 : index
        %swap3A_403 = tpu.vector_load %arg25[%swap3A_402] {strides = array<i32>} : memref<128xi32, #tpu.memory_space<vmem>>, vector<16xi32>,
        %swap3A_404 = vector.shape_cast %swap3A_403 : vector<16xi32> to vector<16xi32>
        %swap3A_405 = vector.shape_cast %add3A_401 : vector<16xi32> to vector<16xi32>
        tpu.vector_store %arg25[%swap3A_402], %swap3A_405 {strides = array<i32>} : memref<128xi32, #tpu.memory_space<vmem>>, vector<16xi32>,
        %get3A_406 = arith.constant 80 : index
        %get3A_407 = tpu.vector_load %arg17[%get3A_406] {strides = array<i32>} : memref<128xi32, #tpu.memory_space<vmem>>, vector<16xi32>,
        %get3A_408 = vector.shape_cast %get3A_407 : vector<16xi32> to vector<16xi32>
        %mul3A_409 = arith.constant 16 : i32
        %mul3A_410 = vector.broadcast %mul3A_409 : i32 to vector<16xi32>
        %mul3A_411 = arith.muli %get3A_408, %mul3A_410 : vector<16xi32>
        %get3A_412 = arith.constant 80 : index
        %get3A_413 = tpu.vector_load %arg21[%get3A_412] {strides = array<i32>} : memref<128xi32, #tpu.memory_space<vmem>>, vector<16xi32>,
        %get3A_414 = vector.shape_cast %get3A_413 : vector<16xi32> to vector<16xi32>
        %add3A_415 = arith.addi %mul3A_411, %get3A_414 : vector<16xi32>
        %swap3A_416 = arith.constant 80 : index
        %swap3A_417 = tpu.vector_load %arg25[%swap3A_416] {strides = array<i32>} : memref<128xi32, #tpu.memory_space<vmem>>, vector<16xi32>,
        %swap3A_418 = vector.shape_cast %swap3A_417 : vector<16xi32> to vector<16xi32>
        %swap3A_419 = vector.shape_cast %add3A_415 : vector<16xi32> to vector<16xi32>
        tpu.vector_store %arg25[%swap3A_416], %swap3A_419 {strides = array<i32>} : memref<128xi32, #tpu.memory_space<vmem>>, vector<16xi32>,
        %get3A_420 = arith.constant 96 : index
        %get3A_421 = tpu.vector_load %arg17[%get3A_420] {strides = array<i32>} : memref<128xi32, #tpu.memory_space<vmem>>, vector<16xi32>,
        %get3A_422 = vector.shape_cast %get3A_421 : vector<16xi32> to vector<16xi32>
        %mul3A_423 = arith.constant 16 : i32
        %mul3A_424 = vector.broadcast %mul3A_423 : i32 to vector<16xi32>
        %mul3A_425 = arith.muli %get3A_422, %mul3A_424 : vector<16xi32>
        %get3A_426 = arith.constant 96 : index
        %get3A_427 = tpu.vector_load %arg21[%get3A_426] {strides = array<i32>} : memref<128xi32, #tpu.memory_space<vmem>>, vector<16xi32>,
        %get3A_428 = vector.shape_cast %get3A_427 : vector<16xi32> to vector<16xi32>
        %add3A_429 = arith.addi %mul3A_425, %get3A_428 : vector<16xi32>
        %swap3A_430 = arith.constant 96 : index
        %swap3A_431 = tpu.vector_load %arg25[%swap3A_430] {strides = array<i32>} : memref<128xi32, #tpu.memory_space<vmem>>, vector<16xi32>,
        %swap3A_432 = vector.shape_cast %swap3A_431 : vector<16xi32> to vector<16xi32>
        %swap3A_433 = vector.shape_cast %add3A_429 : vector<16xi32> to vector<16xi32>
        tpu.vector_store %arg25[%swap3A_430], %swap3A_433 {strides = array<i32>} : memref<128xi32, #tpu.memory_space<vmem>>, vector<16xi32>,
        %get3A_434 = arith.constant 112 : index
        %get3A_435 = tpu.vector_load %arg17[%get3A_434] {strides = array<i32>} : memref<128xi32, #tpu.memory_space<vmem>>, vector<16xi32>,
        %get3A_436 = vector.shape_cast %get3A_435 : vector<16xi32> to vector<16xi32>
        %mul3A_437 = arith.constant 16 : i32
        %mul3A_438 = vector.broadcast %mul3A_437 : i32 to vector<16xi32>
        %mul3A_439 = arith.muli %get3A_436, %mul3A_438 : vector<16xi32>
        %get3A_440 = arith.constant 112 : index
        %get3A_441 = tpu.vector_load %arg21[%get3A_440] {strides = array<i32>} : memref<128xi32, #tpu.memory_space<vmem>>, vector<16xi32>,
        %get3A_442 = vector.shape_cast %get3A_441 : vector<16xi32> to vector<16xi32>
        %add3A_443 = arith.addi %mul3A_439, %get3A_442 : vector<16xi32>
        %swap3A_444 = arith.constant 112 : index
        %swap3A_445 = tpu.vector_load %arg25[%swap3A_444] {strides = array<i32>} : memref<128xi32, #tpu.memory_space<vmem>>, vector<16xi32>,
        %swap3A_446 = vector.shape_cast %swap3A_445 : vector<16xi32> to vector<16xi32>
        %swap3A_447 = vector.shape_cast %add3A_443 : vector<16xi32> to vector<16xi32>
        tpu.vector_store %arg25[%swap3A_444], %swap3A_447 {strides = array<i32>} : memref<128xi32, #tpu.memory_space<vmem>>, vector<16xi32>,
        %dma_start3A_448 = arith.constant 0 : i32
        %dma_start3A_449 = tpu.memref_slice %arg30[%dma_start3A_448] : memref<163840xf32, #tpu.memory_space<vmem_shared>> -> memref<163840xf32, #tpu.memory_space<vmem_shared>>
        tpu.enqueue_indirect_dma source(%arg27 : memref<128xf32, #tpu.memory_space<vmem>>) target(%dma_start3A_449 : memref<163840xf32, #tpu.memory_space<vmem_shared>>) offsets(%arg25 : memref<128xi32, #tpu.memory_space<vmem>>) semaphore(%arg39 : memref<!tpu.dma_semaphore, #tpu.memory_space<semaphore_mem>>) {add = true}
      } else {
      }
      %dma_start3A_248 = arith.constant 0 : i32
      %dma_start3A_249 = arith.constant 0 : i32
      %dma_start3A_250 = tpu.memref_slice %arg29[%dma_start3A_248, %dma_start3A_249] : memref<10240x128xf32, #tpu.memory_space<vmem_shared>> -> memref<10240x128xf32, #tpu.memory_space<vmem_shared>>
      tpu.enqueue_indirect_dma source(%arg11 : memref<128x128xf32, #tpu.memory_space<vmem>>) target(%dma_start3A_250 : memref<10240x128xf32, #tpu.memory_space<vmem_shared>>) offsets(%arg17 : memref<128xi32, #tpu.memory_space<vmem>>) semaphore(%arg37 : memref<!tpu.dma_semaphore, #tpu.memory_space<semaphore_mem>>) {add = true}
      %mul3A_251 = arith.constant 4 : i32
      %mul3A_252 = arith.muli %scan3A_224, %mul3A_251 : i32
      %add3A_253 = arith.constant 1 : i32
      %add3A_254 = arith.addi %mul3A_252, %add3A_253 : i32
      %ge3A_255 = arith.constant 1 : i32
      %ge3A_256 = arith.cmpi sge, %add3A_254, %ge3A_255 : i32
      %convert_element_type3A_257 = arith.extui %ge3A_256 : i1 to i32
      %cond3A_258 = arith.constant 0 : i32
      %cond3A_259 = arith.cmpi ne, %convert_element_type3A_257, %cond3A_258 : i32
      scf.if %cond3A_259 {
        %dma_wait3A_332 = arith.constant 0 : i32
        %dma_wait3A_333 = arith.constant 0 : i32
        %dma_wait3A_334 = tpu.memref_slice %arg6[%dma_wait3A_332, %dma_wait3A_333] : memref<640x128xf32, #tpu.memory_space<hbm>> -> memref<128x128xf32, #tpu.memory_space<hbm>>
        %dma_wait3A_335 = arith.constant 0 : i32
        %dma_wait3A_336 = arith.constant 0 : i32
        %dma_wait3A_337 = tpu.memref_slice %arg6[%dma_wait3A_335, %dma_wait3A_336] : memref<640x128xf32, #tpu.memory_space<hbm>> -> memref<128x128xf32, #tpu.memory_space<hbm>>
        tpu.wait_dma2 semaphore(%arg37 : memref<!tpu.dma_semaphore, #tpu.memory_space<semaphore_mem>>) src(%dma_wait3A_337 : memref<128x128xf32, #tpu.memory_space<hbm>>) dst(%arg11 : memref<128x128xf32, #tpu.memory_space<vmem>>)
        %add3A_338 = arith.constant 3 : i32
        %add3A_339 = arith.addi %add3A_254, %add3A_338 : i32
        %lt3A_340 = arith.constant 80 : i32
        %lt3A_341 = arith.cmpi slt, %add3A_339, %lt3A_340 : i32
        %convert_element_type3A_342 = arith.extui %lt3A_341 : i1 to i32
        %cond3A_343 = arith.constant 0 : i32
        %cond3A_344 = arith.cmpi ne, %convert_element_type3A_342, %cond3A_343 : i32
        scf.if %cond3A_344 {
          %add3A_345 = arith.constant 3 : i32
          %add3A_346 = arith.addi %add3A_254, %add3A_345 : i32
          %mul3A_347 = arith.constant 128 : i32
          %mul3A_348 = arith.muli %add3A_346, %mul3A_347 : i32
          %add3A_349 = arith.addi %add3A_70, %mul3A_348 : i32
          %dma_start3A_350 = tpu.memref_slice %arg2[%add3A_349] : memref<327680xi32, #tpu.memory_space<hbm>> -> memref<128xi32, #tpu.memory_space<hbm>>
          %dma_start3A_351 = tpu.memref_slice %arg2[%add3A_349] : memref<327680xi32, #tpu.memory_space<hbm>> -> memref<128xi32, #tpu.memory_space<hbm>>
          tpu.enqueue_dma source(%dma_start3A_351 : memref<128xi32, #tpu.memory_space<hbm>>) target(%arg13 : memref<128xi32, #tpu.memory_space<vmem>>) target_semaphore(%arg33 : memref<!tpu.dma_semaphore, #tpu.memory_space<semaphore_mem>>)
          %mul3A_352 = arith.constant 128 : i32
          %mul3A_353 = arith.muli %add3A_346, %mul3A_352 : i32
          %add3A_354 = arith.addi %mul3A_67, %mul3A_353 : i32
          %dma_start3A_355 = tpu.memref_slice %arg3[%add3A_354] : memref<163840xi32, #tpu.memory_space<hbm>> -> memref<128xi32, #tpu.memory_space<hbm>>
          %dma_start3A_356 = tpu.memref_slice %arg3[%add3A_354] : memref<163840xi32, #tpu.memory_space<hbm>> -> memref<128xi32, #tpu.memory_space<hbm>>
          tpu.enqueue_dma source(%dma_start3A_356 : memref<128xi32, #tpu.memory_space<hbm>>) target(%arg17 : memref<128xi32, #tpu.memory_space<vmem>>) target_semaphore(%arg33 : memref<!tpu.dma_semaphore, #tpu.memory_space<semaphore_mem>>)
          %mul3A_357 = arith.constant 128 : i32
          %mul3A_358 = arith.muli %add3A_346, %mul3A_357 : i32
          %add3A_359 = arith.addi %mul3A_67, %mul3A_358 : i32
          %dma_start3A_360 = tpu.memref_slice %arg4[%add3A_359] : memref<163840xi32, #tpu.memory_space<hbm>> -> memref<128xi32, #tpu.memory_space<hbm>>
          %dma_start3A_361 = tpu.memref_slice %arg4[%add3A_359] : memref<163840xi32, #tpu.memory_space<hbm>> -> memref<128xi32, #tpu.memory_space<hbm>>
          tpu.enqueue_dma source(%dma_start3A_361 : memref<128xi32, #tpu.memory_space<hbm>>) target(%arg21 : memref<128xi32, #tpu.memory_space<vmem>>) target_semaphore(%arg33 : memref<!tpu.dma_semaphore, #tpu.memory_space<semaphore_mem>>)
        } else {
        }
      } else {
      }
      %add3A_260 = arith.constant 1 : i32
      %add3A_261 = arith.addi %add3A_254, %add3A_260 : i32
      %lt3A_262 = arith.constant 80 : i32
      %lt3A_263 = arith.cmpi slt, %add3A_261, %lt3A_262 : i32
      %convert_element_type3A_264 = arith.extui %lt3A_263 : i1 to i32
      %cond3A_265 = arith.constant 0 : i32
      %cond3A_266 = arith.cmpi ne, %convert_element_type3A_264, %cond3A_265 : i32
      scf.if %cond3A_266 {
        %dma_wait3A_332 = arith.constant 0 : i32
        %dma_wait3A_333 = tpu.memref_slice %arg3[%dma_wait3A_332] : memref<163840xi32, #tpu.memory_space<hbm>> -> memref<128xi32, #tpu.memory_space<hbm>>
        %dma_wait3A_334 = arith.constant 0 : i32
        %dma_wait3A_335 = tpu.memref_slice %arg3[%dma_wait3A_334] : memref<163840xi32, #tpu.memory_space<hbm>> -> memref<128xi32, #tpu.memory_space<hbm>>
        tpu.wait_dma2 semaphore(%arg35 : memref<!tpu.dma_semaphore, #tpu.memory_space<semaphore_mem>>) src(%dma_wait3A_335 : memref<128xi32, #tpu.memory_space<hbm>>) dst(%arg19 : memref<128xi32, #tpu.memory_space<vmem>>)
        %dma_wait3A_336 = arith.constant 0 : i32
        %dma_wait3A_337 = tpu.memref_slice %arg3[%dma_wait3A_336] : memref<163840xi32, #tpu.memory_space<hbm>> -> memref<128xi32, #tpu.memory_space<hbm>>
        %dma_wait3A_338 = arith.constant 0 : i32
        %dma_wait3A_339 = tpu.memref_slice %arg3[%dma_wait3A_338] : memref<163840xi32, #tpu.memory_space<hbm>> -> memref<128xi32, #tpu.memory_space<hbm>>
        tpu.wait_dma2 semaphore(%arg35 : memref<!tpu.dma_semaphore, #tpu.memory_space<semaphore_mem>>) src(%dma_wait3A_339 : memref<128xi32, #tpu.memory_space<hbm>>) dst(%arg19 : memref<128xi32, #tpu.memory_space<vmem>>)
        %dma_wait3A_340 = arith.constant 0 : i32
        %dma_wait3A_341 = tpu.memref_slice %arg3[%dma_wait3A_340] : memref<163840xi32, #tpu.memory_space<hbm>> -> memref<128xi32, #tpu.memory_space<hbm>>
        %dma_wait3A_342 = arith.constant 0 : i32
        %dma_wait3A_343 = tpu.memref_slice %arg3[%dma_wait3A_342] : memref<163840xi32, #tpu.memory_space<hbm>> -> memref<128xi32, #tpu.memory_space<hbm>>
        tpu.wait_dma2 semaphore(%arg35 : memref<!tpu.dma_semaphore, #tpu.memory_space<semaphore_mem>>) src(%dma_wait3A_343 : memref<128xi32, #tpu.memory_space<hbm>>) dst(%arg19 : memref<128xi32, #tpu.memory_space<vmem>>)
        %add3A_344 = arith.constant 1 : i32
        %add3A_345 = arith.addi %add3A_254, %add3A_344 : i32
        %dma_start3A_346 = arith.constant 0 : i32
        %dma_start3A_347 = arith.constant 0 : i32
        %dma_start3A_348 = tpu.memref_slice %arg5[%dma_start3A_346, %dma_start3A_347] : memref<20000x128xf32, #tpu.memory_space<hbm>> -> memref<20000x128xf32, #tpu.memory_space<hbm>>
        tpu.enqueue_indirect_dma source(%dma_start3A_348 : memref<20000x128xf32, #tpu.memory_space<hbm>>) target(%arg11 : memref<128x128xf32, #tpu.memory_space<vmem>>) offsets(%arg15 : memref<128xi32, #tpu.memory_space<vmem>>) semaphore(%arg31 : memref<!tpu.dma_semaphore, #tpu.memory_space<semaphore_mem>>)
      } else {
      }
      %dma_wait3A_267 = arith.constant 0 : i32
      %dma_wait3A_268 = arith.constant 0 : i32
      %dma_wait3A_269 = tpu.memref_slice %arg5[%dma_wait3A_267, %dma_wait3A_268] : memref<20000x128xf32, #tpu.memory_space<hbm>> -> memref<20000x128xf32, #tpu.memory_space<hbm>>
      tpu.wait_indirect_dma semaphore(%arg32 : memref<!tpu.dma_semaphore, #tpu.memory_space<semaphore_mem>>) src(%dma_wait3A_269 : memref<20000x128xf32, #tpu.memory_space<hbm>>) dst(%arg12 : memref<128x128xf32, #tpu.memory_space<vmem>>)
      %eq3A_270 = arith.constant 1 : i32
      %eq3A_271 = arith.cmpi eq, %arg0, %eq3A_270 : i32
      %convert_element_type3A_272 = arith.extui %eq3A_271 : i1 to i32
      %cond3A_273 = arith.constant 0 : i32
      %cond3A_274 = arith.cmpi ne, %convert_element_type3A_272, %cond3A_273 : i32
      scf.if %cond3A_274 {
        %ge3A_332 = arith.constant 2 : i32
        %ge3A_333 = arith.cmpi sge, %add3A_254, %ge3A_332 : i32
        %convert_element_type3A_334 = arith.extui %ge3A_333 : i1 to i32
        %cond3A_335 = arith.constant 0 : i32
        %cond3A_336 = arith.cmpi ne, %convert_element_type3A_334, %cond3A_335 : i32
        scf.if %cond3A_336 {
          %dma_wait3A_450 = arith.constant 0 : i32
          %dma_wait3A_451 = tpu.memref_slice %arg7[%dma_wait3A_450] : memref<2048xf32, #tpu.memory_space<hbm>> -> memref<128xf32, #tpu.memory_space<hbm>>
          %dma_wait3A_452 = arith.constant 0 : i32
          %dma_wait3A_453 = tpu.memref_slice %arg7[%dma_wait3A_452] : memref<2048xf32, #tpu.memory_space<hbm>> -> memref<128xf32, #tpu.memory_space<hbm>>
          tpu.wait_dma2 semaphore(%arg39 : memref<!tpu.dma_semaphore, #tpu.memory_space<semaphore_mem>>) src(%dma_wait3A_453 : memref<128xf32, #tpu.memory_space<hbm>>) dst(%arg27 : memref<128xf32, #tpu.memory_space<vmem>>)
        } else {
        }
        %get3A = arith.constant 0 : index
        %get3A_337 = tpu.vector_load %arg18[%get3A] {strides = array<i32>} : memref<128xi32, #tpu.memory_space<vmem>>, vector<16xi32>,
        %get3A_338 = vector.shape_cast %get3A_337 : vector<16xi32> to vector<16xi32>
        %mul3A_339 = arith.constant 16 : i32
        %mul3A_340 = vector.broadcast %mul3A_339 : i32 to vector<16xi32>
        %mul3A_341 = arith.muli %get3A_338, %mul3A_340 : vector<16xi32>
        %get3A_342 = arith.constant 0 : index
        %get3A_343 = tpu.vector_load %arg22[%get3A_342] {strides = array<i32>} : memref<128xi32, #tpu.memory_space<vmem>>, vector<16xi32>,
        %get3A_344 = vector.shape_cast %get3A_343 : vector<16xi32> to vector<16xi32>
        %add3A_345 = arith.addi %mul3A_341, %get3A_344 : vector<16xi32>
        %swap3A_346 = arith.constant 0 : index
        %swap3A_347 = tpu.vector_load %arg26[%swap3A_346] {strides = array<i32>} : memref<128xi32, #tpu.memory_space<vmem>>, vector<16xi32>,
        %swap3A_348 = vector.shape_cast %swap3A_347 : vector<16xi32> to vector<16xi32>
        %swap3A_349 = vector.shape_cast %add3A_345 : vector<16xi32> to vector<16xi32>
        tpu.vector_store %arg26[%swap3A_346], %swap3A_349 {strides = array<i32>} : memref<128xi32, #tpu.memory_space<vmem>>, vector<16xi32>,
        %get3A_350 = arith.constant 16 : index
        %get3A_351 = tpu.vector_load %arg18[%get3A_350] {strides = array<i32>} : memref<128xi32, #tpu.memory_space<vmem>>, vector<16xi32>,
        %get3A_352 = vector.shape_cast %get3A_351 : vector<16xi32> to vector<16xi32>
        %mul3A_353 = arith.constant 16 : i32
        %mul3A_354 = vector.broadcast %mul3A_353 : i32 to vector<16xi32>
        %mul3A_355 = arith.muli %get3A_352, %mul3A_354 : vector<16xi32>
        %get3A_356 = arith.constant 16 : index
        %get3A_357 = tpu.vector_load %arg22[%get3A_356] {strides = array<i32>} : memref<128xi32, #tpu.memory_space<vmem>>, vector<16xi32>,
        %get3A_358 = vector.shape_cast %get3A_357 : vector<16xi32> to vector<16xi32>
        %add3A_359 = arith.addi %mul3A_355, %get3A_358 : vector<16xi32>
        %swap3A_360 = arith.constant 16 : index
        %swap3A_361 = tpu.vector_load %arg26[%swap3A_360] {strides = array<i32>} : memref<128xi32, #tpu.memory_space<vmem>>, vector<16xi32>,
        %swap3A_362 = vector.shape_cast %swap3A_361 : vector<16xi32> to vector<16xi32>
        %swap3A_363 = vector.shape_cast %add3A_359 : vector<16xi32> to vector<16xi32>
        tpu.vector_store %arg26[%swap3A_360], %swap3A_363 {strides = array<i32>} : memref<128xi32, #tpu.memory_space<vmem>>, vector<16xi32>,
        %get3A_364 = arith.constant 32 : index
        %get3A_365 = tpu.vector_load %arg18[%get3A_364] {strides = array<i32>} : memref<128xi32, #tpu.memory_space<vmem>>, vector<16xi32>,
        %get3A_366 = vector.shape_cast %get3A_365 : vector<16xi32> to vector<16xi32>
        %mul3A_367 = arith.constant 16 : i32
        %mul3A_368 = vector.broadcast %mul3A_367 : i32 to vector<16xi32>
        %mul3A_369 = arith.muli %get3A_366, %mul3A_368 : vector<16xi32>
        %get3A_370 = arith.constant 32 : index
        %get3A_371 = tpu.vector_load %arg22[%get3A_370] {strides = array<i32>} : memref<128xi32, #tpu.memory_space<vmem>>, vector<16xi32>,
        %get3A_372 = vector.shape_cast %get3A_371 : vector<16xi32> to vector<16xi32>
        %add3A_373 = arith.addi %mul3A_369, %get3A_372 : vector<16xi32>
        %swap3A_374 = arith.constant 32 : index
        %swap3A_375 = tpu.vector_load %arg26[%swap3A_374] {strides = array<i32>} : memref<128xi32, #tpu.memory_space<vmem>>, vector<16xi32>,
        %swap3A_376 = vector.shape_cast %swap3A_375 : vector<16xi32> to vector<16xi32>
        %swap3A_377 = vector.shape_cast %add3A_373 : vector<16xi32> to vector<16xi32>
        tpu.vector_store %arg26[%swap3A_374], %swap3A_377 {strides = array<i32>} : memref<128xi32, #tpu.memory_space<vmem>>, vector<16xi32>,
        %get3A_378 = arith.constant 48 : index
        %get3A_379 = tpu.vector_load %arg18[%get3A_378] {strides = array<i32>} : memref<128xi32, #tpu.memory_space<vmem>>, vector<16xi32>,
        %get3A_380 = vector.shape_cast %get3A_379 : vector<16xi32> to vector<16xi32>
        %mul3A_381 = arith.constant 16 : i32
        %mul3A_382 = vector.broadcast %mul3A_381 : i32 to vector<16xi32>
        %mul3A_383 = arith.muli %get3A_380, %mul3A_382 : vector<16xi32>
        %get3A_384 = arith.constant 48 : index
        %get3A_385 = tpu.vector_load %arg22[%get3A_384] {strides = array<i32>} : memref<128xi32, #tpu.memory_space<vmem>>, vector<16xi32>,
        %get3A_386 = vector.shape_cast %get3A_385 : vector<16xi32> to vector<16xi32>
        %add3A_387 = arith.addi %mul3A_383, %get3A_386 : vector<16xi32>
        %swap3A_388 = arith.constant 48 : index
        %swap3A_389 = tpu.vector_load %arg26[%swap3A_388] {strides = array<i32>} : memref<128xi32, #tpu.memory_space<vmem>>, vector<16xi32>,
        %swap3A_390 = vector.shape_cast %swap3A_389 : vector<16xi32> to vector<16xi32>
        %swap3A_391 = vector.shape_cast %add3A_387 : vector<16xi32> to vector<16xi32>
        tpu.vector_store %arg26[%swap3A_388], %swap3A_391 {strides = array<i32>} : memref<128xi32, #tpu.memory_space<vmem>>, vector<16xi32>,
        %get3A_392 = arith.constant 64 : index
        %get3A_393 = tpu.vector_load %arg18[%get3A_392] {strides = array<i32>} : memref<128xi32, #tpu.memory_space<vmem>>, vector<16xi32>,
        %get3A_394 = vector.shape_cast %get3A_393 : vector<16xi32> to vector<16xi32>
        %mul3A_395 = arith.constant 16 : i32
        %mul3A_396 = vector.broadcast %mul3A_395 : i32 to vector<16xi32>
        %mul3A_397 = arith.muli %get3A_394, %mul3A_396 : vector<16xi32>
        %get3A_398 = arith.constant 64 : index
        %get3A_399 = tpu.vector_load %arg22[%get3A_398] {strides = array<i32>} : memref<128xi32, #tpu.memory_space<vmem>>, vector<16xi32>,
        %get3A_400 = vector.shape_cast %get3A_399 : vector<16xi32> to vector<16xi32>
        %add3A_401 = arith.addi %mul3A_397, %get3A_400 : vector<16xi32>
        %swap3A_402 = arith.constant 64 : index
        %swap3A_403 = tpu.vector_load %arg26[%swap3A_402] {strides = array<i32>} : memref<128xi32, #tpu.memory_space<vmem>>, vector<16xi32>,
        %swap3A_404 = vector.shape_cast %swap3A_403 : vector<16xi32> to vector<16xi32>
        %swap3A_405 = vector.shape_cast %add3A_401 : vector<16xi32> to vector<16xi32>
        tpu.vector_store %arg26[%swap3A_402], %swap3A_405 {strides = array<i32>} : memref<128xi32, #tpu.memory_space<vmem>>, vector<16xi32>,
        %get3A_406 = arith.constant 80 : index
        %get3A_407 = tpu.vector_load %arg18[%get3A_406] {strides = array<i32>} : memref<128xi32, #tpu.memory_space<vmem>>, vector<16xi32>,
        %get3A_408 = vector.shape_cast %get3A_407 : vector<16xi32> to vector<16xi32>
        %mul3A_409 = arith.constant 16 : i32
        %mul3A_410 = vector.broadcast %mul3A_409 : i32 to vector<16xi32>
        %mul3A_411 = arith.muli %get3A_408, %mul3A_410 : vector<16xi32>
        %get3A_412 = arith.constant 80 : index
        %get3A_413 = tpu.vector_load %arg22[%get3A_412] {strides = array<i32>} : memref<128xi32, #tpu.memory_space<vmem>>, vector<16xi32>,
        %get3A_414 = vector.shape_cast %get3A_413 : vector<16xi32> to vector<16xi32>
        %add3A_415 = arith.addi %mul3A_411, %get3A_414 : vector<16xi32>
        %swap3A_416 = arith.constant 80 : index
        %swap3A_417 = tpu.vector_load %arg26[%swap3A_416] {strides = array<i32>} : memref<128xi32, #tpu.memory_space<vmem>>, vector<16xi32>,
        %swap3A_418 = vector.shape_cast %swap3A_417 : vector<16xi32> to vector<16xi32>
        %swap3A_419 = vector.shape_cast %add3A_415 : vector<16xi32> to vector<16xi32>
        tpu.vector_store %arg26[%swap3A_416], %swap3A_419 {strides = array<i32>} : memref<128xi32, #tpu.memory_space<vmem>>, vector<16xi32>,
        %get3A_420 = arith.constant 96 : index
        %get3A_421 = tpu.vector_load %arg18[%get3A_420] {strides = array<i32>} : memref<128xi32, #tpu.memory_space<vmem>>, vector<16xi32>,
        %get3A_422 = vector.shape_cast %get3A_421 : vector<16xi32> to vector<16xi32>
        %mul3A_423 = arith.constant 16 : i32
        %mul3A_424 = vector.broadcast %mul3A_423 : i32 to vector<16xi32>
        %mul3A_425 = arith.muli %get3A_422, %mul3A_424 : vector<16xi32>
        %get3A_426 = arith.constant 96 : index
        %get3A_427 = tpu.vector_load %arg22[%get3A_426] {strides = array<i32>} : memref<128xi32, #tpu.memory_space<vmem>>, vector<16xi32>,
        %get3A_428 = vector.shape_cast %get3A_427 : vector<16xi32> to vector<16xi32>
        %add3A_429 = arith.addi %mul3A_425, %get3A_428 : vector<16xi32>
        %swap3A_430 = arith.constant 96 : index
        %swap3A_431 = tpu.vector_load %arg26[%swap3A_430] {strides = array<i32>} : memref<128xi32, #tpu.memory_space<vmem>>, vector<16xi32>,
        %swap3A_432 = vector.shape_cast %swap3A_431 : vector<16xi32> to vector<16xi32>
        %swap3A_433 = vector.shape_cast %add3A_429 : vector<16xi32> to vector<16xi32>
        tpu.vector_store %arg26[%swap3A_430], %swap3A_433 {strides = array<i32>} : memref<128xi32, #tpu.memory_space<vmem>>, vector<16xi32>,
        %get3A_434 = arith.constant 112 : index
        %get3A_435 = tpu.vector_load %arg18[%get3A_434] {strides = array<i32>} : memref<128xi32, #tpu.memory_space<vmem>>, vector<16xi32>,
        %get3A_436 = vector.shape_cast %get3A_435 : vector<16xi32> to vector<16xi32>
        %mul3A_437 = arith.constant 16 : i32
        %mul3A_438 = vector.broadcast %mul3A_437 : i32 to vector<16xi32>
        %mul3A_439 = arith.muli %get3A_436, %mul3A_438 : vector<16xi32>
        %get3A_440 = arith.constant 112 : index
        %get3A_441 = tpu.vector_load %arg22[%get3A_440] {strides = array<i32>} : memref<128xi32, #tpu.memory_space<vmem>>, vector<16xi32>,
        %get3A_442 = vector.shape_cast %get3A_441 : vector<16xi32> to vector<16xi32>
        %add3A_443 = arith.addi %mul3A_439, %get3A_442 : vector<16xi32>
        %swap3A_444 = arith.constant 112 : index
        %swap3A_445 = tpu.vector_load %arg26[%swap3A_444] {strides = array<i32>} : memref<128xi32, #tpu.memory_space<vmem>>, vector<16xi32>,
        %swap3A_446 = vector.shape_cast %swap3A_445 : vector<16xi32> to vector<16xi32>
        %swap3A_447 = vector.shape_cast %add3A_443 : vector<16xi32> to vector<16xi32>
        tpu.vector_store %arg26[%swap3A_444], %swap3A_447 {strides = array<i32>} : memref<128xi32, #tpu.memory_space<vmem>>, vector<16xi32>,
        %dma_start3A_448 = arith.constant 0 : i32
        %dma_start3A_449 = tpu.memref_slice %arg30[%dma_start3A_448] : memref<163840xf32, #tpu.memory_space<vmem_shared>> -> memref<163840xf32, #tpu.memory_space<vmem_shared>>
        tpu.enqueue_indirect_dma source(%arg27 : memref<128xf32, #tpu.memory_space<vmem>>) target(%dma_start3A_449 : memref<163840xf32, #tpu.memory_space<vmem_shared>>) offsets(%arg26 : memref<128xi32, #tpu.memory_space<vmem>>) semaphore(%arg39 : memref<!tpu.dma_semaphore, #tpu.memory_space<semaphore_mem>>) {add = true}
      } else {
      }
      %dma_start3A_275 = arith.constant 0 : i32
      %dma_start3A_276 = arith.constant 0 : i32
      %dma_start3A_277 = tpu.memref_slice %arg29[%dma_start3A_275, %dma_start3A_276] : memref<10240x128xf32, #tpu.memory_space<vmem_shared>> -> memref<10240x128xf32, #tpu.memory_space<vmem_shared>>
      tpu.enqueue_indirect_dma source(%arg12 : memref<128x128xf32, #tpu.memory_space<vmem>>) target(%dma_start3A_277 : memref<10240x128xf32, #tpu.memory_space<vmem_shared>>) offsets(%arg18 : memref<128xi32, #tpu.memory_space<vmem>>) semaphore(%arg38 : memref<!tpu.dma_semaphore, #tpu.memory_space<semaphore_mem>>) {add = true}
      %mul3A_278 = arith.constant 4 : i32
      %mul3A_279 = arith.muli %scan3A_224, %mul3A_278 : i32
      %add3A_280 = arith.constant 2 : i32
      %add3A_281 = arith.addi %mul3A_279, %add3A_280 : i32
      %ge3A_282 = arith.constant 1 : i32
      %ge3A_283 = arith.cmpi sge, %add3A_281, %ge3A_282 : i32
      %convert_element_type3A_284 = arith.extui %ge3A_283 : i1 to i32
      %cond3A_285 = arith.constant 0 : i32
      %cond3A_286 = arith.cmpi ne, %convert_element_type3A_284, %cond3A_285 : i32
      scf.if %cond3A_286 {
        %dma_wait3A_332 = arith.constant 0 : i32
        %dma_wait3A_333 = arith.constant 0 : i32
        %dma_wait3A_334 = tpu.memref_slice %arg6[%dma_wait3A_332, %dma_wait3A_333] : memref<640x128xf32, #tpu.memory_space<hbm>> -> memref<128x128xf32, #tpu.memory_space<hbm>>
        %dma_wait3A_335 = arith.constant 0 : i32
        %dma_wait3A_336 = arith.constant 0 : i32
        %dma_wait3A_337 = tpu.memref_slice %arg6[%dma_wait3A_335, %dma_wait3A_336] : memref<640x128xf32, #tpu.memory_space<hbm>> -> memref<128x128xf32, #tpu.memory_space<hbm>>
        tpu.wait_dma2 semaphore(%arg38 : memref<!tpu.dma_semaphore, #tpu.memory_space<semaphore_mem>>) src(%dma_wait3A_337 : memref<128x128xf32, #tpu.memory_space<hbm>>) dst(%arg12 : memref<128x128xf32, #tpu.memory_space<vmem>>)
        %add3A_338 = arith.constant 3 : i32
        %add3A_339 = arith.addi %add3A_281, %add3A_338 : i32
        %lt3A_340 = arith.constant 80 : i32
        %lt3A_341 = arith.cmpi slt, %add3A_339, %lt3A_340 : i32
        %convert_element_type3A_342 = arith.extui %lt3A_341 : i1 to i32
        %cond3A_343 = arith.constant 0 : i32
        %cond3A_344 = arith.cmpi ne, %convert_element_type3A_342, %cond3A_343 : i32
        scf.if %cond3A_344 {
          %add3A_345 = arith.constant 3 : i32
          %add3A_346 = arith.addi %add3A_281, %add3A_345 : i32
          %mul3A_347 = arith.constant 128 : i32
          %mul3A_348 = arith.muli %add3A_346, %mul3A_347 : i32
          %add3A_349 = arith.addi %add3A_70, %mul3A_348 : i32
          %dma_start3A_350 = tpu.memref_slice %arg2[%add3A_349] : memref<327680xi32, #tpu.memory_space<hbm>> -> memref<128xi32, #tpu.memory_space<hbm>>
          %dma_start3A_351 = tpu.memref_slice %arg2[%add3A_349] : memref<327680xi32, #tpu.memory_space<hbm>> -> memref<128xi32, #tpu.memory_space<hbm>>
          tpu.enqueue_dma source(%dma_start3A_351 : memref<128xi32, #tpu.memory_space<hbm>>) target(%arg14 : memref<128xi32, #tpu.memory_space<vmem>>) target_semaphore(%arg34 : memref<!tpu.dma_semaphore, #tpu.memory_space<semaphore_mem>>)
          %mul3A_352 = arith.constant 128 : i32
          %mul3A_353 = arith.muli %add3A_346, %mul3A_352 : i32
          %add3A_354 = arith.addi %mul3A_67, %mul3A_353 : i32
          %dma_start3A_355 = tpu.memref_slice %arg3[%add3A_354] : memref<163840xi32, #tpu.memory_space<hbm>> -> memref<128xi32, #tpu.memory_space<hbm>>
          %dma_start3A_356 = tpu.memref_slice %arg3[%add3A_354] : memref<163840xi32, #tpu.memory_space<hbm>> -> memref<128xi32, #tpu.memory_space<hbm>>
          tpu.enqueue_dma source(%dma_start3A_356 : memref<128xi32, #tpu.memory_space<hbm>>) target(%arg18 : memref<128xi32, #tpu.memory_space<vmem>>) target_semaphore(%arg34 : memref<!tpu.dma_semaphore, #tpu.memory_space<semaphore_mem>>)
          %mul3A_357 = arith.constant 128 : i32
          %mul3A_358 = arith.muli %add3A_346, %mul3A_357 : i32
          %add3A_359 = arith.addi %mul3A_67, %mul3A_358 : i32
          %dma_start3A_360 = tpu.memref_slice %arg4[%add3A_359] : memref<163840xi32, #tpu.memory_space<hbm>> -> memref<128xi32, #tpu.memory_space<hbm>>
          %dma_start3A_361 = tpu.memref_slice %arg4[%add3A_359] : memref<163840xi32, #tpu.memory_space<hbm>> -> memref<128xi32, #tpu.memory_space<hbm>>
          tpu.enqueue_dma source(%dma_start3A_361 : memref<128xi32, #tpu.memory_space<hbm>>) target(%arg22 : memref<128xi32, #tpu.memory_space<vmem>>) target_semaphore(%arg34 : memref<!tpu.dma_semaphore, #tpu.memory_space<semaphore_mem>>)
        } else {
        }
      } else {
      }
      %add3A_287 = arith.constant 1 : i32
      %add3A_288 = arith.addi %add3A_281, %add3A_287 : i32
      %lt3A_289 = arith.constant 80 : i32
      %lt3A_290 = arith.cmpi slt, %add3A_288, %lt3A_289 : i32
      %convert_element_type3A_291 = arith.extui %lt3A_290 : i1 to i32
      %cond3A_292 = arith.constant 0 : i32
      %cond3A_293 = arith.cmpi ne, %convert_element_type3A_291, %cond3A_292 : i32
      scf.if %cond3A_293 {
        %dma_wait3A_332 = arith.constant 0 : i32
        %dma_wait3A_333 = tpu.memref_slice %arg3[%dma_wait3A_332] : memref<163840xi32, #tpu.memory_space<hbm>> -> memref<128xi32, #tpu.memory_space<hbm>>
        %dma_wait3A_334 = arith.constant 0 : i32
        %dma_wait3A_335 = tpu.memref_slice %arg3[%dma_wait3A_334] : memref<163840xi32, #tpu.memory_space<hbm>> -> memref<128xi32, #tpu.memory_space<hbm>>
        tpu.wait_dma2 semaphore(%arg36 : memref<!tpu.dma_semaphore, #tpu.memory_space<semaphore_mem>>) src(%dma_wait3A_335 : memref<128xi32, #tpu.memory_space<hbm>>) dst(%arg20 : memref<128xi32, #tpu.memory_space<vmem>>)
        %dma_wait3A_336 = arith.constant 0 : i32
        %dma_wait3A_337 = tpu.memref_slice %arg3[%dma_wait3A_336] : memref<163840xi32, #tpu.memory_space<hbm>> -> memref<128xi32, #tpu.memory_space<hbm>>
        %dma_wait3A_338 = arith.constant 0 : i32
        %dma_wait3A_339 = tpu.memref_slice %arg3[%dma_wait3A_338] : memref<163840xi32, #tpu.memory_space<hbm>> -> memref<128xi32, #tpu.memory_space<hbm>>
        tpu.wait_dma2 semaphore(%arg36 : memref<!tpu.dma_semaphore, #tpu.memory_space<semaphore_mem>>) src(%dma_wait3A_339 : memref<128xi32, #tpu.memory_space<hbm>>) dst(%arg20 : memref<128xi32, #tpu.memory_space<vmem>>)
        %dma_wait3A_340 = arith.constant 0 : i32
        %dma_wait3A_341 = tpu.memref_slice %arg3[%dma_wait3A_340] : memref<163840xi32, #tpu.memory_space<hbm>> -> memref<128xi32, #tpu.memory_space<hbm>>
        %dma_wait3A_342 = arith.constant 0 : i32
        %dma_wait3A_343 = tpu.memref_slice %arg3[%dma_wait3A_342] : memref<163840xi32, #tpu.memory_space<hbm>> -> memref<128xi32, #tpu.memory_space<hbm>>
        tpu.wait_dma2 semaphore(%arg36 : memref<!tpu.dma_semaphore, #tpu.memory_space<semaphore_mem>>) src(%dma_wait3A_343 : memref<128xi32, #tpu.memory_space<hbm>>) dst(%arg20 : memref<128xi32, #tpu.memory_space<vmem>>)
        %add3A_344 = arith.constant 1 : i32
        %add3A_345 = arith.addi %add3A_281, %add3A_344 : i32
        %dma_start3A_346 = arith.constant 0 : i32
        %dma_start3A_347 = arith.constant 0 : i32
        %dma_start3A_348 = tpu.memref_slice %arg5[%dma_start3A_346, %dma_start3A_347] : memref<20000x128xf32, #tpu.memory_space<hbm>> -> memref<20000x128xf32, #tpu.memory_space<hbm>>
        tpu.enqueue_indirect_dma source(%dma_start3A_348 : memref<20000x128xf32, #tpu.memory_space<hbm>>) target(%arg12 : memref<128x128xf32, #tpu.memory_space<vmem>>) offsets(%arg16 : memref<128xi32, #tpu.memory_space<vmem>>) semaphore(%arg32 : memref<!tpu.dma_semaphore, #tpu.memory_space<semaphore_mem>>)
      } else {
      }
      %dma_wait3A_294 = arith.constant 0 : i32
      %dma_wait3A_295 = arith.constant 0 : i32
      %dma_wait3A_296 = tpu.memref_slice %arg5[%dma_wait3A_294, %dma_wait3A_295] : memref<20000x128xf32, #tpu.memory_space<hbm>> -> memref<20000x128xf32, #tpu.memory_space<hbm>>
      tpu.wait_indirect_dma semaphore(%arg31 : memref<!tpu.dma_semaphore, #tpu.memory_space<semaphore_mem>>) src(%dma_wait3A_296 : memref<20000x128xf32, #tpu.memory_space<hbm>>) dst(%arg11 : memref<128x128xf32, #tpu.memory_space<vmem>>)
      %eq3A_297 = arith.constant 0 : i32
      %eq3A_298 = arith.cmpi eq, %arg0, %eq3A_297 : i32
      %convert_element_type3A_299 = arith.extui %eq3A_298 : i1 to i32
      %cond3A_300 = arith.constant 0 : i32
      %cond3A_301 = arith.cmpi ne, %convert_element_type3A_299, %cond3A_300 : i32
      scf.if %cond3A_301 {
        %ge3A_332 = arith.constant 2 : i32
        %ge3A_333 = arith.cmpi sge, %add3A_281, %ge3A_332 : i32
        %convert_element_type3A_334 = arith.extui %ge3A_333 : i1 to i32
        %cond3A_335 = arith.constant 0 : i32
        %cond3A_336 = arith.cmpi ne, %convert_element_type3A_334, %cond3A_335 : i32
        scf.if %cond3A_336 {
          %dma_wait3A_450 = arith.constant 0 : i32
          %dma_wait3A_451 = tpu.memref_slice %arg7[%dma_wait3A_450] : memref<2048xf32, #tpu.memory_space<hbm>> -> memref<128xf32, #tpu.memory_space<hbm>>
          %dma_wait3A_452 = arith.constant 0 : i32
          %dma_wait3A_453 = tpu.memref_slice %arg7[%dma_wait3A_452] : memref<2048xf32, #tpu.memory_space<hbm>> -> memref<128xf32, #tpu.memory_space<hbm>>
          tpu.wait_dma2 semaphore(%arg39 : memref<!tpu.dma_semaphore, #tpu.memory_space<semaphore_mem>>) src(%dma_wait3A_453 : memref<128xf32, #tpu.memory_space<hbm>>) dst(%arg27 : memref<128xf32, #tpu.memory_space<vmem>>)
        } else {
        }
        %get3A = arith.constant 0 : index
        %get3A_337 = tpu.vector_load %arg19[%get3A] {strides = array<i32>} : memref<128xi32, #tpu.memory_space<vmem>>, vector<16xi32>,
        %get3A_338 = vector.shape_cast %get3A_337 : vector<16xi32> to vector<16xi32>
        %mul3A_339 = arith.constant 16 : i32
        %mul3A_340 = vector.broadcast %mul3A_339 : i32 to vector<16xi32>
        %mul3A_341 = arith.muli %get3A_338, %mul3A_340 : vector<16xi32>
        %get3A_342 = arith.constant 0 : index
        %get3A_343 = tpu.vector_load %arg23[%get3A_342] {strides = array<i32>} : memref<128xi32, #tpu.memory_space<vmem>>, vector<16xi32>,
        %get3A_344 = vector.shape_cast %get3A_343 : vector<16xi32> to vector<16xi32>
        %add3A_345 = arith.addi %mul3A_341, %get3A_344 : vector<16xi32>
        %swap3A_346 = arith.constant 0 : index
        %swap3A_347 = tpu.vector_load %arg25[%swap3A_346] {strides = array<i32>} : memref<128xi32, #tpu.memory_space<vmem>>, vector<16xi32>,
        %swap3A_348 = vector.shape_cast %swap3A_347 : vector<16xi32> to vector<16xi32>
        %swap3A_349 = vector.shape_cast %add3A_345 : vector<16xi32> to vector<16xi32>
        tpu.vector_store %arg25[%swap3A_346], %swap3A_349 {strides = array<i32>} : memref<128xi32, #tpu.memory_space<vmem>>, vector<16xi32>,
        %get3A_350 = arith.constant 16 : index
        %get3A_351 = tpu.vector_load %arg19[%get3A_350] {strides = array<i32>} : memref<128xi32, #tpu.memory_space<vmem>>, vector<16xi32>,
        %get3A_352 = vector.shape_cast %get3A_351 : vector<16xi32> to vector<16xi32>
        %mul3A_353 = arith.constant 16 : i32
        %mul3A_354 = vector.broadcast %mul3A_353 : i32 to vector<16xi32>
        %mul3A_355 = arith.muli %get3A_352, %mul3A_354 : vector<16xi32>
        %get3A_356 = arith.constant 16 : index
        %get3A_357 = tpu.vector_load %arg23[%get3A_356] {strides = array<i32>} : memref<128xi32, #tpu.memory_space<vmem>>, vector<16xi32>,
        %get3A_358 = vector.shape_cast %get3A_357 : vector<16xi32> to vector<16xi32>
        %add3A_359 = arith.addi %mul3A_355, %get3A_358 : vector<16xi32>
        %swap3A_360 = arith.constant 16 : index
        %swap3A_361 = tpu.vector_load %arg25[%swap3A_360] {strides = array<i32>} : memref<128xi32, #tpu.memory_space<vmem>>, vector<16xi32>,
        %swap3A_362 = vector.shape_cast %swap3A_361 : vector<16xi32> to vector<16xi32>
        %swap3A_363 = vector.shape_cast %add3A_359 : vector<16xi32> to vector<16xi32>
        tpu.vector_store %arg25[%swap3A_360], %swap3A_363 {strides = array<i32>} : memref<128xi32, #tpu.memory_space<vmem>>, vector<16xi32>,
        %get3A_364 = arith.constant 32 : index
        %get3A_365 = tpu.vector_load %arg19[%get3A_364] {strides = array<i32>} : memref<128xi32, #tpu.memory_space<vmem>>, vector<16xi32>,
        %get3A_366 = vector.shape_cast %get3A_365 : vector<16xi32> to vector<16xi32>
        %mul3A_367 = arith.constant 16 : i32
        %mul3A_368 = vector.broadcast %mul3A_367 : i32 to vector<16xi32>
        %mul3A_369 = arith.muli %get3A_366, %mul3A_368 : vector<16xi32>
        %get3A_370 = arith.constant 32 : index
        %get3A_371 = tpu.vector_load %arg23[%get3A_370] {strides = array<i32>} : memref<128xi32, #tpu.memory_space<vmem>>, vector<16xi32>,
        %get3A_372 = vector.shape_cast %get3A_371 : vector<16xi32> to vector<16xi32>
        %add3A_373 = arith.addi %mul3A_369, %get3A_372 : vector<16xi32>
        %swap3A_374 = arith.constant 32 : index
        %swap3A_375 = tpu.vector_load %arg25[%swap3A_374] {strides = array<i32>} : memref<128xi32, #tpu.memory_space<vmem>>, vector<16xi32>,
        %swap3A_376 = vector.shape_cast %swap3A_375 : vector<16xi32> to vector<16xi32>
        %swap3A_377 = vector.shape_cast %add3A_373 : vector<16xi32> to vector<16xi32>
        tpu.vector_store %arg25[%swap3A_374], %swap3A_377 {strides = array<i32>} : memref<128xi32, #tpu.memory_space<vmem>>, vector<16xi32>,
        %get3A_378 = arith.constant 48 : index
        %get3A_379 = tpu.vector_load %arg19[%get3A_378] {strides = array<i32>} : memref<128xi32, #tpu.memory_space<vmem>>, vector<16xi32>,
        %get3A_380 = vector.shape_cast %get3A_379 : vector<16xi32> to vector<16xi32>
        %mul3A_381 = arith.constant 16 : i32
        %mul3A_382 = vector.broadcast %mul3A_381 : i32 to vector<16xi32>
        %mul3A_383 = arith.muli %get3A_380, %mul3A_382 : vector<16xi32>
        %get3A_384 = arith.constant 48 : index
        %get3A_385 = tpu.vector_load %arg23[%get3A_384] {strides = array<i32>} : memref<128xi32, #tpu.memory_space<vmem>>, vector<16xi32>,
        %get3A_386 = vector.shape_cast %get3A_385 : vector<16xi32> to vector<16xi32>
        %add3A_387 = arith.addi %mul3A_383, %get3A_386 : vector<16xi32>
        %swap3A_388 = arith.constant 48 : index
        %swap3A_389 = tpu.vector_load %arg25[%swap3A_388] {strides = array<i32>} : memref<128xi32, #tpu.memory_space<vmem>>, vector<16xi32>,
        %swap3A_390 = vector.shape_cast %swap3A_389 : vector<16xi32> to vector<16xi32>
        %swap3A_391 = vector.shape_cast %add3A_387 : vector<16xi32> to vector<16xi32>
        tpu.vector_store %arg25[%swap3A_388], %swap3A_391 {strides = array<i32>} : memref<128xi32, #tpu.memory_space<vmem>>, vector<16xi32>,
        %get3A_392 = arith.constant 64 : index
        %get3A_393 = tpu.vector_load %arg19[%get3A_392] {strides = array<i32>} : memref<128xi32, #tpu.memory_space<vmem>>, vector<16xi32>,
        %get3A_394 = vector.shape_cast %get3A_393 : vector<16xi32> to vector<16xi32>
        %mul3A_395 = arith.constant 16 : i32
        %mul3A_396 = vector.broadcast %mul3A_395 : i32 to vector<16xi32>
        %mul3A_397 = arith.muli %get3A_394, %mul3A_396 : vector<16xi32>
        %get3A_398 = arith.constant 64 : index
        %get3A_399 = tpu.vector_load %arg23[%get3A_398] {strides = array<i32>} : memref<128xi32, #tpu.memory_space<vmem>>, vector<16xi32>,
        %get3A_400 = vector.shape_cast %get3A_399 : vector<16xi32> to vector<16xi32>
        %add3A_401 = arith.addi %mul3A_397, %get3A_400 : vector<16xi32>
        %swap3A_402 = arith.constant 64 : index
        %swap3A_403 = tpu.vector_load %arg25[%swap3A_402] {strides = array<i32>} : memref<128xi32, #tpu.memory_space<vmem>>, vector<16xi32>,
        %swap3A_404 = vector.shape_cast %swap3A_403 : vector<16xi32> to vector<16xi32>
        %swap3A_405 = vector.shape_cast %add3A_401 : vector<16xi32> to vector<16xi32>
        tpu.vector_store %arg25[%swap3A_402], %swap3A_405 {strides = array<i32>} : memref<128xi32, #tpu.memory_space<vmem>>, vector<16xi32>,
        %get3A_406 = arith.constant 80 : index
        %get3A_407 = tpu.vector_load %arg19[%get3A_406] {strides = array<i32>} : memref<128xi32, #tpu.memory_space<vmem>>, vector<16xi32>,
        %get3A_408 = vector.shape_cast %get3A_407 : vector<16xi32> to vector<16xi32>
        %mul3A_409 = arith.constant 16 : i32
        %mul3A_410 = vector.broadcast %mul3A_409 : i32 to vector<16xi32>
        %mul3A_411 = arith.muli %get3A_408, %mul3A_410 : vector<16xi32>
        %get3A_412 = arith.constant 80 : index
        %get3A_413 = tpu.vector_load %arg23[%get3A_412] {strides = array<i32>} : memref<128xi32, #tpu.memory_space<vmem>>, vector<16xi32>,
        %get3A_414 = vector.shape_cast %get3A_413 : vector<16xi32> to vector<16xi32>
        %add3A_415 = arith.addi %mul3A_411, %get3A_414 : vector<16xi32>
        %swap3A_416 = arith.constant 80 : index
        %swap3A_417 = tpu.vector_load %arg25[%swap3A_416] {strides = array<i32>} : memref<128xi32, #tpu.memory_space<vmem>>, vector<16xi32>,
        %swap3A_418 = vector.shape_cast %swap3A_417 : vector<16xi32> to vector<16xi32>
        %swap3A_419 = vector.shape_cast %add3A_415 : vector<16xi32> to vector<16xi32>
        tpu.vector_store %arg25[%swap3A_416], %swap3A_419 {strides = array<i32>} : memref<128xi32, #tpu.memory_space<vmem>>, vector<16xi32>,
        %get3A_420 = arith.constant 96 : index
        %get3A_421 = tpu.vector_load %arg19[%get3A_420] {strides = array<i32>} : memref<128xi32, #tpu.memory_space<vmem>>, vector<16xi32>,
        %get3A_422 = vector.shape_cast %get3A_421 : vector<16xi32> to vector<16xi32>
        %mul3A_423 = arith.constant 16 : i32
        %mul3A_424 = vector.broadcast %mul3A_423 : i32 to vector<16xi32>
        %mul3A_425 = arith.muli %get3A_422, %mul3A_424 : vector<16xi32>
        %get3A_426 = arith.constant 96 : index
        %get3A_427 = tpu.vector_load %arg23[%get3A_426] {strides = array<i32>} : memref<128xi32, #tpu.memory_space<vmem>>, vector<16xi32>,
        %get3A_428 = vector.shape_cast %get3A_427 : vector<16xi32> to vector<16xi32>
        %add3A_429 = arith.addi %mul3A_425, %get3A_428 : vector<16xi32>
        %swap3A_430 = arith.constant 96 : index
        %swap3A_431 = tpu.vector_load %arg25[%swap3A_430] {strides = array<i32>} : memref<128xi32, #tpu.memory_space<vmem>>, vector<16xi32>,
        %swap3A_432 = vector.shape_cast %swap3A_431 : vector<16xi32> to vector<16xi32>
        %swap3A_433 = vector.shape_cast %add3A_429 : vector<16xi32> to vector<16xi32>
        tpu.vector_store %arg25[%swap3A_430], %swap3A_433 {strides = array<i32>} : memref<128xi32, #tpu.memory_space<vmem>>, vector<16xi32>,
        %get3A_434 = arith.constant 112 : index
        %get3A_435 = tpu.vector_load %arg19[%get3A_434] {strides = array<i32>} : memref<128xi32, #tpu.memory_space<vmem>>, vector<16xi32>,
        %get3A_436 = vector.shape_cast %get3A_435 : vector<16xi32> to vector<16xi32>
        %mul3A_437 = arith.constant 16 : i32
        %mul3A_438 = vector.broadcast %mul3A_437 : i32 to vector<16xi32>
        %mul3A_439 = arith.muli %get3A_436, %mul3A_438 : vector<16xi32>
        %get3A_440 = arith.constant 112 : index
        %get3A_441 = tpu.vector_load %arg23[%get3A_440] {strides = array<i32>} : memref<128xi32, #tpu.memory_space<vmem>>, vector<16xi32>,
        %get3A_442 = vector.shape_cast %get3A_441 : vector<16xi32> to vector<16xi32>
        %add3A_443 = arith.addi %mul3A_439, %get3A_442 : vector<16xi32>
        %swap3A_444 = arith.constant 112 : index
        %swap3A_445 = tpu.vector_load %arg25[%swap3A_444] {strides = array<i32>} : memref<128xi32, #tpu.memory_space<vmem>>, vector<16xi32>,
        %swap3A_446 = vector.shape_cast %swap3A_445 : vector<16xi32> to vector<16xi32>
        %swap3A_447 = vector.shape_cast %add3A_443 : vector<16xi32> to vector<16xi32>
        tpu.vector_store %arg25[%swap3A_444], %swap3A_447 {strides = array<i32>} : memref<128xi32, #tpu.memory_space<vmem>>, vector<16xi32>,
        %dma_start3A_448 = arith.constant 0 : i32
        %dma_start3A_449 = tpu.memref_slice %arg30[%dma_start3A_448] : memref<163840xf32, #tpu.memory_space<vmem_shared>> -> memref<163840xf32, #tpu.memory_space<vmem_shared>>
        tpu.enqueue_indirect_dma source(%arg27 : memref<128xf32, #tpu.memory_space<vmem>>) target(%dma_start3A_449 : memref<163840xf32, #tpu.memory_space<vmem_shared>>) offsets(%arg25 : memref<128xi32, #tpu.memory_space<vmem>>) semaphore(%arg39 : memref<!tpu.dma_semaphore, #tpu.memory_space<semaphore_mem>>) {add = true}
      } else {
      }
      %dma_start3A_302 = arith.constant 0 : i32
      %dma_start3A_303 = arith.constant 0 : i32
      %dma_start3A_304 = tpu.memref_slice %arg29[%dma_start3A_302, %dma_start3A_303] : memref<10240x128xf32, #tpu.memory_space<vmem_shared>> -> memref<10240x128xf32, #tpu.memory_space<vmem_shared>>
      tpu.enqueue_indirect_dma source(%arg11 : memref<128x128xf32, #tpu.memory_space<vmem>>) target(%dma_start3A_304 : memref<10240x128xf32, #tpu.memory_space<vmem_shared>>) offsets(%arg19 : memref<128xi32, #tpu.memory_space<vmem>>) semaphore(%arg37 : memref<!tpu.dma_semaphore, #tpu.memory_space<semaphore_mem>>) {add = true}
      %mul3A_305 = arith.constant 4 : i32
      %mul3A_306 = arith.muli %scan3A_224, %mul3A_305 : i32
      %add3A_307 = arith.constant 3 : i32
      %add3A_308 = arith.addi %mul3A_306, %add3A_307 : i32
      %ge3A_309 = arith.constant 1 : i32
      %ge3A_310 = arith.cmpi sge, %add3A_308, %ge3A_309 : i32
      %convert_element_type3A_311 = arith.extui %ge3A_310 : i1 to i32
      %cond3A_312 = arith.constant 0 : i32
      %cond3A_313 = arith.cmpi ne, %convert_element_type3A_311, %cond3A_312 : i32
      scf.if %cond3A_313 {
        %dma_wait3A_332 = arith.constant 0 : i32
        %dma_wait3A_333 = arith.constant 0 : i32
        %dma_wait3A_334 = tpu.memref_slice %arg6[%dma_wait3A_332, %dma_wait3A_333] : memref<640x128xf32, #tpu.memory_space<hbm>> -> memref<128x128xf32, #tpu.memory_space<hbm>>
        %dma_wait3A_335 = arith.constant 0 : i32
        %dma_wait3A_336 = arith.constant 0 : i32
        %dma_wait3A_337 = tpu.memref_slice %arg6[%dma_wait3A_335, %dma_wait3A_336] : memref<640x128xf32, #tpu.memory_space<hbm>> -> memref<128x128xf32, #tpu.memory_space<hbm>>
        tpu.wait_dma2 semaphore(%arg37 : memref<!tpu.dma_semaphore, #tpu.memory_space<semaphore_mem>>) src(%dma_wait3A_337 : memref<128x128xf32, #tpu.memory_space<hbm>>) dst(%arg11 : memref<128x128xf32, #tpu.memory_space<vmem>>)
        %add3A_338 = arith.constant 3 : i32
        %add3A_339 = arith.addi %add3A_308, %add3A_338 : i32
        %lt3A_340 = arith.constant 80 : i32
        %lt3A_341 = arith.cmpi slt, %add3A_339, %lt3A_340 : i32
        %convert_element_type3A_342 = arith.extui %lt3A_341 : i1 to i32
        %cond3A_343 = arith.constant 0 : i32
        %cond3A_344 = arith.cmpi ne, %convert_element_type3A_342, %cond3A_343 : i32
        scf.if %cond3A_344 {
          %add3A_345 = arith.constant 3 : i32
          %add3A_346 = arith.addi %add3A_308, %add3A_345 : i32
          %mul3A_347 = arith.constant 128 : i32
          %mul3A_348 = arith.muli %add3A_346, %mul3A_347 : i32
          %add3A_349 = arith.addi %add3A_70, %mul3A_348 : i32
          %dma_start3A_350 = tpu.memref_slice %arg2[%add3A_349] : memref<327680xi32, #tpu.memory_space<hbm>> -> memref<128xi32, #tpu.memory_space<hbm>>
          %dma_start3A_351 = tpu.memref_slice %arg2[%add3A_349] : memref<327680xi32, #tpu.memory_space<hbm>> -> memref<128xi32, #tpu.memory_space<hbm>>
          tpu.enqueue_dma source(%dma_start3A_351 : memref<128xi32, #tpu.memory_space<hbm>>) target(%arg15 : memref<128xi32, #tpu.memory_space<vmem>>) target_semaphore(%arg35 : memref<!tpu.dma_semaphore, #tpu.memory_space<semaphore_mem>>)
          %mul3A_352 = arith.constant 128 : i32
          %mul3A_353 = arith.muli %add3A_346, %mul3A_352 : i32
          %add3A_354 = arith.addi %mul3A_67, %mul3A_353 : i32
          %dma_start3A_355 = tpu.memref_slice %arg3[%add3A_354] : memref<163840xi32, #tpu.memory_space<hbm>> -> memref<128xi32, #tpu.memory_space<hbm>>
          %dma_start3A_356 = tpu.memref_slice %arg3[%add3A_354] : memref<163840xi32, #tpu.memory_space<hbm>> -> memref<128xi32, #tpu.memory_space<hbm>>
          tpu.enqueue_dma source(%dma_start3A_356 : memref<128xi32, #tpu.memory_space<hbm>>) target(%arg19 : memref<128xi32, #tpu.memory_space<vmem>>) target_semaphore(%arg35 : memref<!tpu.dma_semaphore, #tpu.memory_space<semaphore_mem>>)
          %mul3A_357 = arith.constant 128 : i32
          %mul3A_358 = arith.muli %add3A_346, %mul3A_357 : i32
          %add3A_359 = arith.addi %mul3A_67, %mul3A_358 : i32
          %dma_start3A_360 = tpu.memref_slice %arg4[%add3A_359] : memref<163840xi32, #tpu.memory_space<hbm>> -> memref<128xi32, #tpu.memory_space<hbm>>
          %dma_start3A_361 = tpu.memref_slice %arg4[%add3A_359] : memref<163840xi32, #tpu.memory_space<hbm>> -> memref<128xi32, #tpu.memory_space<hbm>>
          tpu.enqueue_dma source(%dma_start3A_361 : memref<128xi32, #tpu.memory_space<hbm>>) target(%arg23 : memref<128xi32, #tpu.memory_space<vmem>>) target_semaphore(%arg35 : memref<!tpu.dma_semaphore, #tpu.memory_space<semaphore_mem>>)
        } else {
        }
      } else {
      }
      %add3A_314 = arith.constant 1 : i32
      %add3A_315 = arith.addi %add3A_308, %add3A_314 : i32
      %lt3A_316 = arith.constant 80 : i32
      %lt3A_317 = arith.cmpi slt, %add3A_315, %lt3A_316 : i32
      %convert_element_type3A_318 = arith.extui %lt3A_317 : i1 to i32
      %cond3A_319 = arith.constant 0 : i32
      %cond3A_320 = arith.cmpi ne, %convert_element_type3A_318, %cond3A_319 : i32
      scf.if %cond3A_320 {
        %dma_wait3A_332 = arith.constant 0 : i32
        %dma_wait3A_333 = tpu.memref_slice %arg3[%dma_wait3A_332] : memref<163840xi32, #tpu.memory_space<hbm>> -> memref<128xi32, #tpu.memory_space<hbm>>
        %dma_wait3A_334 = arith.constant 0 : i32
        %dma_wait3A_335 = tpu.memref_slice %arg3[%dma_wait3A_334] : memref<163840xi32, #tpu.memory_space<hbm>> -> memref<128xi32, #tpu.memory_space<hbm>>
        tpu.wait_dma2 semaphore(%arg33 : memref<!tpu.dma_semaphore, #tpu.memory_space<semaphore_mem>>) src(%dma_wait3A_335 : memref<128xi32, #tpu.memory_space<hbm>>) dst(%arg17 : memref<128xi32, #tpu.memory_space<vmem>>)
        %dma_wait3A_336 = arith.constant 0 : i32
        %dma_wait3A_337 = tpu.memref_slice %arg3[%dma_wait3A_336] : memref<163840xi32, #tpu.memory_space<hbm>> -> memref<128xi32, #tpu.memory_space<hbm>>
        %dma_wait3A_338 = arith.constant 0 : i32
        %dma_wait3A_339 = tpu.memref_slice %arg3[%dma_wait3A_338] : memref<163840xi32, #tpu.memory_space<hbm>> -> memref<128xi32, #tpu.memory_space<hbm>>
        tpu.wait_dma2 semaphore(%arg33 : memref<!tpu.dma_semaphore, #tpu.memory_space<semaphore_mem>>) src(%dma_wait3A_339 : memref<128xi32, #tpu.memory_space<hbm>>) dst(%arg17 : memref<128xi32, #tpu.memory_space<vmem>>)
        %dma_wait3A_340 = arith.constant 0 : i32
        %dma_wait3A_341 = tpu.memref_slice %arg3[%dma_wait3A_340] : memref<163840xi32, #tpu.memory_space<hbm>> -> memref<128xi32, #tpu.memory_space<hbm>>
        %dma_wait3A_342 = arith.constant 0 : i32
        %dma_wait3A_343 = tpu.memref_slice %arg3[%dma_wait3A_342] : memref<163840xi32, #tpu.memory_space<hbm>> -> memref<128xi32, #tpu.memory_space<hbm>>
        tpu.wait_dma2 semaphore(%arg33 : memref<!tpu.dma_semaphore, #tpu.memory_space<semaphore_mem>>) src(%dma_wait3A_343 : memref<128xi32, #tpu.memory_space<hbm>>) dst(%arg17 : memref<128xi32, #tpu.memory_space<vmem>>)
        %add3A_344 = arith.constant 1 : i32
        %add3A_345 = arith.addi %add3A_308, %add3A_344 : i32
        %dma_start3A_346 = arith.constant 0 : i32
        %dma_start3A_347 = arith.constant 0 : i32
        %dma_start3A_348 = tpu.memref_slice %arg5[%dma_start3A_346, %dma_start3A_347] : memref<20000x128xf32, #tpu.memory_space<hbm>> -> memref<20000x128xf32, #tpu.memory_space<hbm>>
        tpu.enqueue_indirect_dma source(%dma_start3A_348 : memref<20000x128xf32, #tpu.memory_space<hbm>>) target(%arg11 : memref<128x128xf32, #tpu.memory_space<vmem>>) offsets(%arg13 : memref<128xi32, #tpu.memory_space<vmem>>) semaphore(%arg31 : memref<!tpu.dma_semaphore, #tpu.memory_space<semaphore_mem>>)
      } else {
      }
      %dma_wait3A_321 = arith.constant 0 : i32
      %dma_wait3A_322 = arith.constant 0 : i32
      %dma_wait3A_323 = tpu.memref_slice %arg5[%dma_wait3A_321, %dma_wait3A_322] : memref<20000x128xf32, #tpu.memory_space<hbm>> -> memref<20000x128xf32, #tpu.memory_space<hbm>>
      tpu.wait_indirect_dma semaphore(%arg32 : memref<!tpu.dma_semaphore, #tpu.memory_space<semaphore_mem>>) src(%dma_wait3A_323 : memref<20000x128xf32, #tpu.memory_space<hbm>>) dst(%arg12 : memref<128x128xf32, #tpu.memory_space<vmem>>)
      %eq3A_324 = arith.constant 1 : i32
      %eq3A_325 = arith.cmpi eq, %arg0, %eq3A_324 : i32
      %convert_element_type3A_326 = arith.extui %eq3A_325 : i1 to i32
      %cond3A_327 = arith.constant 0 : i32
      %cond3A_328 = arith.cmpi ne, %convert_element_type3A_326, %cond3A_327 : i32
      scf.if %cond3A_328 {
        %ge3A_332 = arith.constant 2 : i32
        %ge3A_333 = arith.cmpi sge, %add3A_308, %ge3A_332 : i32
        %convert_element_type3A_334 = arith.extui %ge3A_333 : i1 to i32
        %cond3A_335 = arith.constant 0 : i32
        %cond3A_336 = arith.cmpi ne, %convert_element_type3A_334, %cond3A_335 : i32
        scf.if %cond3A_336 {
          %dma_wait3A_450 = arith.constant 0 : i32
          %dma_wait3A_451 = tpu.memref_slice %arg7[%dma_wait3A_450] : memref<2048xf32, #tpu.memory_space<hbm>> -> memref<128xf32, #tpu.memory_space<hbm>>
          %dma_wait3A_452 = arith.constant 0 : i32
          %dma_wait3A_453 = tpu.memref_slice %arg7[%dma_wait3A_452] : memref<2048xf32, #tpu.memory_space<hbm>> -> memref<128xf32, #tpu.memory_space<hbm>>
          tpu.wait_dma2 semaphore(%arg39 : memref<!tpu.dma_semaphore, #tpu.memory_space<semaphore_mem>>) src(%dma_wait3A_453 : memref<128xf32, #tpu.memory_space<hbm>>) dst(%arg27 : memref<128xf32, #tpu.memory_space<vmem>>)
        } else {
        }
        %get3A = arith.constant 0 : index
        %get3A_337 = tpu.vector_load %arg20[%get3A] {strides = array<i32>} : memref<128xi32, #tpu.memory_space<vmem>>, vector<16xi32>,
        %get3A_338 = vector.shape_cast %get3A_337 : vector<16xi32> to vector<16xi32>
        %mul3A_339 = arith.constant 16 : i32
        %mul3A_340 = vector.broadcast %mul3A_339 : i32 to vector<16xi32>
        %mul3A_341 = arith.muli %get3A_338, %mul3A_340 : vector<16xi32>
        %get3A_342 = arith.constant 0 : index
        %get3A_343 = tpu.vector_load %arg24[%get3A_342] {strides = array<i32>} : memref<128xi32, #tpu.memory_space<vmem>>, vector<16xi32>,
        %get3A_344 = vector.shape_cast %get3A_343 : vector<16xi32> to vector<16xi32>
        %add3A_345 = arith.addi %mul3A_341, %get3A_344 : vector<16xi32>
        %swap3A_346 = arith.constant 0 : index
        %swap3A_347 = tpu.vector_load %arg26[%swap3A_346] {strides = array<i32>} : memref<128xi32, #tpu.memory_space<vmem>>, vector<16xi32>,
        %swap3A_348 = vector.shape_cast %swap3A_347 : vector<16xi32> to vector<16xi32>
        %swap3A_349 = vector.shape_cast %add3A_345 : vector<16xi32> to vector<16xi32>
        tpu.vector_store %arg26[%swap3A_346], %swap3A_349 {strides = array<i32>} : memref<128xi32, #tpu.memory_space<vmem>>, vector<16xi32>,
        %get3A_350 = arith.constant 16 : index
        %get3A_351 = tpu.vector_load %arg20[%get3A_350] {strides = array<i32>} : memref<128xi32, #tpu.memory_space<vmem>>, vector<16xi32>,
        %get3A_352 = vector.shape_cast %get3A_351 : vector<16xi32> to vector<16xi32>
        %mul3A_353 = arith.constant 16 : i32
        %mul3A_354 = vector.broadcast %mul3A_353 : i32 to vector<16xi32>
        %mul3A_355 = arith.muli %get3A_352, %mul3A_354 : vector<16xi32>
        %get3A_356 = arith.constant 16 : index
        %get3A_357 = tpu.vector_load %arg24[%get3A_356] {strides = array<i32>} : memref<128xi32, #tpu.memory_space<vmem>>, vector<16xi32>,
        %get3A_358 = vector.shape_cast %get3A_357 : vector<16xi32> to vector<16xi32>
        %add3A_359 = arith.addi %mul3A_355, %get3A_358 : vector<16xi32>
        %swap3A_360 = arith.constant 16 : index
        %swap3A_361 = tpu.vector_load %arg26[%swap3A_360] {strides = array<i32>} : memref<128xi32, #tpu.memory_space<vmem>>, vector<16xi32>,
        %swap3A_362 = vector.shape_cast %swap3A_361 : vector<16xi32> to vector<16xi32>
        %swap3A_363 = vector.shape_cast %add3A_359 : vector<16xi32> to vector<16xi32>
        tpu.vector_store %arg26[%swap3A_360], %swap3A_363 {strides = array<i32>} : memref<128xi32, #tpu.memory_space<vmem>>, vector<16xi32>,
        %get3A_364 = arith.constant 32 : index
        %get3A_365 = tpu.vector_load %arg20[%get3A_364] {strides = array<i32>} : memref<128xi32, #tpu.memory_space<vmem>>, vector<16xi32>,
        %get3A_366 = vector.shape_cast %get3A_365 : vector<16xi32> to vector<16xi32>
        %mul3A_367 = arith.constant 16 : i32
        %mul3A_368 = vector.broadcast %mul3A_367 : i32 to vector<16xi32>
        %mul3A_369 = arith.muli %get3A_366, %mul3A_368 : vector<16xi32>
        %get3A_370 = arith.constant 32 : index
        %get3A_371 = tpu.vector_load %arg24[%get3A_370] {strides = array<i32>} : memref<128xi32, #tpu.memory_space<vmem>>, vector<16xi32>,
        %get3A_372 = vector.shape_cast %get3A_371 : vector<16xi32> to vector<16xi32>
        %add3A_373 = arith.addi %mul3A_369, %get3A_372 : vector<16xi32>
        %swap3A_374 = arith.constant 32 : index
        %swap3A_375 = tpu.vector_load %arg26[%swap3A_374] {strides = array<i32>} : memref<128xi32, #tpu.memory_space<vmem>>, vector<16xi32>,
        %swap3A_376 = vector.shape_cast %swap3A_375 : vector<16xi32> to vector<16xi32>
        %swap3A_377 = vector.shape_cast %add3A_373 : vector<16xi32> to vector<16xi32>
        tpu.vector_store %arg26[%swap3A_374], %swap3A_377 {strides = array<i32>} : memref<128xi32, #tpu.memory_space<vmem>>, vector<16xi32>,
        %get3A_378 = arith.constant 48 : index
        %get3A_379 = tpu.vector_load %arg20[%get3A_378] {strides = array<i32>} : memref<128xi32, #tpu.memory_space<vmem>>, vector<16xi32>,
        %get3A_380 = vector.shape_cast %get3A_379 : vector<16xi32> to vector<16xi32>
        %mul3A_381 = arith.constant 16 : i32
        %mul3A_382 = vector.broadcast %mul3A_381 : i32 to vector<16xi32>
        %mul3A_383 = arith.muli %get3A_380, %mul3A_382 : vector<16xi32>
        %get3A_384 = arith.constant 48 : index
        %get3A_385 = tpu.vector_load %arg24[%get3A_384] {strides = array<i32>} : memref<128xi32, #tpu.memory_space<vmem>>, vector<16xi32>,
        %get3A_386 = vector.shape_cast %get3A_385 : vector<16xi32> to vector<16xi32>
        %add3A_387 = arith.addi %mul3A_383, %get3A_386 : vector<16xi32>
        %swap3A_388 = arith.constant 48 : index
        %swap3A_389 = tpu.vector_load %arg26[%swap3A_388] {strides = array<i32>} : memref<128xi32, #tpu.memory_space<vmem>>, vector<16xi32>,
        %swap3A_390 = vector.shape_cast %swap3A_389 : vector<16xi32> to vector<16xi32>
        %swap3A_391 = vector.shape_cast %add3A_387 : vector<16xi32> to vector<16xi32>
        tpu.vector_store %arg26[%swap3A_388], %swap3A_391 {strides = array<i32>} : memref<128xi32, #tpu.memory_space<vmem>>, vector<16xi32>,
        %get3A_392 = arith.constant 64 : index
        %get3A_393 = tpu.vector_load %arg20[%get3A_392] {strides = array<i32>} : memref<128xi32, #tpu.memory_space<vmem>>, vector<16xi32>,
        %get3A_394 = vector.shape_cast %get3A_393 : vector<16xi32> to vector<16xi32>
        %mul3A_395 = arith.constant 16 : i32
        %mul3A_396 = vector.broadcast %mul3A_395 : i32 to vector<16xi32>
        %mul3A_397 = arith.muli %get3A_394, %mul3A_396 : vector<16xi32>
        %get3A_398 = arith.constant 64 : index
        %get3A_399 = tpu.vector_load %arg24[%get3A_398] {strides = array<i32>} : memref<128xi32, #tpu.memory_space<vmem>>, vector<16xi32>,
        %get3A_400 = vector.shape_cast %get3A_399 : vector<16xi32> to vector<16xi32>
        %add3A_401 = arith.addi %mul3A_397, %get3A_400 : vector<16xi32>
        %swap3A_402 = arith.constant 64 : index
        %swap3A_403 = tpu.vector_load %arg26[%swap3A_402] {strides = array<i32>} : memref<128xi32, #tpu.memory_space<vmem>>, vector<16xi32>,
        %swap3A_404 = vector.shape_cast %swap3A_403 : vector<16xi32> to vector<16xi32>
        %swap3A_405 = vector.shape_cast %add3A_401 : vector<16xi32> to vector<16xi32>
        tpu.vector_store %arg26[%swap3A_402], %swap3A_405 {strides = array<i32>} : memref<128xi32, #tpu.memory_space<vmem>>, vector<16xi32>,
        %get3A_406 = arith.constant 80 : index
        %get3A_407 = tpu.vector_load %arg20[%get3A_406] {strides = array<i32>} : memref<128xi32, #tpu.memory_space<vmem>>, vector<16xi32>,
        %get3A_408 = vector.shape_cast %get3A_407 : vector<16xi32> to vector<16xi32>
        %mul3A_409 = arith.constant 16 : i32
        %mul3A_410 = vector.broadcast %mul3A_409 : i32 to vector<16xi32>
        %mul3A_411 = arith.muli %get3A_408, %mul3A_410 : vector<16xi32>
        %get3A_412 = arith.constant 80 : index
        %get3A_413 = tpu.vector_load %arg24[%get3A_412] {strides = array<i32>} : memref<128xi32, #tpu.memory_space<vmem>>, vector<16xi32>,
        %get3A_414 = vector.shape_cast %get3A_413 : vector<16xi32> to vector<16xi32>
        %add3A_415 = arith.addi %mul3A_411, %get3A_414 : vector<16xi32>
        %swap3A_416 = arith.constant 80 : index
        %swap3A_417 = tpu.vector_load %arg26[%swap3A_416] {strides = array<i32>} : memref<128xi32, #tpu.memory_space<vmem>>, vector<16xi32>,
        %swap3A_418 = vector.shape_cast %swap3A_417 : vector<16xi32> to vector<16xi32>
        %swap3A_419 = vector.shape_cast %add3A_415 : vector<16xi32> to vector<16xi32>
        tpu.vector_store %arg26[%swap3A_416], %swap3A_419 {strides = array<i32>} : memref<128xi32, #tpu.memory_space<vmem>>, vector<16xi32>,
        %get3A_420 = arith.constant 96 : index
        %get3A_421 = tpu.vector_load %arg20[%get3A_420] {strides = array<i32>} : memref<128xi32, #tpu.memory_space<vmem>>, vector<16xi32>,
        %get3A_422 = vector.shape_cast %get3A_421 : vector<16xi32> to vector<16xi32>
        %mul3A_423 = arith.constant 16 : i32
        %mul3A_424 = vector.broadcast %mul3A_423 : i32 to vector<16xi32>
        %mul3A_425 = arith.muli %get3A_422, %mul3A_424 : vector<16xi32>
        %get3A_426 = arith.constant 96 : index
        %get3A_427 = tpu.vector_load %arg24[%get3A_426] {strides = array<i32>} : memref<128xi32, #tpu.memory_space<vmem>>, vector<16xi32>,
        %get3A_428 = vector.shape_cast %get3A_427 : vector<16xi32> to vector<16xi32>
        %add3A_429 = arith.addi %mul3A_425, %get3A_428 : vector<16xi32>
        %swap3A_430 = arith.constant 96 : index
        %swap3A_431 = tpu.vector_load %arg26[%swap3A_430] {strides = array<i32>} : memref<128xi32, #tpu.memory_space<vmem>>, vector<16xi32>,
        %swap3A_432 = vector.shape_cast %swap3A_431 : vector<16xi32> to vector<16xi32>
        %swap3A_433 = vector.shape_cast %add3A_429 : vector<16xi32> to vector<16xi32>
        tpu.vector_store %arg26[%swap3A_430], %swap3A_433 {strides = array<i32>} : memref<128xi32, #tpu.memory_space<vmem>>, vector<16xi32>,
        %get3A_434 = arith.constant 112 : index
        %get3A_435 = tpu.vector_load %arg20[%get3A_434] {strides = array<i32>} : memref<128xi32, #tpu.memory_space<vmem>>, vector<16xi32>,
        %get3A_436 = vector.shape_cast %get3A_435 : vector<16xi32> to vector<16xi32>
        %mul3A_437 = arith.constant 16 : i32
        %mul3A_438 = vector.broadcast %mul3A_437 : i32 to vector<16xi32>
        %mul3A_439 = arith.muli %get3A_436, %mul3A_438 : vector<16xi32>
        %get3A_440 = arith.constant 112 : index
        %get3A_441 = tpu.vector_load %arg24[%get3A_440] {strides = array<i32>} : memref<128xi32, #tpu.memory_space<vmem>>, vector<16xi32>,
        %get3A_442 = vector.shape_cast %get3A_441 : vector<16xi32> to vector<16xi32>
        %add3A_443 = arith.addi %mul3A_439, %get3A_442 : vector<16xi32>
        %swap3A_444 = arith.constant 112 : index
        %swap3A_445 = tpu.vector_load %arg26[%swap3A_444] {strides = array<i32>} : memref<128xi32, #tpu.memory_space<vmem>>, vector<16xi32>,
        %swap3A_446 = vector.shape_cast %swap3A_445 : vector<16xi32> to vector<16xi32>
        %swap3A_447 = vector.shape_cast %add3A_443 : vector<16xi32> to vector<16xi32>
        tpu.vector_store %arg26[%swap3A_444], %swap3A_447 {strides = array<i32>} : memref<128xi32, #tpu.memory_space<vmem>>, vector<16xi32>,
        %dma_start3A_448 = arith.constant 0 : i32
        %dma_start3A_449 = tpu.memref_slice %arg30[%dma_start3A_448] : memref<163840xf32, #tpu.memory_space<vmem_shared>> -> memref<163840xf32, #tpu.memory_space<vmem_shared>>
        tpu.enqueue_indirect_dma source(%arg27 : memref<128xf32, #tpu.memory_space<vmem>>) target(%dma_start3A_449 : memref<163840xf32, #tpu.memory_space<vmem_shared>>) offsets(%arg26 : memref<128xi32, #tpu.memory_space<vmem>>) semaphore(%arg39 : memref<!tpu.dma_semaphore, #tpu.memory_space<semaphore_mem>>) {add = true}
      } else {
      }
      %dma_start3A_329 = arith.constant 0 : i32
      %dma_start3A_330 = arith.constant 0 : i32
      %dma_start3A_331 = tpu.memref_slice %arg29[%dma_start3A_329, %dma_start3A_330] : memref<10240x128xf32, #tpu.memory_space<vmem_shared>> -> memref<10240x128xf32, #tpu.memory_space<vmem_shared>>
      tpu.enqueue_indirect_dma source(%arg12 : memref<128x128xf32, #tpu.memory_space<vmem>>) target(%dma_start3A_331 : memref<10240x128xf32, #tpu.memory_space<vmem_shared>>) offsets(%arg20 : memref<128xi32, #tpu.memory_space<vmem>>) semaphore(%arg38 : memref<!tpu.dma_semaphore, #tpu.memory_space<semaphore_mem>>) {add = true}
    }
    %scan3A_136 = arith.constant 20 : i32
    %dma_wait3A_137 = arith.constant 0 : i32
    %dma_wait3A_138 = arith.constant 0 : i32
    %dma_wait3A_139 = tpu.memref_slice %arg6[%dma_wait3A_137, %dma_wait3A_138] : memref<640x128xf32, #tpu.memory_space<hbm>> -> memref<128x128xf32, #tpu.memory_space<hbm>>
    %dma_wait3A_140 = arith.constant 0 : i32
    %dma_wait3A_141 = arith.constant 0 : i32
    %dma_wait3A_142 = tpu.memref_slice %arg6[%dma_wait3A_140, %dma_wait3A_141] : memref<640x128xf32, #tpu.memory_space<hbm>> -> memref<128x128xf32, #tpu.memory_space<hbm>>
    tpu.wait_dma2 semaphore(%arg38 : memref<!tpu.dma_semaphore, #tpu.memory_space<semaphore_mem>>) src(%dma_wait3A_142 : memref<128x128xf32, #tpu.memory_space<hbm>>) dst(%arg12 : memref<128x128xf32, #tpu.memory_space<vmem>>)
    %dma_wait3A_143 = arith.constant 0 : i32
    %dma_wait3A_144 = tpu.memref_slice %arg7[%dma_wait3A_143] : memref<2048xf32, #tpu.memory_space<hbm>> -> memref<128xf32, #tpu.memory_space<hbm>>
    %dma_wait3A_145 = arith.constant 0 : i32
    %dma_wait3A_146 = tpu.memref_slice %arg7[%dma_wait3A_145] : memref<2048xf32, #tpu.memory_space<hbm>> -> memref<128xf32, #tpu.memory_space<hbm>>
    tpu.wait_dma2 semaphore(%arg39 : memref<!tpu.dma_semaphore, #tpu.memory_space<semaphore_mem>>) src(%dma_wait3A_146 : memref<128xf32, #tpu.memory_space<hbm>>) dst(%arg27 : memref<128xf32, #tpu.memory_space<vmem>>)
    %barrier3A_147 = arith.constant 0 : index
    tpu.barrier barrier_id(%barrier3A_147)
    %lt3A = arith.constant 15 : i32
    %lt3A_148 = arith.cmpi slt, %arg1, %lt3A : i32
    %convert_element_type3A = arith.extui %lt3A_148 : i1 to i32
    %cond3A = arith.constant 0 : i32
    %cond3A_149 = arith.cmpi ne, %convert_element_type3A, %cond3A : i32
    scf.if %cond3A_149 {
      %mul3A_224 = arith.constant 640 : i32
      %mul3A_225 = arith.muli %arg1, %mul3A_224 : i32
      %mul3A_226 = arith.constant 10000 : i32
      %mul3A_227 = arith.muli %arg0, %mul3A_226 : i32
      %mul3A_228 = arith.constant 640 : i32
      %mul3A_229 = arith.muli %arg1, %mul3A_228 : i32
      %add3A_230 = arith.addi %mul3A_227, %mul3A_229 : i32
      "tpu.region"() ({
        %run_scoped3A = tpu.sem_alloc : memref<!tpu.dma_semaphore, #tpu.memory_space<semaphore_mem>>
        %dma_start3A_231 = arith.constant 0 : i32
        %dma_start3A_232 = tpu.memref_slice %arg8[%add3A_230, %dma_start3A_231] : memref<20000x128xf32, #tpu.memory_space<hbm>> -> memref<640x128xf32, #tpu.memory_space<hbm>>
        %dma_start3A_233 = arith.constant 0 : i32
        %dma_start3A_234 = tpu.memref_slice %arg29[%mul3A_225, %dma_start3A_233] : memref<10240x128xf32, #tpu.memory_space<vmem_shared>> -> memref<640x128xf32, #tpu.memory_space<vmem_shared>>
        tpu.enqueue_dma source(%dma_start3A_234 : memref<640x128xf32, #tpu.memory_space<vmem_shared>>) target(%dma_start3A_232 : memref<640x128xf32, #tpu.memory_space<hbm>>) target_semaphore(%run_scoped3A : memref<!tpu.dma_semaphore, #tpu.memory_space<semaphore_mem>>)
        %dma_wait3A_235 = arith.constant 0 : i32
        %dma_wait3A_236 = tpu.memref_slice %arg8[%add3A_230, %dma_wait3A_235] : memref<20000x128xf32, #tpu.memory_space<hbm>> -> memref<640x128xf32, #tpu.memory_space<hbm>>
        %dma_wait3A_237 = arith.constant 0 : i32
        %dma_wait3A_238 = tpu.memref_slice %arg29[%mul3A_225, %dma_wait3A_237] : memref<10240x128xf32, #tpu.memory_space<vmem_shared>> -> memref<640x128xf32, #tpu.memory_space<vmem_shared>>
        tpu.wait_dma2 semaphore(%run_scoped3A : memref<!tpu.dma_semaphore, #tpu.memory_space<semaphore_mem>>) src(%dma_wait3A_238 : memref<640x128xf32, #tpu.memory_space<vmem_shared>>) dst(%dma_wait3A_236 : memref<640x128xf32, #tpu.memory_space<hbm>>)
        tpu.yield
      }) : () -> ()
    } else {
    }
    %eq3A = arith.constant 15 : i32
    %eq3A_150 = arith.cmpi eq, %arg1, %eq3A : i32
    %convert_element_type3A_151 = arith.extui %eq3A_150 : i1 to i32
    %cond3A_152 = arith.constant 0 : i32
    %cond3A_153 = arith.cmpi ne, %convert_element_type3A_151, %cond3A_152 : i32
    scf.if %cond3A_153 {
      %mul3A_224 = arith.constant 10000 : i32
      %mul3A_225 = arith.muli %arg0, %mul3A_224 : i32
      %add3A_226 = arith.constant 9600 : i32
      %add3A_227 = arith.addi %mul3A_225, %add3A_226 : i32
      "tpu.region"() ({
        %run_scoped3A = tpu.sem_alloc : memref<!tpu.dma_semaphore, #tpu.memory_space<semaphore_mem>>
        %dma_start3A_228 = arith.constant 0 : i32
        %dma_start3A_229 = tpu.memref_slice %arg8[%add3A_227, %dma_start3A_228] : memref<20000x128xf32, #tpu.memory_space<hbm>> -> memref<400x128xf32, #tpu.memory_space<hbm>>
        %dma_start3A_230 = arith.constant 9600 : i32
        %dma_start3A_231 = arith.constant 0 : i32
        %dma_start3A_232 = tpu.memref_slice %arg29[%dma_start3A_230, %dma_start3A_231] : memref<10240x128xf32, #tpu.memory_space<vmem_shared>> -> memref<400x128xf32, #tpu.memory_space<vmem_shared>>
        tpu.enqueue_dma source(%dma_start3A_232 : memref<400x128xf32, #tpu.memory_space<vmem_shared>>) target(%dma_start3A_229 : memref<400x128xf32, #tpu.memory_space<hbm>>) target_semaphore(%run_scoped3A : memref<!tpu.dma_semaphore, #tpu.memory_space<semaphore_mem>>)
        %dma_wait3A_233 = arith.constant 0 : i32
        %dma_wait3A_234 = tpu.memref_slice %arg8[%add3A_227, %dma_wait3A_233] : memref<20000x128xf32, #tpu.memory_space<hbm>> -> memref<400x128xf32, #tpu.memory_space<hbm>>
        %dma_wait3A_235 = arith.constant 9600 : i32
        %dma_wait3A_236 = arith.constant 0 : i32
        %dma_wait3A_237 = tpu.memref_slice %arg29[%dma_wait3A_235, %dma_wait3A_236] : memref<10240x128xf32, #tpu.memory_space<vmem_shared>> -> memref<400x128xf32, #tpu.memory_space<vmem_shared>>
        tpu.wait_dma2 semaphore(%run_scoped3A : memref<!tpu.dma_semaphore, #tpu.memory_space<semaphore_mem>>) src(%dma_wait3A_237 : memref<400x128xf32, #tpu.memory_space<vmem_shared>>) dst(%dma_wait3A_234 : memref<400x128xf32, #tpu.memory_space<hbm>>)
        tpu.yield
      }) : () -> ()
    } else {
    }
    %mul3A_154 = arith.constant 10000 : i32
    %mul3A_155 = arith.muli %arg1, %mul3A_154 : i32
    %add3A_156 = arith.constant 0 : i32
    %add3A_157 = arith.addi %mul3A_155, %add3A_156 : i32
    "tpu.region"() ({
      %run_scoped3A = tpu.sem_alloc : memref<!tpu.dma_semaphore, #tpu.memory_space<semaphore_mem>>
      %dma_start3A_224 = arith.constant 0 : i32
      %dma_start3A_225 = tpu.memref_slice %arg28[%dma_start3A_224] : memref<2048xf32, #tpu.memory_space<vmem>> -> memref<2000xf32, #tpu.memory_space<vmem>>
      %dma_start3A_226 = tpu.memref_slice %arg30[%add3A_157] : memref<163840xf32, #tpu.memory_space<vmem_shared>> -> memref<2000xf32, #tpu.memory_space<vmem_shared>>
      %dma_start3A_227 = arith.constant 0 : i32
      %dma_start3A_228 = tpu.memref_slice %arg28[%dma_start3A_227] : memref<2048xf32, #tpu.memory_space<vmem>> -> memref<2000xf32, #tpu.memory_space<vmem>>
      %dma_start3A_229 = tpu.memref_slice %arg30[%add3A_157] : memref<163840xf32, #tpu.memory_space<vmem_shared>> -> memref<2000xf32, #tpu.memory_space<vmem_shared>>
      tpu.enqueue_dma source(%dma_start3A_229 : memref<2000xf32, #tpu.memory_space<vmem_shared>>) target(%dma_start3A_228 : memref<2000xf32, #tpu.memory_space<vmem>>) target_semaphore(%run_scoped3A : memref<!tpu.dma_semaphore, #tpu.memory_space<semaphore_mem>>)
      %dma_wait3A_230 = arith.constant 0 : i32
      %dma_wait3A_231 = tpu.memref_slice %arg28[%dma_wait3A_230] : memref<2048xf32, #tpu.memory_space<vmem>> -> memref<2000xf32, #tpu.memory_space<vmem>>
      %dma_wait3A_232 = tpu.memref_slice %arg30[%add3A_157] : memref<163840xf32, #tpu.memory_space<vmem_shared>> -> memref<2000xf32, #tpu.memory_space<vmem_shared>>
      %dma_wait3A_233 = arith.constant 0 : i32
      %dma_wait3A_234 = tpu.memref_slice %arg28[%dma_wait3A_233] : memref<2048xf32, #tpu.memory_space<vmem>> -> memref<2000xf32, #tpu.memory_space<vmem>>
      %dma_wait3A_235 = tpu.memref_slice %arg30[%add3A_157] : memref<163840xf32, #tpu.memory_space<vmem_shared>> -> memref<2000xf32, #tpu.memory_space<vmem_shared>>
      tpu.wait_dma2 semaphore(%run_scoped3A : memref<!tpu.dma_semaphore, #tpu.memory_space<semaphore_mem>>) src(%dma_wait3A_235 : memref<2000xf32, #tpu.memory_space<vmem_shared>>) dst(%dma_wait3A_234 : memref<2000xf32, #tpu.memory_space<vmem>>)
      tpu.yield
    }) : () -> ()
    %eq3A_158 = arith.constant 0 : i32
    %eq3A_159 = arith.cmpi eq, %arg0, %eq3A_158 : i32
    %convert_element_type3A_160 = arith.extui %eq3A_159 : i1 to i32
    %cond3A_161 = arith.constant 0 : i32
    %cond3A_162 = arith.cmpi ne, %convert_element_type3A_160, %cond3A_161 : i32
    scf.if %cond3A_162 {
      "tpu.region"() ({
        %run_scoped3A = tpu.sem_alloc : memref<!tpu.dma_semaphore, #tpu.memory_space<semaphore_mem>>
        %dma_start3A_224 = arith.constant 0 : i32
        %dma_start3A_225 = tpu.memref_slice %arg28[%dma_start3A_224] : memref<2048xf32, #tpu.memory_space<vmem>> -> memref<2000xf32, #tpu.memory_space<vmem>>
        %dma_start3A_226 = tpu.memref_slice %arg9[%add3A_157] : memref<160000xf32, #tpu.memory_space<hbm>> -> memref<2000xf32, #tpu.memory_space<hbm>>
        %dma_start3A_227 = tpu.memref_slice %arg9[%add3A_157] : memref<160000xf32, #tpu.memory_space<hbm>> -> memref<2000xf32, #tpu.memory_space<hbm>>
        %dma_start3A_228 = arith.constant 0 : i32
        %dma_start3A_229 = tpu.memref_slice %arg28[%dma_start3A_228] : memref<2048xf32, #tpu.memory_space<vmem>> -> memref<2000xf32, #tpu.memory_space<vmem>>
        tpu.enqueue_dma source(%dma_start3A_229 : memref<2000xf32, #tpu.memory_space<vmem>>) target(%dma_start3A_227 : memref<2000xf32, #tpu.memory_space<hbm>>) target_semaphore(%run_scoped3A : memref<!tpu.dma_semaphore, #tpu.memory_space<semaphore_mem>>)
        %dma_wait3A_230 = arith.constant 0 : i32
        %dma_wait3A_231 = tpu.memref_slice %arg28[%dma_wait3A_230] : memref<2048xf32, #tpu.memory_space<vmem>> -> memref<2000xf32, #tpu.memory_space<vmem>>
        %dma_wait3A_232 = tpu.memref_slice %arg9[%add3A_157] : memref<160000xf32, #tpu.memory_space<hbm>> -> memref<2000xf32, #tpu.memory_space<hbm>>
        %dma_wait3A_233 = tpu.memref_slice %arg9[%add3A_157] : memref<160000xf32, #tpu.memory_space<hbm>> -> memref<2000xf32, #tpu.memory_space<hbm>>
        %dma_wait3A_234 = arith.constant 0 : i32
        %dma_wait3A_235 = tpu.memref_slice %arg28[%dma_wait3A_234] : memref<2048xf32, #tpu.memory_space<vmem>> -> memref<2000xf32, #tpu.memory_space<vmem>>
        tpu.wait_dma2 semaphore(%run_scoped3A : memref<!tpu.dma_semaphore, #tpu.memory_space<semaphore_mem>>) src(%dma_wait3A_235 : memref<2000xf32, #tpu.memory_space<vmem>>) dst(%dma_wait3A_233 : memref<2000xf32, #tpu.memory_space<hbm>>)
        tpu.yield
      }) : () -> ()
    } else {
    }
    %eq3A_163 = arith.constant 1 : i32
    %eq3A_164 = arith.cmpi eq, %arg0, %eq3A_163 : i32
    %convert_element_type3A_165 = arith.extui %eq3A_164 : i1 to i32
    %cond3A_166 = arith.constant 0 : i32
    %cond3A_167 = arith.cmpi ne, %convert_element_type3A_165, %cond3A_166 : i32
    scf.if %cond3A_167 {
      "tpu.region"() ({
        %run_scoped3A = tpu.sem_alloc : memref<!tpu.dma_semaphore, #tpu.memory_space<semaphore_mem>>
        %dma_start3A_224 = arith.constant 0 : i32
        %dma_start3A_225 = tpu.memref_slice %arg28[%dma_start3A_224] : memref<2048xf32, #tpu.memory_space<vmem>> -> memref<2000xf32, #tpu.memory_space<vmem>>
        %dma_start3A_226 = tpu.memref_slice %arg10[%add3A_157] : memref<160000xf32, #tpu.memory_space<hbm>> -> memref<2000xf32, #tpu.memory_space<hbm>>
        %dma_start3A_227 = tpu.memref_slice %arg10[%add3A_157] : memref<160000xf32, #tpu.memory_space<hbm>> -> memref<2000xf32, #tpu.memory_space<hbm>>
        %dma_start3A_228 = arith.constant 0 : i32
        %dma_start3A_229 = tpu.memref_slice %arg28[%dma_start3A_228] : memref<2048xf32, #tpu.memory_space<vmem>> -> memref<2000xf32, #tpu.memory_space<vmem>>
        tpu.enqueue_dma source(%dma_start3A_229 : memref<2000xf32, #tpu.memory_space<vmem>>) target(%dma_start3A_227 : memref<2000xf32, #tpu.memory_space<hbm>>) target_semaphore(%run_scoped3A : memref<!tpu.dma_semaphore, #tpu.memory_space<semaphore_mem>>)
        %dma_wait3A_230 = arith.constant 0 : i32
        %dma_wait3A_231 = tpu.memref_slice %arg28[%dma_wait3A_230] : memref<2048xf32, #tpu.memory_space<vmem>> -> memref<2000xf32, #tpu.memory_space<vmem>>
        %dma_wait3A_232 = tpu.memref_slice %arg10[%add3A_157] : memref<160000xf32, #tpu.memory_space<hbm>> -> memref<2000xf32, #tpu.memory_space<hbm>>
        %dma_wait3A_233 = tpu.memref_slice %arg10[%add3A_157] : memref<160000xf32, #tpu.memory_space<hbm>> -> memref<2000xf32, #tpu.memory_space<hbm>>
        %dma_wait3A_234 = arith.constant 0 : i32
        %dma_wait3A_235 = tpu.memref_slice %arg28[%dma_wait3A_234] : memref<2048xf32, #tpu.memory_space<vmem>> -> memref<2000xf32, #tpu.memory_space<vmem>>
        tpu.wait_dma2 semaphore(%run_scoped3A : memref<!tpu.dma_semaphore, #tpu.memory_space<semaphore_mem>>) src(%dma_wait3A_235 : memref<2000xf32, #tpu.memory_space<vmem>>) dst(%dma_wait3A_233 : memref<2000xf32, #tpu.memory_space<hbm>>)
        tpu.yield
      }) : () -> ()
    } else {
    }
    %mul3A_168 = arith.constant 10000 : i32
    %mul3A_169 = arith.muli %arg1, %mul3A_168 : i32
    %add3A_170 = arith.constant 2000 : i32
    %add3A_171 = arith.addi %mul3A_169, %add3A_170 : i32
    "tpu.region"() ({
      %run_scoped3A = tpu.sem_alloc : memref<!tpu.dma_semaphore, #tpu.memory_space<semaphore_mem>>
      %dma_start3A_224 = arith.constant 0 : i32
      %dma_start3A_225 = tpu.memref_slice %arg28[%dma_start3A_224] : memref<2048xf32, #tpu.memory_space<vmem>> -> memref<2000xf32, #tpu.memory_space<vmem>>
      %dma_start3A_226 = tpu.memref_slice %arg30[%add3A_171] : memref<163840xf32, #tpu.memory_space<vmem_shared>> -> memref<2000xf32, #tpu.memory_space<vmem_shared>>
      %dma_start3A_227 = arith.constant 0 : i32
      %dma_start3A_228 = tpu.memref_slice %arg28[%dma_start3A_227] : memref<2048xf32, #tpu.memory_space<vmem>> -> memref<2000xf32, #tpu.memory_space<vmem>>
      %dma_start3A_229 = tpu.memref_slice %arg30[%add3A_171] : memref<163840xf32, #tpu.memory_space<vmem_shared>> -> memref<2000xf32, #tpu.memory_space<vmem_shared>>
      tpu.enqueue_dma source(%dma_start3A_229 : memref<2000xf32, #tpu.memory_space<vmem_shared>>) target(%dma_start3A_228 : memref<2000xf32, #tpu.memory_space<vmem>>) target_semaphore(%run_scoped3A : memref<!tpu.dma_semaphore, #tpu.memory_space<semaphore_mem>>)
      %dma_wait3A_230 = arith.constant 0 : i32
      %dma_wait3A_231 = tpu.memref_slice %arg28[%dma_wait3A_230] : memref<2048xf32, #tpu.memory_space<vmem>> -> memref<2000xf32, #tpu.memory_space<vmem>>
      %dma_wait3A_232 = tpu.memref_slice %arg30[%add3A_171] : memref<163840xf32, #tpu.memory_space<vmem_shared>> -> memref<2000xf32, #tpu.memory_space<vmem_shared>>
      %dma_wait3A_233 = arith.constant 0 : i32
      %dma_wait3A_234 = tpu.memref_slice %arg28[%dma_wait3A_233] : memref<2048xf32, #tpu.memory_space<vmem>> -> memref<2000xf32, #tpu.memory_space<vmem>>
      %dma_wait3A_235 = tpu.memref_slice %arg30[%add3A_171] : memref<163840xf32, #tpu.memory_space<vmem_shared>> -> memref<2000xf32, #tpu.memory_space<vmem_shared>>
      tpu.wait_dma2 semaphore(%run_scoped3A : memref<!tpu.dma_semaphore, #tpu.memory_space<semaphore_mem>>) src(%dma_wait3A_235 : memref<2000xf32, #tpu.memory_space<vmem_shared>>) dst(%dma_wait3A_234 : memref<2000xf32, #tpu.memory_space<vmem>>)
      tpu.yield
    }) : () -> ()
    %eq3A_172 = arith.constant 0 : i32
    %eq3A_173 = arith.cmpi eq, %arg0, %eq3A_172 : i32
    %convert_element_type3A_174 = arith.extui %eq3A_173 : i1 to i32
    %cond3A_175 = arith.constant 0 : i32
    %cond3A_176 = arith.cmpi ne, %convert_element_type3A_174, %cond3A_175 : i32
    scf.if %cond3A_176 {
      "tpu.region"() ({
        %run_scoped3A = tpu.sem_alloc : memref<!tpu.dma_semaphore, #tpu.memory_space<semaphore_mem>>
        %dma_start3A_224 = arith.constant 0 : i32
        %dma_start3A_225 = tpu.memref_slice %arg28[%dma_start3A_224] : memref<2048xf32, #tpu.memory_space<vmem>> -> memref<2000xf32, #tpu.memory_space<vmem>>
        %dma_start3A_226 = tpu.memref_slice %arg9[%add3A_171] : memref<160000xf32, #tpu.memory_space<hbm>> -> memref<2000xf32, #tpu.memory_space<hbm>>
        %dma_start3A_227 = tpu.memref_slice %arg9[%add3A_171] : memref<160000xf32, #tpu.memory_space<hbm>> -> memref<2000xf32, #tpu.memory_space<hbm>>
        %dma_start3A_228 = arith.constant 0 : i32
        %dma_start3A_229 = tpu.memref_slice %arg28[%dma_start3A_228] : memref<2048xf32, #tpu.memory_space<vmem>> -> memref<2000xf32, #tpu.memory_space<vmem>>
        tpu.enqueue_dma source(%dma_start3A_229 : memref<2000xf32, #tpu.memory_space<vmem>>) target(%dma_start3A_227 : memref<2000xf32, #tpu.memory_space<hbm>>) target_semaphore(%run_scoped3A : memref<!tpu.dma_semaphore, #tpu.memory_space<semaphore_mem>>)
        %dma_wait3A_230 = arith.constant 0 : i32
        %dma_wait3A_231 = tpu.memref_slice %arg28[%dma_wait3A_230] : memref<2048xf32, #tpu.memory_space<vmem>> -> memref<2000xf32, #tpu.memory_space<vmem>>
        %dma_wait3A_232 = tpu.memref_slice %arg9[%add3A_171] : memref<160000xf32, #tpu.memory_space<hbm>> -> memref<2000xf32, #tpu.memory_space<hbm>>
        %dma_wait3A_233 = tpu.memref_slice %arg9[%add3A_171] : memref<160000xf32, #tpu.memory_space<hbm>> -> memref<2000xf32, #tpu.memory_space<hbm>>
        %dma_wait3A_234 = arith.constant 0 : i32
        %dma_wait3A_235 = tpu.memref_slice %arg28[%dma_wait3A_234] : memref<2048xf32, #tpu.memory_space<vmem>> -> memref<2000xf32, #tpu.memory_space<vmem>>
        tpu.wait_dma2 semaphore(%run_scoped3A : memref<!tpu.dma_semaphore, #tpu.memory_space<semaphore_mem>>) src(%dma_wait3A_235 : memref<2000xf32, #tpu.memory_space<vmem>>) dst(%dma_wait3A_233 : memref<2000xf32, #tpu.memory_space<hbm>>)
        tpu.yield
      }) : () -> ()
    } else {
    }
    %eq3A_177 = arith.constant 1 : i32
    %eq3A_178 = arith.cmpi eq, %arg0, %eq3A_177 : i32
    %convert_element_type3A_179 = arith.extui %eq3A_178 : i1 to i32
    %cond3A_180 = arith.constant 0 : i32
    %cond3A_181 = arith.cmpi ne, %convert_element_type3A_179, %cond3A_180 : i32
    scf.if %cond3A_181 {
      "tpu.region"() ({
        %run_scoped3A = tpu.sem_alloc : memref<!tpu.dma_semaphore, #tpu.memory_space<semaphore_mem>>
        %dma_start3A_224 = arith.constant 0 : i32
        %dma_start3A_225 = tpu.memref_slice %arg28[%dma_start3A_224] : memref<2048xf32, #tpu.memory_space<vmem>> -> memref<2000xf32, #tpu.memory_space<vmem>>
        %dma_start3A_226 = tpu.memref_slice %arg10[%add3A_171] : memref<160000xf32, #tpu.memory_space<hbm>> -> memref<2000xf32, #tpu.memory_space<hbm>>
        %dma_start3A_227 = tpu.memref_slice %arg10[%add3A_171] : memref<160000xf32, #tpu.memory_space<hbm>> -> memref<2000xf32, #tpu.memory_space<hbm>>
        %dma_start3A_228 = arith.constant 0 : i32
        %dma_start3A_229 = tpu.memref_slice %arg28[%dma_start3A_228] : memref<2048xf32, #tpu.memory_space<vmem>> -> memref<2000xf32, #tpu.memory_space<vmem>>
        tpu.enqueue_dma source(%dma_start3A_229 : memref<2000xf32, #tpu.memory_space<vmem>>) target(%dma_start3A_227 : memref<2000xf32, #tpu.memory_space<hbm>>) target_semaphore(%run_scoped3A : memref<!tpu.dma_semaphore, #tpu.memory_space<semaphore_mem>>)
        %dma_wait3A_230 = arith.constant 0 : i32
        %dma_wait3A_231 = tpu.memref_slice %arg28[%dma_wait3A_230] : memref<2048xf32, #tpu.memory_space<vmem>> -> memref<2000xf32, #tpu.memory_space<vmem>>
        %dma_wait3A_232 = tpu.memref_slice %arg10[%add3A_171] : memref<160000xf32, #tpu.memory_space<hbm>> -> memref<2000xf32, #tpu.memory_space<hbm>>
        %dma_wait3A_233 = tpu.memref_slice %arg10[%add3A_171] : memref<160000xf32, #tpu.memory_space<hbm>> -> memref<2000xf32, #tpu.memory_space<hbm>>
        %dma_wait3A_234 = arith.constant 0 : i32
        %dma_wait3A_235 = tpu.memref_slice %arg28[%dma_wait3A_234] : memref<2048xf32, #tpu.memory_space<vmem>> -> memref<2000xf32, #tpu.memory_space<vmem>>
        tpu.wait_dma2 semaphore(%run_scoped3A : memref<!tpu.dma_semaphore, #tpu.memory_space<semaphore_mem>>) src(%dma_wait3A_235 : memref<2000xf32, #tpu.memory_space<vmem>>) dst(%dma_wait3A_233 : memref<2000xf32, #tpu.memory_space<hbm>>)
        tpu.yield
      }) : () -> ()
    } else {
    }
    %mul3A_182 = arith.constant 10000 : i32
    %mul3A_183 = arith.muli %arg1, %mul3A_182 : i32
    %add3A_184 = arith.constant 4000 : i32
    %add3A_185 = arith.addi %mul3A_183, %add3A_184 : i32
    "tpu.region"() ({
      %run_scoped3A = tpu.sem_alloc : memref<!tpu.dma_semaphore, #tpu.memory_space<semaphore_mem>>
      %dma_start3A_224 = arith.constant 0 : i32
      %dma_start3A_225 = tpu.memref_slice %arg28[%dma_start3A_224] : memref<2048xf32, #tpu.memory_space<vmem>> -> memref<2000xf32, #tpu.memory_space<vmem>>
      %dma_start3A_226 = tpu.memref_slice %arg30[%add3A_185] : memref<163840xf32, #tpu.memory_space<vmem_shared>> -> memref<2000xf32, #tpu.memory_space<vmem_shared>>
      %dma_start3A_227 = arith.constant 0 : i32
      %dma_start3A_228 = tpu.memref_slice %arg28[%dma_start3A_227] : memref<2048xf32, #tpu.memory_space<vmem>> -> memref<2000xf32, #tpu.memory_space<vmem>>
      %dma_start3A_229 = tpu.memref_slice %arg30[%add3A_185] : memref<163840xf32, #tpu.memory_space<vmem_shared>> -> memref<2000xf32, #tpu.memory_space<vmem_shared>>
      tpu.enqueue_dma source(%dma_start3A_229 : memref<2000xf32, #tpu.memory_space<vmem_shared>>) target(%dma_start3A_228 : memref<2000xf32, #tpu.memory_space<vmem>>) target_semaphore(%run_scoped3A : memref<!tpu.dma_semaphore, #tpu.memory_space<semaphore_mem>>)
      %dma_wait3A_230 = arith.constant 0 : i32
      %dma_wait3A_231 = tpu.memref_slice %arg28[%dma_wait3A_230] : memref<2048xf32, #tpu.memory_space<vmem>> -> memref<2000xf32, #tpu.memory_space<vmem>>
      %dma_wait3A_232 = tpu.memref_slice %arg30[%add3A_185] : memref<163840xf32, #tpu.memory_space<vmem_shared>> -> memref<2000xf32, #tpu.memory_space<vmem_shared>>
      %dma_wait3A_233 = arith.constant 0 : i32
      %dma_wait3A_234 = tpu.memref_slice %arg28[%dma_wait3A_233] : memref<2048xf32, #tpu.memory_space<vmem>> -> memref<2000xf32, #tpu.memory_space<vmem>>
      %dma_wait3A_235 = tpu.memref_slice %arg30[%add3A_185] : memref<163840xf32, #tpu.memory_space<vmem_shared>> -> memref<2000xf32, #tpu.memory_space<vmem_shared>>
      tpu.wait_dma2 semaphore(%run_scoped3A : memref<!tpu.dma_semaphore, #tpu.memory_space<semaphore_mem>>) src(%dma_wait3A_235 : memref<2000xf32, #tpu.memory_space<vmem_shared>>) dst(%dma_wait3A_234 : memref<2000xf32, #tpu.memory_space<vmem>>)
      tpu.yield
    }) : () -> ()
    %eq3A_186 = arith.constant 0 : i32
    %eq3A_187 = arith.cmpi eq, %arg0, %eq3A_186 : i32
    %convert_element_type3A_188 = arith.extui %eq3A_187 : i1 to i32
    %cond3A_189 = arith.constant 0 : i32
    %cond3A_190 = arith.cmpi ne, %convert_element_type3A_188, %cond3A_189 : i32
    scf.if %cond3A_190 {
      "tpu.region"() ({
        %run_scoped3A = tpu.sem_alloc : memref<!tpu.dma_semaphore, #tpu.memory_space<semaphore_mem>>
        %dma_start3A_224 = arith.constant 0 : i32
        %dma_start3A_225 = tpu.memref_slice %arg28[%dma_start3A_224] : memref<2048xf32, #tpu.memory_space<vmem>> -> memref<2000xf32, #tpu.memory_space<vmem>>
        %dma_start3A_226 = tpu.memref_slice %arg9[%add3A_185] : memref<160000xf32, #tpu.memory_space<hbm>> -> memref<2000xf32, #tpu.memory_space<hbm>>
        %dma_start3A_227 = tpu.memref_slice %arg9[%add3A_185] : memref<160000xf32, #tpu.memory_space<hbm>> -> memref<2000xf32, #tpu.memory_space<hbm>>
        %dma_start3A_228 = arith.constant 0 : i32
        %dma_start3A_229 = tpu.memref_slice %arg28[%dma_start3A_228] : memref<2048xf32, #tpu.memory_space<vmem>> -> memref<2000xf32, #tpu.memory_space<vmem>>
        tpu.enqueue_dma source(%dma_start3A_229 : memref<2000xf32, #tpu.memory_space<vmem>>) target(%dma_start3A_227 : memref<2000xf32, #tpu.memory_space<hbm>>) target_semaphore(%run_scoped3A : memref<!tpu.dma_semaphore, #tpu.memory_space<semaphore_mem>>)
        %dma_wait3A_230 = arith.constant 0 : i32
        %dma_wait3A_231 = tpu.memref_slice %arg28[%dma_wait3A_230] : memref<2048xf32, #tpu.memory_space<vmem>> -> memref<2000xf32, #tpu.memory_space<vmem>>
        %dma_wait3A_232 = tpu.memref_slice %arg9[%add3A_185] : memref<160000xf32, #tpu.memory_space<hbm>> -> memref<2000xf32, #tpu.memory_space<hbm>>
        %dma_wait3A_233 = tpu.memref_slice %arg9[%add3A_185] : memref<160000xf32, #tpu.memory_space<hbm>> -> memref<2000xf32, #tpu.memory_space<hbm>>
        %dma_wait3A_234 = arith.constant 0 : i32
        %dma_wait3A_235 = tpu.memref_slice %arg28[%dma_wait3A_234] : memref<2048xf32, #tpu.memory_space<vmem>> -> memref<2000xf32, #tpu.memory_space<vmem>>
        tpu.wait_dma2 semaphore(%run_scoped3A : memref<!tpu.dma_semaphore, #tpu.memory_space<semaphore_mem>>) src(%dma_wait3A_235 : memref<2000xf32, #tpu.memory_space<vmem>>) dst(%dma_wait3A_233 : memref<2000xf32, #tpu.memory_space<hbm>>)
        tpu.yield
      }) : () -> ()
    } else {
    }
    %eq3A_191 = arith.constant 1 : i32
    %eq3A_192 = arith.cmpi eq, %arg0, %eq3A_191 : i32
    %convert_element_type3A_193 = arith.extui %eq3A_192 : i1 to i32
    %cond3A_194 = arith.constant 0 : i32
    %cond3A_195 = arith.cmpi ne, %convert_element_type3A_193, %cond3A_194 : i32
    scf.if %cond3A_195 {
      "tpu.region"() ({
        %run_scoped3A = tpu.sem_alloc : memref<!tpu.dma_semaphore, #tpu.memory_space<semaphore_mem>>
        %dma_start3A_224 = arith.constant 0 : i32
        %dma_start3A_225 = tpu.memref_slice %arg28[%dma_start3A_224] : memref<2048xf32, #tpu.memory_space<vmem>> -> memref<2000xf32, #tpu.memory_space<vmem>>
        %dma_start3A_226 = tpu.memref_slice %arg10[%add3A_185] : memref<160000xf32, #tpu.memory_space<hbm>> -> memref<2000xf32, #tpu.memory_space<hbm>>
        %dma_start3A_227 = tpu.memref_slice %arg10[%add3A_185] : memref<160000xf32, #tpu.memory_space<hbm>> -> memref<2000xf32, #tpu.memory_space<hbm>>
        %dma_start3A_228 = arith.constant 0 : i32
        %dma_start3A_229 = tpu.memref_slice %arg28[%dma_start3A_228] : memref<2048xf32, #tpu.memory_space<vmem>> -> memref<2000xf32, #tpu.memory_space<vmem>>
        tpu.enqueue_dma source(%dma_start3A_229 : memref<2000xf32, #tpu.memory_space<vmem>>) target(%dma_start3A_227 : memref<2000xf32, #tpu.memory_space<hbm>>) target_semaphore(%run_scoped3A : memref<!tpu.dma_semaphore, #tpu.memory_space<semaphore_mem>>)
        %dma_wait3A_230 = arith.constant 0 : i32
        %dma_wait3A_231 = tpu.memref_slice %arg28[%dma_wait3A_230] : memref<2048xf32, #tpu.memory_space<vmem>> -> memref<2000xf32, #tpu.memory_space<vmem>>
        %dma_wait3A_232 = tpu.memref_slice %arg10[%add3A_185] : memref<160000xf32, #tpu.memory_space<hbm>> -> memref<2000xf32, #tpu.memory_space<hbm>>
        %dma_wait3A_233 = tpu.memref_slice %arg10[%add3A_185] : memref<160000xf32, #tpu.memory_space<hbm>> -> memref<2000xf32, #tpu.memory_space<hbm>>
        %dma_wait3A_234 = arith.constant 0 : i32
        %dma_wait3A_235 = tpu.memref_slice %arg28[%dma_wait3A_234] : memref<2048xf32, #tpu.memory_space<vmem>> -> memref<2000xf32, #tpu.memory_space<vmem>>
        tpu.wait_dma2 semaphore(%run_scoped3A : memref<!tpu.dma_semaphore, #tpu.memory_space<semaphore_mem>>) src(%dma_wait3A_235 : memref<2000xf32, #tpu.memory_space<vmem>>) dst(%dma_wait3A_233 : memref<2000xf32, #tpu.memory_space<hbm>>)
        tpu.yield
      }) : () -> ()
    } else {
    }
    %mul3A_196 = arith.constant 10000 : i32
    %mul3A_197 = arith.muli %arg1, %mul3A_196 : i32
    %add3A_198 = arith.constant 6000 : i32
    %add3A_199 = arith.addi %mul3A_197, %add3A_198 : i32
    "tpu.region"() ({
      %run_scoped3A = tpu.sem_alloc : memref<!tpu.dma_semaphore, #tpu.memory_space<semaphore_mem>>
      %dma_start3A_224 = arith.constant 0 : i32
      %dma_start3A_225 = tpu.memref_slice %arg28[%dma_start3A_224] : memref<2048xf32, #tpu.memory_space<vmem>> -> memref<2000xf32, #tpu.memory_space<vmem>>
      %dma_start3A_226 = tpu.memref_slice %arg30[%add3A_199] : memref<163840xf32, #tpu.memory_space<vmem_shared>> -> memref<2000xf32, #tpu.memory_space<vmem_shared>>
      %dma_start3A_227 = arith.constant 0 : i32
      %dma_start3A_228 = tpu.memref_slice %arg28[%dma_start3A_227] : memref<2048xf32, #tpu.memory_space<vmem>> -> memref<2000xf32, #tpu.memory_space<vmem>>
      %dma_start3A_229 = tpu.memref_slice %arg30[%add3A_199] : memref<163840xf32, #tpu.memory_space<vmem_shared>> -> memref<2000xf32, #tpu.memory_space<vmem_shared>>
      tpu.enqueue_dma source(%dma_start3A_229 : memref<2000xf32, #tpu.memory_space<vmem_shared>>) target(%dma_start3A_228 : memref<2000xf32, #tpu.memory_space<vmem>>) target_semaphore(%run_scoped3A : memref<!tpu.dma_semaphore, #tpu.memory_space<semaphore_mem>>)
      %dma_wait3A_230 = arith.constant 0 : i32
      %dma_wait3A_231 = tpu.memref_slice %arg28[%dma_wait3A_230] : memref<2048xf32, #tpu.memory_space<vmem>> -> memref<2000xf32, #tpu.memory_space<vmem>>
      %dma_wait3A_232 = tpu.memref_slice %arg30[%add3A_199] : memref<163840xf32, #tpu.memory_space<vmem_shared>> -> memref<2000xf32, #tpu.memory_space<vmem_shared>>
      %dma_wait3A_233 = arith.constant 0 : i32
      %dma_wait3A_234 = tpu.memref_slice %arg28[%dma_wait3A_233] : memref<2048xf32, #tpu.memory_space<vmem>> -> memref<2000xf32, #tpu.memory_space<vmem>>
      %dma_wait3A_235 = tpu.memref_slice %arg30[%add3A_199] : memref<163840xf32, #tpu.memory_space<vmem_shared>> -> memref<2000xf32, #tpu.memory_space<vmem_shared>>
      tpu.wait_dma2 semaphore(%run_scoped3A : memref<!tpu.dma_semaphore, #tpu.memory_space<semaphore_mem>>) src(%dma_wait3A_235 : memref<2000xf32, #tpu.memory_space<vmem_shared>>) dst(%dma_wait3A_234 : memref<2000xf32, #tpu.memory_space<vmem>>)
      tpu.yield
    }) : () -> ()
    %eq3A_200 = arith.constant 0 : i32
    %eq3A_201 = arith.cmpi eq, %arg0, %eq3A_200 : i32
    %convert_element_type3A_202 = arith.extui %eq3A_201 : i1 to i32
    %cond3A_203 = arith.constant 0 : i32
    %cond3A_204 = arith.cmpi ne, %convert_element_type3A_202, %cond3A_203 : i32
    scf.if %cond3A_204 {
      "tpu.region"() ({
        %run_scoped3A = tpu.sem_alloc : memref<!tpu.dma_semaphore, #tpu.memory_space<semaphore_mem>>
        %dma_start3A_224 = arith.constant 0 : i32
        %dma_start3A_225 = tpu.memref_slice %arg28[%dma_start3A_224] : memref<2048xf32, #tpu.memory_space<vmem>> -> memref<2000xf32, #tpu.memory_space<vmem>>
        %dma_start3A_226 = tpu.memref_slice %arg9[%add3A_199] : memref<160000xf32, #tpu.memory_space<hbm>> -> memref<2000xf32, #tpu.memory_space<hbm>>
        %dma_start3A_227 = tpu.memref_slice %arg9[%add3A_199] : memref<160000xf32, #tpu.memory_space<hbm>> -> memref<2000xf32, #tpu.memory_space<hbm>>
        %dma_start3A_228 = arith.constant 0 : i32
        %dma_start3A_229 = tpu.memref_slice %arg28[%dma_start3A_228] : memref<2048xf32, #tpu.memory_space<vmem>> -> memref<2000xf32, #tpu.memory_space<vmem>>
        tpu.enqueue_dma source(%dma_start3A_229 : memref<2000xf32, #tpu.memory_space<vmem>>) target(%dma_start3A_227 : memref<2000xf32, #tpu.memory_space<hbm>>) target_semaphore(%run_scoped3A : memref<!tpu.dma_semaphore, #tpu.memory_space<semaphore_mem>>)
        %dma_wait3A_230 = arith.constant 0 : i32
        %dma_wait3A_231 = tpu.memref_slice %arg28[%dma_wait3A_230] : memref<2048xf32, #tpu.memory_space<vmem>> -> memref<2000xf32, #tpu.memory_space<vmem>>
        %dma_wait3A_232 = tpu.memref_slice %arg9[%add3A_199] : memref<160000xf32, #tpu.memory_space<hbm>> -> memref<2000xf32, #tpu.memory_space<hbm>>
        %dma_wait3A_233 = tpu.memref_slice %arg9[%add3A_199] : memref<160000xf32, #tpu.memory_space<hbm>> -> memref<2000xf32, #tpu.memory_space<hbm>>
        %dma_wait3A_234 = arith.constant 0 : i32
        %dma_wait3A_235 = tpu.memref_slice %arg28[%dma_wait3A_234] : memref<2048xf32, #tpu.memory_space<vmem>> -> memref<2000xf32, #tpu.memory_space<vmem>>
        tpu.wait_dma2 semaphore(%run_scoped3A : memref<!tpu.dma_semaphore, #tpu.memory_space<semaphore_mem>>) src(%dma_wait3A_235 : memref<2000xf32, #tpu.memory_space<vmem>>) dst(%dma_wait3A_233 : memref<2000xf32, #tpu.memory_space<hbm>>)
        tpu.yield
      }) : () -> ()
    } else {
    }
    %eq3A_205 = arith.constant 1 : i32
    %eq3A_206 = arith.cmpi eq, %arg0, %eq3A_205 : i32
    %convert_element_type3A_207 = arith.extui %eq3A_206 : i1 to i32
    %cond3A_208 = arith.constant 0 : i32
    %cond3A_209 = arith.cmpi ne, %convert_element_type3A_207, %cond3A_208 : i32
    scf.if %cond3A_209 {
      "tpu.region"() ({
        %run_scoped3A = tpu.sem_alloc : memref<!tpu.dma_semaphore, #tpu.memory_space<semaphore_mem>>
        %dma_start3A_224 = arith.constant 0 : i32
        %dma_start3A_225 = tpu.memref_slice %arg28[%dma_start3A_224] : memref<2048xf32, #tpu.memory_space<vmem>> -> memref<2000xf32, #tpu.memory_space<vmem>>
        %dma_start3A_226 = tpu.memref_slice %arg10[%add3A_199] : memref<160000xf32, #tpu.memory_space<hbm>> -> memref<2000xf32, #tpu.memory_space<hbm>>
        %dma_start3A_227 = tpu.memref_slice %arg10[%add3A_199] : memref<160000xf32, #tpu.memory_space<hbm>> -> memref<2000xf32, #tpu.memory_space<hbm>>
        %dma_start3A_228 = arith.constant 0 : i32
        %dma_start3A_229 = tpu.memref_slice %arg28[%dma_start3A_228] : memref<2048xf32, #tpu.memory_space<vmem>> -> memref<2000xf32, #tpu.memory_space<vmem>>
        tpu.enqueue_dma source(%dma_start3A_229 : memref<2000xf32, #tpu.memory_space<vmem>>) target(%dma_start3A_227 : memref<2000xf32, #tpu.memory_space<hbm>>) target_semaphore(%run_scoped3A : memref<!tpu.dma_semaphore, #tpu.memory_space<semaphore_mem>>)
        %dma_wait3A_230 = arith.constant 0 : i32
        %dma_wait3A_231 = tpu.memref_slice %arg28[%dma_wait3A_230] : memref<2048xf32, #tpu.memory_space<vmem>> -> memref<2000xf32, #tpu.memory_space<vmem>>
        %dma_wait3A_232 = tpu.memref_slice %arg10[%add3A_199] : memref<160000xf32, #tpu.memory_space<hbm>> -> memref<2000xf32, #tpu.memory_space<hbm>>
        %dma_wait3A_233 = tpu.memref_slice %arg10[%add3A_199] : memref<160000xf32, #tpu.memory_space<hbm>> -> memref<2000xf32, #tpu.memory_space<hbm>>
        %dma_wait3A_234 = arith.constant 0 : i32
        %dma_wait3A_235 = tpu.memref_slice %arg28[%dma_wait3A_234] : memref<2048xf32, #tpu.memory_space<vmem>> -> memref<2000xf32, #tpu.memory_space<vmem>>
        tpu.wait_dma2 semaphore(%run_scoped3A : memref<!tpu.dma_semaphore, #tpu.memory_space<semaphore_mem>>) src(%dma_wait3A_235 : memref<2000xf32, #tpu.memory_space<vmem>>) dst(%dma_wait3A_233 : memref<2000xf32, #tpu.memory_space<hbm>>)
        tpu.yield
      }) : () -> ()
    } else {
    }
    %mul3A_210 = arith.constant 10000 : i32
    %mul3A_211 = arith.muli %arg1, %mul3A_210 : i32
    %add3A_212 = arith.constant 8000 : i32
    %add3A_213 = arith.addi %mul3A_211, %add3A_212 : i32
    "tpu.region"() ({
      %run_scoped3A = tpu.sem_alloc : memref<!tpu.dma_semaphore, #tpu.memory_space<semaphore_mem>>
      %dma_start3A_224 = arith.constant 0 : i32
      %dma_start3A_225 = tpu.memref_slice %arg28[%dma_start3A_224] : memref<2048xf32, #tpu.memory_space<vmem>> -> memref<2000xf32, #tpu.memory_space<vmem>>
      %dma_start3A_226 = tpu.memref_slice %arg30[%add3A_213] : memref<163840xf32, #tpu.memory_space<vmem_shared>> -> memref<2000xf32, #tpu.memory_space<vmem_shared>>
      %dma_start3A_227 = arith.constant 0 : i32
      %dma_start3A_228 = tpu.memref_slice %arg28[%dma_start3A_227] : memref<2048xf32, #tpu.memory_space<vmem>> -> memref<2000xf32, #tpu.memory_space<vmem>>
      %dma_start3A_229 = tpu.memref_slice %arg30[%add3A_213] : memref<163840xf32, #tpu.memory_space<vmem_shared>> -> memref<2000xf32, #tpu.memory_space<vmem_shared>>
      tpu.enqueue_dma source(%dma_start3A_229 : memref<2000xf32, #tpu.memory_space<vmem_shared>>) target(%dma_start3A_228 : memref<2000xf32, #tpu.memory_space<vmem>>) target_semaphore(%run_scoped3A : memref<!tpu.dma_semaphore, #tpu.memory_space<semaphore_mem>>)
      %dma_wait3A_230 = arith.constant 0 : i32
      %dma_wait3A_231 = tpu.memref_slice %arg28[%dma_wait3A_230] : memref<2048xf32, #tpu.memory_space<vmem>> -> memref<2000xf32, #tpu.memory_space<vmem>>
      %dma_wait3A_232 = tpu.memref_slice %arg30[%add3A_213] : memref<163840xf32, #tpu.memory_space<vmem_shared>> -> memref<2000xf32, #tpu.memory_space<vmem_shared>>
      %dma_wait3A_233 = arith.constant 0 : i32
      %dma_wait3A_234 = tpu.memref_slice %arg28[%dma_wait3A_233] : memref<2048xf32, #tpu.memory_space<vmem>> -> memref<2000xf32, #tpu.memory_space<vmem>>
      %dma_wait3A_235 = tpu.memref_slice %arg30[%add3A_213] : memref<163840xf32, #tpu.memory_space<vmem_shared>> -> memref<2000xf32, #tpu.memory_space<vmem_shared>>
      tpu.wait_dma2 semaphore(%run_scoped3A : memref<!tpu.dma_semaphore, #tpu.memory_space<semaphore_mem>>) src(%dma_wait3A_235 : memref<2000xf32, #tpu.memory_space<vmem_shared>>) dst(%dma_wait3A_234 : memref<2000xf32, #tpu.memory_space<vmem>>)
      tpu.yield
    }) : () -> ()
    %eq3A_214 = arith.constant 0 : i32
    %eq3A_215 = arith.cmpi eq, %arg0, %eq3A_214 : i32
    %convert_element_type3A_216 = arith.extui %eq3A_215 : i1 to i32
    %cond3A_217 = arith.constant 0 : i32
    %cond3A_218 = arith.cmpi ne, %convert_element_type3A_216, %cond3A_217 : i32
    scf.if %cond3A_218 {
      "tpu.region"() ({
        %run_scoped3A = tpu.sem_alloc : memref<!tpu.dma_semaphore, #tpu.memory_space<semaphore_mem>>
        %dma_start3A_224 = arith.constant 0 : i32
        %dma_start3A_225 = tpu.memref_slice %arg28[%dma_start3A_224] : memref<2048xf32, #tpu.memory_space<vmem>> -> memref<2000xf32, #tpu.memory_space<vmem>>
        %dma_start3A_226 = tpu.memref_slice %arg9[%add3A_213] : memref<160000xf32, #tpu.memory_space<hbm>> -> memref<2000xf32, #tpu.memory_space<hbm>>
        %dma_start3A_227 = tpu.memref_slice %arg9[%add3A_213] : memref<160000xf32, #tpu.memory_space<hbm>> -> memref<2000xf32, #tpu.memory_space<hbm>>
        %dma_start3A_228 = arith.constant 0 : i32
        %dma_start3A_229 = tpu.memref_slice %arg28[%dma_start3A_228] : memref<2048xf32, #tpu.memory_space<vmem>> -> memref<2000xf32, #tpu.memory_space<vmem>>
        tpu.enqueue_dma source(%dma_start3A_229 : memref<2000xf32, #tpu.memory_space<vmem>>) target(%dma_start3A_227 : memref<2000xf32, #tpu.memory_space<hbm>>) target_semaphore(%run_scoped3A : memref<!tpu.dma_semaphore, #tpu.memory_space<semaphore_mem>>)
        %dma_wait3A_230 = arith.constant 0 : i32
        %dma_wait3A_231 = tpu.memref_slice %arg28[%dma_wait3A_230] : memref<2048xf32, #tpu.memory_space<vmem>> -> memref<2000xf32, #tpu.memory_space<vmem>>
        %dma_wait3A_232 = tpu.memref_slice %arg9[%add3A_213] : memref<160000xf32, #tpu.memory_space<hbm>> -> memref<2000xf32, #tpu.memory_space<hbm>>
        %dma_wait3A_233 = tpu.memref_slice %arg9[%add3A_213] : memref<160000xf32, #tpu.memory_space<hbm>> -> memref<2000xf32, #tpu.memory_space<hbm>>
        %dma_wait3A_234 = arith.constant 0 : i32
        %dma_wait3A_235 = tpu.memref_slice %arg28[%dma_wait3A_234] : memref<2048xf32, #tpu.memory_space<vmem>> -> memref<2000xf32, #tpu.memory_space<vmem>>
        tpu.wait_dma2 semaphore(%run_scoped3A : memref<!tpu.dma_semaphore, #tpu.memory_space<semaphore_mem>>) src(%dma_wait3A_235 : memref<2000xf32, #tpu.memory_space<vmem>>) dst(%dma_wait3A_233 : memref<2000xf32, #tpu.memory_space<hbm>>)
        tpu.yield
      }) : () -> ()
    } else {
    }
    %eq3A_219 = arith.constant 1 : i32
    %eq3A_220 = arith.cmpi eq, %arg0, %eq3A_219 : i32
    %convert_element_type3A_221 = arith.extui %eq3A_220 : i1 to i32
    %cond3A_222 = arith.constant 0 : i32
    %cond3A_223 = arith.cmpi ne, %convert_element_type3A_221, %cond3A_222 : i32
    scf.if %cond3A_223 {
      "tpu.region"() ({
        %run_scoped3A = tpu.sem_alloc : memref<!tpu.dma_semaphore, #tpu.memory_space<semaphore_mem>>
        %dma_start3A_224 = arith.constant 0 : i32
        %dma_start3A_225 = tpu.memref_slice %arg28[%dma_start3A_224] : memref<2048xf32, #tpu.memory_space<vmem>> -> memref<2000xf32, #tpu.memory_space<vmem>>
        %dma_start3A_226 = tpu.memref_slice %arg10[%add3A_213] : memref<160000xf32, #tpu.memory_space<hbm>> -> memref<2000xf32, #tpu.memory_space<hbm>>
        %dma_start3A_227 = tpu.memref_slice %arg10[%add3A_213] : memref<160000xf32, #tpu.memory_space<hbm>> -> memref<2000xf32, #tpu.memory_space<hbm>>
        %dma_start3A_228 = arith.constant 0 : i32
        %dma_start3A_229 = tpu.memref_slice %arg28[%dma_start3A_228] : memref<2048xf32, #tpu.memory_space<vmem>> -> memref<2000xf32, #tpu.memory_space<vmem>>
        tpu.enqueue_dma source(%dma_start3A_229 : memref<2000xf32, #tpu.memory_space<vmem>>) target(%dma_start3A_227 : memref<2000xf32, #tpu.memory_space<hbm>>) target_semaphore(%run_scoped3A : memref<!tpu.dma_semaphore, #tpu.memory_space<semaphore_mem>>)
        %dma_wait3A_230 = arith.constant 0 : i32
        %dma_wait3A_231 = tpu.memref_slice %arg28[%dma_wait3A_230] : memref<2048xf32, #tpu.memory_space<vmem>> -> memref<2000xf32, #tpu.memory_space<vmem>>
        %dma_wait3A_232 = tpu.memref_slice %arg10[%add3A_213] : memref<160000xf32, #tpu.memory_space<hbm>> -> memref<2000xf32, #tpu.memory_space<hbm>>
        %dma_wait3A_233 = tpu.memref_slice %arg10[%add3A_213] : memref<160000xf32, #tpu.memory_space<hbm>> -> memref<2000xf32, #tpu.memory_space<hbm>>
        %dma_wait3A_234 = arith.constant 0 : i32
        %dma_wait3A_235 = tpu.memref_slice %arg28[%dma_wait3A_234] : memref<2048xf32, #tpu.memory_space<vmem>> -> memref<2000xf32, #tpu.memory_space<vmem>>
        tpu.wait_dma2 semaphore(%run_scoped3A : memref<!tpu.dma_semaphore, #tpu.memory_space<semaphore_mem>>) src(%dma_wait3A_235 : memref<2000xf32, #tpu.memory_space<vmem>>) dst(%dma_wait3A_233 : memref<2000xf32, #tpu.memory_space<hbm>>)
        tpu.yield
      }) : () -> ()
    } else {
    }
    return
  }
}

module attributes {stable_mosaic.version = 14 : i64} {
  func.func @body(%arg0: i32, %arg1: memref<400x256xf32, #tpu.memory_space<vmem>>, %arg2: memref<400x128xf32, #tpu.memory_space<vmem>>, %arg3: memref<400x128xf32, #tpu.memory_space<vmem>>, %arg4: memref<400x16xf32, #tpu.memory_space<vmem>>, %arg5: memref<400x16xf32, #tpu.memory_space<vmem>>, %arg6: memref<256x256xf32, #tpu.memory_space<vmem>>, %arg7: memref<1x256xf32, #tpu.memory_space<vmem>>, %arg8: memref<256x256xf32, #tpu.memory_space<vmem>>, %arg9: memref<1x256xf32, #tpu.memory_space<vmem>>, %arg10: memref<16x256xf32, #tpu.memory_space<vmem>>, %arg11: memref<1x256xf32, #tpu.memory_space<vmem>>, %arg12: memref<1x256xf32, #tpu.memory_space<vmem>>, %arg13: memref<400x256xf32, #tpu.memory_space<vmem>>) attributes {dimension_semantics = [#tpu.dimension_semantics<arbitrary>], iteration_bounds = array<i64: 25>, scalar_prefetch = 0 : i64, scratch_operands = 0 : i64, tpu.core_type = #tpu.core_type<tc>, window_params = [{transform_indices = @transform_0, window_bounds = array<i64: 400, 256>}, {transform_indices = @transform_1, window_bounds = array<i64: 400, 128>}, {transform_indices = @transform_2, window_bounds = array<i64: 400, 128>}, {transform_indices = @transform_3, window_bounds = array<i64: 400, 16>}, {transform_indices = @transform_4, window_bounds = array<i64: 400, 16>}, {pipeline_mode = #tpu.pipeline_mode<synchronous>, transform_indices = @transform_5, window_bounds = array<i64: 256, 256>}, {pipeline_mode = #tpu.pipeline_mode<synchronous>, transform_indices = @transform_6, window_bounds = array<i64: 1, 256>}, {pipeline_mode = #tpu.pipeline_mode<synchronous>, transform_indices = @transform_7, window_bounds = array<i64: 256, 256>}, {pipeline_mode = #tpu.pipeline_mode<synchronous>, transform_indices = @transform_8, window_bounds = array<i64: 1, 256>}, {pipeline_mode = #tpu.pipeline_mode<synchronous>, transform_indices = @transform_9, window_bounds = array<i64: 16, 256>}, {pipeline_mode = #tpu.pipeline_mode<synchronous>, transform_indices = @transform_10, window_bounds = array<i64: 1, 256>}, {pipeline_mode = #tpu.pipeline_mode<synchronous>, transform_indices = @transform_11, window_bounds = array<i64: 1, 256>}, {transform_indices = @transform_12, window_bounds = array<i64: 400, 256>}]} {
    %get3A = arith.constant 0 : index
    %get3A_0 = arith.constant 0 : index
    %get3A_1 = vector.load %arg1[%get3A, %get3A_0] : memref<400x256xf32, #tpu.memory_space<vmem>>, vector<400x256xf32>
    %get3A_2 = arith.constant 0 : index
    %get3A_3 = arith.constant 0 : index
    %get3A_4 = vector.load %arg4[%get3A_2, %get3A_3] : memref<400x16xf32, #tpu.memory_space<vmem>>, vector<400x16xf32>
    %get3A_5 = arith.constant 0 : index
    %get3A_6 = arith.constant 0 : index
    %get3A_7 = vector.load %arg5[%get3A_5, %get3A_6] : memref<400x16xf32, #tpu.memory_space<vmem>>, vector<400x16xf32>
    %add3A = arith.addf %get3A_4, %get3A_7 : vector<400x16xf32>
    %reduce_sum3A = arith.constant dense<0.000000e+00> : vector<400xf32>
    %reduce_sum3A_8 = vector.multi_reduction <add>, %add3A, %reduce_sum3A [1] : vector<400x16xf32> to vector<400xf32>
    %broadcast_in_dim3A = vector.shape_cast %reduce_sum3A_8 : vector<400xf32> to vector<400x1xf32>
    %get3A_9 = arith.constant 0 : index
    %get3A_10 = arith.constant 0 : index
    %get3A_11 = vector.load %arg10[%get3A_9, %get3A_10] : memref<16x256xf32, #tpu.memory_space<vmem>>, vector<16x256xf32>
    %get3A_12 = arith.constant 0 : index
    %get3A_13 = arith.constant 0 : index
    %get3A_14 = vector.load %arg8[%get3A_12, %get3A_13] : memref<256x256xf32, #tpu.memory_space<vmem>>, vector<256x256xf32>
    %dot_general3A = arith.constant dense<0.000000e+00> : vector<16x256xf32>
    %dot_general3A_15 = tpu.matmul %get3A_11, %get3A_14, %dot_general3A {dimension_numbers = #tpu.dot_dimension_numbers<[1], [0], [0], [1], [0, 0, 1, 1], [], []>, transpose_lhs_hint = false} : vector<16x256xf32>, vector<256x256xf32>, vector<16x256xf32> -> vector<16x256xf32>
    %get3A_16 = arith.constant 0 : index
    %get3A_17 = arith.constant 0 : index
    %get3A_18 = vector.load %arg2[%get3A_16, %get3A_17] : memref<400x128xf32, #tpu.memory_space<vmem>>, vector<400x128xf32>
    %get3A_19 = arith.constant 0 : index
    %get3A_20 = arith.constant 0 : index
    %get3A_21 = vector.load %arg8[%get3A_19, %get3A_20] : memref<256x256xf32, #tpu.memory_space<vmem>>, vector<128x256xf32>
    %dot_general3A_22 = arith.constant dense<0.000000e+00> : vector<400x256xf32>
    %dot_general3A_23 = tpu.matmul %get3A_18, %get3A_21, %dot_general3A_22 {dimension_numbers = #tpu.dot_dimension_numbers<[1], [0], [0], [1], [0, 0, 1, 1], [], []>, transpose_lhs_hint = false} : vector<400x128xf32>, vector<128x256xf32>, vector<400x256xf32> -> vector<400x256xf32>
    %get3A_24 = arith.constant 0 : index
    %get3A_25 = arith.constant 0 : index
    %get3A_26 = vector.load %arg3[%get3A_24, %get3A_25] : memref<400x128xf32, #tpu.memory_space<vmem>>, vector<400x128xf32>
    %get3A_27 = arith.constant 128 : index
    %get3A_28 = arith.constant 0 : index
    %get3A_29 = vector.load %arg8[%get3A_27, %get3A_28] : memref<256x256xf32, #tpu.memory_space<vmem>>, vector<128x256xf32>
    %dot_general3A_30 = arith.constant dense<0.000000e+00> : vector<400x256xf32>
    %dot_general3A_31 = tpu.matmul %get3A_26, %get3A_29, %dot_general3A_30 {dimension_numbers = #tpu.dot_dimension_numbers<[1], [0], [0], [1], [0, 0, 1, 1], [], []>, transpose_lhs_hint = false} : vector<400x128xf32>, vector<128x256xf32>, vector<400x256xf32> -> vector<400x256xf32>
    %add3A_32 = arith.addf %dot_general3A_23, %dot_general3A_31 : vector<400x256xf32>
    %dot_general3A_33 = arith.constant dense<0.000000e+00> : vector<400x256xf32>
    %dot_general3A_34 = tpu.matmul %add3A, %dot_general3A_15, %dot_general3A_33 {dimension_numbers = #tpu.dot_dimension_numbers<[1], [0], [0], [1], [0, 0, 1, 1], [], []>, transpose_lhs_hint = false} : vector<400x16xf32>, vector<16x256xf32>, vector<400x256xf32> -> vector<400x256xf32>
    %add3A_35 = arith.addf %add3A_32, %dot_general3A_34 : vector<400x256xf32>
    %get3A_36 = arith.constant 0 : index
    %get3A_37 = arith.constant 0 : index
    %get3A_38 = vector.load %arg9[%get3A_36, %get3A_37] : memref<1x256xf32, #tpu.memory_space<vmem>>, vector<1x256xf32>
    %mul3A = vector.broadcast %broadcast_in_dim3A : vector<400x1xf32> to vector<400x256xf32>
    %mul3A_39 = vector.broadcast %get3A_38 : vector<1x256xf32> to vector<400x256xf32>
    %mul3A_40 = arith.mulf %mul3A, %mul3A_39 : vector<400x256xf32>
    %add3A_41 = arith.addf %add3A_35, %mul3A_40 : vector<400x256xf32>
    %max3A = arith.constant 1.000000e+00 : f32
    %max3A_42 = vector.broadcast %max3A : f32 to vector<400x1xf32>
    %max3A_43 = arith.maximumf %broadcast_in_dim3A, %max3A_42 : vector<400x1xf32>
    %div3A = vector.broadcast %max3A_43 : vector<400x1xf32> to vector<400x256xf32>
    %div3A_44 = arith.divf %add3A_41, %div3A : vector<400x256xf32>
    %get3A_45 = arith.constant 0 : index
    %get3A_46 = arith.constant 0 : index
    %get3A_47 = vector.load %arg6[%get3A_45, %get3A_46] : memref<256x256xf32, #tpu.memory_space<vmem>>, vector<256x256xf32>
    %dot_general3A_48 = arith.constant dense<0.000000e+00> : vector<400x256xf32>
    %dot_general3A_49 = tpu.matmul %get3A_1, %get3A_47, %dot_general3A_48 {dimension_numbers = #tpu.dot_dimension_numbers<[1], [0], [0], [1], [0, 0, 1, 1], [], []>, transpose_lhs_hint = false} : vector<400x256xf32>, vector<256x256xf32>, vector<400x256xf32> -> vector<400x256xf32>
    %get3A_50 = arith.constant 0 : index
    %get3A_51 = arith.constant 0 : index
    %get3A_52 = vector.load %arg7[%get3A_50, %get3A_51] : memref<1x256xf32, #tpu.memory_space<vmem>>, vector<1x256xf32>
    %add3A_53 = vector.broadcast %get3A_52 : vector<1x256xf32> to vector<400x256xf32>
    %add3A_54 = arith.addf %dot_general3A_49, %add3A_53 : vector<400x256xf32>
    %add3A_55 = arith.addf %add3A_54, %div3A_44 : vector<400x256xf32>
    %mul3A_56 = arith.constant 5.000000e-01 : f32
    %mul3A_57 = vector.broadcast %mul3A_56 : f32 to vector<400x256xf32>
    %mul3A_58 = arith.mulf %mul3A_57, %add3A_55 : vector<400x256xf32>
    %mul3A_59 = arith.constant 0.707106769 : f32
    %mul3A_60 = vector.broadcast %mul3A_59 : f32 to vector<400x256xf32>
    %mul3A_61 = arith.mulf %add3A_55, %mul3A_60 : vector<400x256xf32>
    %erf3A = math.erf %mul3A_61 : vector<400x256xf32>
    %add3A_62 = arith.constant 1.000000e+00 : f32
    %add3A_63 = vector.broadcast %add3A_62 : f32 to vector<400x256xf32>
    %add3A_64 = arith.addf %add3A_63, %erf3A : vector<400x256xf32>
    %mul3A_65 = arith.mulf %mul3A_58, %add3A_64 : vector<400x256xf32>
    %add3A_66 = arith.addf %mul3A_65, %get3A_1 : vector<400x256xf32>
    %reduce_sum3A_67 = arith.constant dense<0.000000e+00> : vector<400xf32>
    %reduce_sum3A_68 = vector.multi_reduction <add>, %add3A_66, %reduce_sum3A_67 [1] : vector<400x256xf32> to vector<400xf32>
    %broadcast_in_dim3A_69 = vector.shape_cast %reduce_sum3A_68 : vector<400xf32> to vector<400x1xf32>
    %div3A_70 = arith.constant 2.560000e+02 : f32
    %div3A_71 = vector.broadcast %div3A_70 : f32 to vector<400x1xf32>
    %div3A_72 = arith.divf %broadcast_in_dim3A_69, %div3A_71 : vector<400x1xf32>
    %sub3A = vector.broadcast %div3A_72 : vector<400x1xf32> to vector<400x256xf32>
    %sub3A_73 = arith.subf %add3A_66, %sub3A : vector<400x256xf32>
    %integer_pow3A = arith.mulf %sub3A_73, %sub3A_73 : vector<400x256xf32>
    %reduce_sum3A_74 = arith.constant dense<0.000000e+00> : vector<400xf32>
    %reduce_sum3A_75 = vector.multi_reduction <add>, %integer_pow3A, %reduce_sum3A_74 [1] : vector<400x256xf32> to vector<400xf32>
    %broadcast_in_dim3A_76 = vector.shape_cast %reduce_sum3A_75 : vector<400xf32> to vector<400x1xf32>
    %div3A_77 = arith.constant 2.560000e+02 : f32
    %div3A_78 = vector.broadcast %div3A_77 : f32 to vector<400x1xf32>
    %div3A_79 = arith.divf %broadcast_in_dim3A_76, %div3A_78 : vector<400x1xf32>
    %sub3A_80 = vector.broadcast %div3A_72 : vector<400x1xf32> to vector<400x256xf32>
    %sub3A_81 = arith.subf %add3A_66, %sub3A_80 : vector<400x256xf32>
    %add3A_82 = arith.constant 9.99999974E-6 : f32
    %add3A_83 = vector.broadcast %add3A_82 : f32 to vector<400x1xf32>
    %add3A_84 = arith.addf %div3A_79, %add3A_83 : vector<400x1xf32>
    %rsqrt3A = math.rsqrt %add3A_84 : vector<400x1xf32>
    %mul3A_85 = vector.broadcast %rsqrt3A : vector<400x1xf32> to vector<400x256xf32>
    %mul3A_86 = arith.mulf %sub3A_81, %mul3A_85 : vector<400x256xf32>
    %get3A_87 = arith.constant 0 : index
    %get3A_88 = arith.constant 0 : index
    %get3A_89 = vector.load %arg11[%get3A_87, %get3A_88] : memref<1x256xf32, #tpu.memory_space<vmem>>, vector<1x256xf32>
    %mul3A_90 = vector.broadcast %get3A_89 : vector<1x256xf32> to vector<400x256xf32>
    %mul3A_91 = arith.mulf %mul3A_86, %mul3A_90 : vector<400x256xf32>
    %get3A_92 = arith.constant 0 : index
    %get3A_93 = arith.constant 0 : index
    %get3A_94 = vector.load %arg12[%get3A_92, %get3A_93] : memref<1x256xf32, #tpu.memory_space<vmem>>, vector<1x256xf32>
    %add3A_95 = vector.broadcast %get3A_94 : vector<1x256xf32> to vector<400x256xf32>
    %add3A_96 = arith.addf %mul3A_91, %add3A_95 : vector<400x256xf32>
    %swap3A = arith.constant 0 : index
    %swap3A_97 = arith.constant 0 : index
    %swap3A_98 = vector.load %arg13[%swap3A, %swap3A_97] : memref<400x256xf32, #tpu.memory_space<vmem>>, vector<400x256xf32>
    tpu.vector_store %arg13[%swap3A, %swap3A_97], %add3A_96 {strides = array<i32>} : memref<400x256xf32, #tpu.memory_space<vmem>>, vector<400x256xf32>,
    return
  }
  func.func @transform_0(%arg0: i32) -> (i32, i32) {
    %c0_i32 = arith.constant 0 : i32
    %c0_i32_0 = arith.constant 0 : i32
    return %arg0, %c0_i32 : i32, i32
  }
  func.func @transform_1(%arg0: i32) -> (i32, i32) {
    %c0_i32 = arith.constant 0 : i32
    %c0_i32_0 = arith.constant 0 : i32
    return %arg0, %c0_i32 : i32, i32
  }
  func.func @transform_2(%arg0: i32) -> (i32, i32) {
    %add3A = arith.constant 25 : i32
    %add3A_0 = arith.addi %arg0, %add3A : i32
    %c0_i32 = arith.constant 0 : i32
    %c0_i32_1 = arith.constant 0 : i32
    return %add3A_0, %c0_i32 : i32, i32
  }
  func.func @transform_3(%arg0: i32) -> (i32, i32) {
    %c0_i32 = arith.constant 0 : i32
    %c0_i32_0 = arith.constant 0 : i32
    return %arg0, %c0_i32 : i32, i32
  }
  func.func @transform_4(%arg0: i32) -> (i32, i32) {
    %c0_i32 = arith.constant 0 : i32
    %c0_i32_0 = arith.constant 0 : i32
    return %arg0, %c0_i32 : i32, i32
  }
  func.func @transform_5(%arg0: i32) -> (i32, i32) {
    %c0_i32 = arith.constant 0 : i32
    %c0_i32_0 = arith.constant 0 : i32
    %c0_i32_1 = arith.constant 0 : i32
    return %c0_i32, %c0_i32_0 : i32, i32
  }
  func.func @transform_6(%arg0: i32) -> (i32, i32) {
    %c0_i32 = arith.constant 0 : i32
    %c0_i32_0 = arith.constant 0 : i32
    %c0_i32_1 = arith.constant 0 : i32
    return %c0_i32, %c0_i32_0 : i32, i32
  }
  func.func @transform_7(%arg0: i32) -> (i32, i32) {
    %c0_i32 = arith.constant 0 : i32
    %c0_i32_0 = arith.constant 0 : i32
    %c0_i32_1 = arith.constant 0 : i32
    return %c0_i32, %c0_i32_0 : i32, i32
  }
  func.func @transform_8(%arg0: i32) -> (i32, i32) {
    %c0_i32 = arith.constant 0 : i32
    %c0_i32_0 = arith.constant 0 : i32
    %c0_i32_1 = arith.constant 0 : i32
    return %c0_i32, %c0_i32_0 : i32, i32
  }
  func.func @transform_9(%arg0: i32) -> (i32, i32) {
    %c0_i32 = arith.constant 0 : i32
    %c0_i32_0 = arith.constant 0 : i32
    %c0_i32_1 = arith.constant 0 : i32
    return %c0_i32, %c0_i32_0 : i32, i32
  }
  func.func @transform_10(%arg0: i32) -> (i32, i32) {
    %c0_i32 = arith.constant 0 : i32
    %c0_i32_0 = arith.constant 0 : i32
    %c0_i32_1 = arith.constant 0 : i32
    return %c0_i32, %c0_i32_0 : i32, i32
  }
  func.func @transform_11(%arg0: i32) -> (i32, i32) {
    %c0_i32 = arith.constant 0 : i32
    %c0_i32_0 = arith.constant 0 : i32
    %c0_i32_1 = arith.constant 0 : i32
    return %c0_i32, %c0_i32_0 : i32, i32
  }
  func.func @transform_12(%arg0: i32) -> (i32, i32) {
    %c0_i32 = arith.constant 0 : i32
    %c0_i32_0 = arith.constant 0 : i32
    return %arg0, %c0_i32 : i32, i32
  }
}

</mosaic_0001>

<sc_bundles>
// kernel: kernel.4.cloned.1.call-start
scs
__scs_entry_jumppad:
0x0: {  	(pc) =	sbr.rel $0x88, $3  }
0x1: {  	(tag) =	ssettag $0x0;
	lr =	simm.s32 $0x1  }
0x2: {  	[smem:$0x3F97] =	sst lr;
	_ =	strace $0xD0000000  }
0x3: {  	_ = 	snop  }
0x4: {  	_ = 	snop  }
0x5: {  	_ = 	snop  }
0x6: {  	_ = 	snop  }
0x7: {  	_ = 	snop  }
__scs_overlays_trampoline_lowered:
0x8: {  	[smem:$0x3FA6] =	sst s0  }
0x9: {  	[smem:$0x3FA7] =	sst s1  }
0xa: {  	[smem:$0x3FA8] =	sst s2  }
0xb: {  	[smem:$0x3FA9] =	sst s3  }
0xc: {  	[smem:$0x3FAA] =	sst s4  }
0xd: {  	[smem:$0x3FAB] =	sst s5  }
0xe: {  	[smem:$0x3FAC] =	sst s6  }
0xf: {  	[smem:$0x3FAD] =	sst s7  }
0x10: {  	[smem:$0x3FAE] =	sst s8  }
0x11: {  	[smem:$0x3FAF] =	sst s9;
	s0 =	simm.s32 @!p0 $0x0  }
0x12: {  	s1 =	sld [smem:$0x3F95];
	s0 =	simm.s32 @p0 $0x1  }
0x13: {  	[smem:$0x3FB0] =	sst s0;
	s0 =	simm.s32 @!p1 $0x0  }
0x14: {  	s2 =	sld [smem:$0x3F94];
	s0 =	simm.s32 @p1 $0x1  }
0x15: {  	[smem:$0x3FB1] =	sst s0;
	s0 =	simm.s32 @!p2 $0x0  }
0x16: {  	s3 =	sld [smem:$0x3FDB];
	s0 =	simm.s32 @p2 $0x1  }
0x17: {  	s4 =	simm.s32 $0x1BF5;
	[smem:$0x3FB3] =	sst s0  }
0x18: {  	s0 =	sld [smem:$0x3F96];
	_ =	swait.ge [sflag:s4], $0x0  }
0x19: {  	s7 =	sld [smem:$0x3F97]  }
0x1a: {  	s8 =	sadd.s32 $0xFFFFE003, lr  }
0x1b: {  	s9 =	sadd.s32 $0xFFFFFEF7, lr;
	s5 =	simm.s32 $0xFFFFFFFF;
	p2 =	slt.u32 s8, $0xFFFFF086  }
0x1c: {  	p1 =	slt.u32 s9, $0xF7A;
	s5 =	simm.s32 @!p2 $0x0  }
0x1d: {  	s5 =	simm.s32 @p1 $0x1;
	p0 =	seq.s32 s7, s2  }
0x1e: {  	s7 =	smul.u32 @!p0 $0xF7A, s2;
	p2 =	seq.s32 @!p0 s5, $0x0  }
0x1f: {  	s9 =	smul.u32 $0xF7A, s1;
	s8 =	simm.s32 @!p0 $0x1BF5;
	p2 =	por !p2, p0  }
0x20: {  	[sflag:s8] =	ssyncset.s32 @!p0 $0xFFFFF086;
	s6 =	sadd.s32 @!p0 s3, s7;
	s7 =	simm.s32 @!p0 $0x108  }
0x21: {  	s3 =	sadd.s32 s3, s9;
	s6 =	sadd.s32 @!p0 $0x88, s6;
	s7 =	simm.s32 @p2 $0x1082  }
0x22: {  	[simem:s7], [sflag:s8] =	dma.local @!p0 [hbm:s6], $0xF7A  }
0x23: {  	s9 =	sor.u32 $0xD0000000, s2;
	s6 =	simm.s32 $0x108;
	_ =	swait.ge @!p0 [sflag:s8], $0x0  }
0x24: {  	s3 =	sadd.s32 $0x88, s3;
	s6 =	simm.s32 @!p1 $0x1082;
	[sflag:s4] =	ssyncset.s32 $0xFFFFF086  }
0x25: {  	[simem:s6], [sflag:s4] =	dma.local [hbm:s3], $0xF7A  }
0x26: {  	[smem:$0x3F97] =	sst s1;
	(tag) =	ssettag s2;
	_ =	strace s9  }
0x27: {  	s1 =	sld [smem:$0x3FA7]  }
0x28: {  	s2 =	sld [smem:$0x3FA8]  }
0x29: {  	s4 =	sld [smem:$0x3FAA]  }
0x2a: {  	p0 =	seq.s32 s5, $0x0;
	s5 =	sld [smem:$0x3FAB]  }
0x2b: {  	s6 =	sld [smem:$0x3FAC]  }
0x2c: {  	s7 =	sld [smem:$0x3FAD]  }
0x2d: {  	s3 =	simm.s32 $0x108;
	s8 =	sld [smem:$0x3FAE]  }
0x2e: {  	s3 =	simm.s32 @!p0 $0x1082;
	s9 =	sld [smem:$0x3FAF]  }
0x2f: {  	lr =	sadd.s32 s0, s3;
	s0 =	sld [smem:$0x3FA6]  }
0x30: {  	s3 =	sld [smem:$0x3FA9]  }
0x31: {  	[smem:$0x3FB2] =	sst s10  }
0x32: {  	s10 =	sld [smem:$0x3FB0];
	_ =	sdelay $0x3  }
0x33: {  	p0 =	seq.s32 s10, $0x1;
	s10 =	sld [smem:$0x3FB2];
	_ =	sdelay $0x3  }
0x34: {  	[smem:$0x3FB2] =	sst s10  }
0x35: {  	s10 =	sld [smem:$0x3FB1];
	_ =	sdelay $0x3  }
0x36: {  	p1 =	seq.s32 s10, $0x1;
	s10 =	sld [smem:$0x3FB2];
	_ =	sdelay $0x3  }
0x37: {  	[smem:$0x3FB2] =	sst s10  }
0x38: {  	s10 =	sld [smem:$0x3FB3]  }
0x39: {  	_ = 	snop;
	(pc) =	sbr.ind lr, $3  }
0x3a: {  	_ = 	snop  }
0x3b: {  	_ = 	snop  }
0x3c: {  	p2 =	seq.s32 s10, $0x1;
	s10 =	sld [smem:$0x3FB2]  }
0x3d: {  	_ =	shalt  }
0x3e: {  	_ =	shalt  }
0x3f: {  	_ =	shalt  }
0x40: {  	_ =	shalt  }
0x41: {  	_ =	shalt  }
0x42: {  	_ =	shalt  }
0x43: {  	_ =	shalt  }
0x44: {  	_ =	shalt  }
0x45: {  	_ =	shalt  }
0x46: {  	_ =	shalt  }
0x47: {  	_ =	shalt  }
0x48: {  	_ =	shalt  }
0x49: {  	_ =	shalt  }
0x4a: {  	_ =	shalt  }
0x4b: {  	_ =	shalt  }
0x4c: {  	_ =	shalt  }
0x4d: {  	_ =	shalt  }
0x4e: {  	_ =	shalt  }
0x4f: {  	_ =	shalt  }
0x50: {  	_ =	shalt  }
0x51: {  	_ =	shalt  }
0x52: {  	_ =	shalt  }
0x53: {  	_ =	shalt  }
0x54: {  	_ =	shalt  }
0x55: {  	_ =	shalt  }
0x56: {  	_ =	shalt  }
0x57: {  	_ =	shalt  }
0x58: {  	_ =	shalt  }
0x59: {  	_ =	shalt  }
0x5a: {  	_ =	shalt  }
0x5b: {  	_ =	shalt  }
0x5c: {  	_ =	shalt  }
0x5d: {  	_ =	shalt  }
0x5e: {  	_ =	shalt  }
0x5f: {  	_ =	shalt  }
0x60: {  	_ =	shalt  }
0x61: {  	_ =	shalt  }
0x62: {  	_ =	shalt  }
0x63: {  	_ =	shalt  }
0x64: {  	_ =	shalt  }
0x65: {  	_ =	shalt  }
0x66: {  	_ =	shalt  }
0x67: {  	_ =	shalt  }
0x68: {  	_ =	shalt  }
0x69: {  	_ =	shalt  }
0x6a: {  	_ =	shalt  }
0x6b: {  	_ =	shalt  }
0x6c: {  	_ =	shalt  }
0x6d: {  	_ =	shalt  }
0x6e: {  	_ =	shalt  }
0x6f: {  	_ =	shalt  }
0x70: {  	_ =	shalt  }
0x71: {  	_ =	shalt  }
0x72: {  	_ =	shalt  }
0x73: {  	_ =	shalt  }
0x74: {  	_ =	shalt  }
0x75: {  	_ =	shalt  }
0x76: {  	_ =	shalt  }
0x77: {  	_ =	shalt  }
0x78: {  	_ =	shalt  }
0x79: {  	_ =	shalt  }
0x7a: {  	_ =	shalt  }
0x7b: {  	_ =	shalt  }
0x7c: {  	_ =	shalt  }
0x7d: {  	_ =	shalt  }
0x7e: {  	_ =	shalt  }
0x7f: {  	_ =	shalt  }
0x80: {  	_ =	shalt  }
0x81: {  	_ =	shalt  }
0x82: {  	_ =	shalt  }
0x83: {  	_ =	shalt  }
0x84: {  	_ =	shalt  }
0x85: {  	_ =	shalt  }
0x86: {  	_ =	shalt  }
0x87: {  	_ =	shalt  }
.Lfunc_end0:
.L_simem_size_0:
called_computation_lowered:
.L_overlay_start_0:
0x88: {  	s2 =	sld [smem:$0x3FD9]  }
0x89: {  	s3 =	sld [smem:$0x3FFE];
	_ =	sdelay $0x1  }
0x8a: {  	s1 =	srdreg.scid  }
0x8b: {  	s0 =	sand.u32 $0x1, s1  }
0x8c: {  	s17 =	sshll.u32 s0, $0xA;
	s2 =	sadd.s32 s3, s2  }
0x8d: {  	s2 =	sadd.s32 s2, s17  }
0x8e: {  	[smem:$0x3FBE] =	sst s2  }
0x8f: {  	_ = 	snop  }
0x90: {  	s2 =	sld [smem:$0x3FD0];
	(tm) =	ssettm $0x1  }
0x91: {  	s18 =	sld [smem:$0x3FFB];
	_ =	sdelay $0x3  }
0x92: {  	_ =	strace s18  }
0x93: {  	s3 =	sld [smem:$0x3FFC];
	_ =	sdelay $0x3  }
0x94: {  	_ =	strace s3  }
0x95: {  	s3 =	sld [smem:$0x3FFD];
	_ =	sdelay $0x3  }
0x96: {  	_ =	strace s3  }
0x97: {  	_ =	strace $0x8FFFFFFF  }
0x98: {  	s19 =	sld [smem:$0x3FDB];
	_ =	sdelay $0x1  }
0x99: {  	s4 =	simm.s32 $_scs_section_size  }
0x9a: {  	s5 =	simm.s32 $_size__tile_overlayer_lowered;
	s6 =	simm.s32 $_tile_overlayer_lowered  }
0x9b: {  	s22 =	simm.s32 $0x1BFF;
	s21 =	sshll.u32 s6, $0x1;
	s3 =	sadd.s32 s4, s19  }
0x9c: {  	s7 =	simm.s32 $0x0;
	s20 =	sshll.u32 s5, $0x1;
	s5 =	sadd.s32 s21, s3  }
0x9d: {  	[timem:s7], [sflag:s22] =	dma.local [hbm:s5], s20  }
0x9e: {  	_ =	swait.ge [sflag:s22], s20  }
0x9f: {  	s4 =	ssub.s32 $0x0, s20;
	[sflag:s22] =	ssyncset.done $0x0  }
0xa0: {  	[sflag:s22] =	ssyncadd.s32 s4;
	_ =	sdelay $0x1  }
0xa1: {  	s23 =	simm.s32 $0x1B8B  }
0xa2: {  	_ =	swait.ge [sflag:s23], $0x1  }
0xa3: {  	[sflag:s23] =	ssyncset.done $0x0  }
0xa4: {  	s25 =	simm.s32 $0x1B8E;
	s24 =	sld [smem:$0x3FFE];
	[sflag:s23] =	ssyncadd.s32 $0xFFFFFFFF  }
0xa5: {  	s26 =	simm.s32 $execute0_lowered;
	[smem:$0x3FD2] =	sst s25  }
0xa6: {  	s5 =	sshll.u32 s26, $0x1;
	_ =	strace $0x80000046;
	[dreg:$0x1] =	wrdreg $0xFFFFFFFF  }
0xa7: {  	s28 =	simm.s32 $_size_execute0_lowered;
	s3 =	sadd.s32 s3, s5;
	[dreg:$0x0] =	wrdreg $0x0  }
0xa8: {  	s5 =	sshll.u32 s28, $0x1;
	[dreg:$0x2] =	wrdreg s3  }
0xa9: {  	[dreg:$0x3] =	wrdreg s5  }
0xaa: {  	[dreg:$0x4] =	wrdreg $0xC0  }
0xab: {  	_ =	task [dreg:s7], $0x5FFFF  }
0xac: {  	[dreg:$0x1] =	wrdreg $0xFFFFFFFF  }
0xad: {  	[dreg:$0x0] =	wrdreg $0x60  }
0xae: {  	[dreg:$0x2] =	wrdreg s24  }
0xaf: {  	[dreg:$0x3] =	wrdreg s2  }
0xb0: {  	[dreg:$0x4] =	wrdreg $0x8F800  }
0xb1: {  	[dreg:$0x5] =	wrdreg $0x1CF800  }
0xb2: {  	[dreg:$0x6] =	wrdreg $0x9  }
0xb3: {  	_ =	task.clear_ibuf [dreg:s7], $0x7FFFF;
	_ =	strace $0x90000046  }
0xb4: {  	s29 =	simm.s32 $0x9;
	_ =	strace $0x80000048  }
0xb5: {  	_ =	swait.ge [sflag:s29], $0x1  }
0xb6: {  	[sflag:s29] =	ssyncadd.s32 $0xFFFFFFFF  }
0xb7: {  	_ =	strace $0x90000048  }
0xb8: {  	_ =	sfence  }
0xb9: {  	s30 =	sld [smem:$0x0];
	_ =	sdelay $0x2  }
0xba: {  	s31 =	sshll.u32 s1, $0xD;
	s1 =	sshrl.u32 s1, $0x2  }
0xbb: {  	s3 =	sand.u32 $0x4000, s31;
	s1 =	sadd.s32 s1, s30  }
0xbc: {  	s0 =	sor.u32 s3, s0;
	s1 =	sshll.u32 s1, $0x11  }
0xbd: {  	s0 =	sor.u32 s1, s0  }
0xbe: {  	s0 =	sadd.s32 $0x8F2B, s0  }
0xbf: {  	[sflag:s0] =	ssyncadd.remote.s32 $0x1  }
0xc0: {  	_ =	sfence.sel $0xFFFF  }
0xc1: {  	[dreg:$0x0] =	wrdreg $0xFFFFFFFF;
	(pc) =	sbr.abs _section_cstart, $3  }
0xc2: {  	[dreg:$0x1] =	wrdreg $0xFFFFFFFF  }
0xc3: {  	_ =	task.clear_ibuf [dreg:s7], $0x2FFFF;
	_ =	strace $0x9FFFFFFF  }
0xc4: {  	(tm) =	ssettm $0x7FFFFFFF  }
0xc5: {  	_ =	shalt  }
tec
execute0_lowered:
.L_overlay_start_1:
0x0: {  	(tag) =	ssettag $0x1  }
0x1: {  	s0 =	rddreg [dreg:$0x0]  }
0x2: {  	s1 =	rddreg [dreg:$0x1]  }
0x3: {  	s2 =	rddreg [dreg:$0x2]  }
0x4: {  	s4 =	rddreg [dreg:$0x3];
	s5 =	simm.s32 $0x0  }
0x5: {  	s3 =	srdreg.scid;
	s23 =	stileid.u32;
	s21 =	simm.s32 $0x17E00  }
0x6: {  	s29 =	simm.s32 $0x8280;
	s30 =	simm.s32 $0x8100;
	s31 =	simm.s32 $0x8180  }
0x7: {  	[smem:$0x7FF] =	sst s5;
	s7 =	sand.u32 $0x1, s3;
	s6 =	smul.u32 $0x2800, s23  }
0x8: {  	s9 =	sadd.s32 $0xB400, s0;
	s12 =	sadd.s32 $0x21E00, s0;
	s8 =	smul.u32 $0x28000, s7  }
0x9: {  	_ =	strace $0x80000047;
	s3 =	ssub.s32 $0x2, s7;
	s11 =	smul.u32 $0x27100, s7  }
0xa: {  	s26 =	smul.u32 $0x138800, s7;
	p0 =	seq.s32 s7, $0x0;
	s10 =	sshrl.u32 s3, $0x1  }
0xb: {  	s21 =	simm.s32 @!p0 $0x1CE00;
	s3 =	ssub.s32 s3, s10;
	s13 =	sadd.s32 s6, s8  }
0xc: {  	s11 =	sadd.s32 s6, s11;
	s8 =	smul.u32 $0x2710, s23;
	s10 =	sshrl.u32 s26, $0x3  }
0xd: {  	s21 =	sadd.s32 s21, s0;
	s11 =	sadd.s32 s12, s11;
	s10 =	sadd.s32 s12, s10  }
0xe: {  	s19 =	sor.u32 $0x300, s13;
	s24 =	sor.u32 $0x280, s13;
	s3 =	smax.u32 s3, $0x1  }
0xf: {  	[dreg:$0x9] =	wrdreg s11;
	s28 =	sshrl.u32 s8, $0x3;
	s12 =	sadd.s32 $0x7D0, s8  }
0x10: {  	s15 =	sadd.s32 $0xFA0, s8;
	s16 =	sadd.s32 $0x1770, s8;
	s20 =	sadd.s32 $0x1F40, s8  }
0x11: {  	s19 =	sshrl.u32 s19, $0x3;
	s10 =	sadd.s32 $0x25800, s10;
	[smem:$0x7F5] =	sst s3  }
0x12: {  	s26 =	sshrl.u32 s24, $0x3;
	s19 =	sadd.s32 s19, s9;
	[dreg:$0x1d] =	wrdreg s10  }
0x13: {  	s14 =	sshrl.u32 s12, $0x3;
	s11 =	sadd.s32 s21, s28;
	[dreg:$0x5] =	wrdreg s19  }
0x14: {  	s17 =	sshrl.u32 s15, $0x3;
	s12 =	sadd.s32 s12, s4;
	[dreg:$0xa] =	wrdreg s11  }
0x15: {  	s18 =	sshrl.u32 s16, $0x3;
	s25 =	sadd.s32 s21, s14;
	[dreg:$0x1f] =	wrdreg s12  }
0x16: {  	s22 =	sshrl.u32 s20, $0x3;
	s28 =	sadd.s32 s21, s17;
	[dreg:$0xb] =	wrdreg s25  }
0x17: {  	s17 =	sadd.s32 s21, s18;
	s11 =	sadd.s32 s26, s9;
	[dreg:$0xc] =	wrdreg s28  }
0x18: {  	s18 =	sadd.s32 s21, s22;
	s19 =	sor.u32 $0x200, s13;
	[dreg:$0xd] =	wrdreg s17  }
0x19: {  	s21 =	sshrl.u32 s13, $0x3;
	s22 =	sshrl.u32 s6, $0x3;
	[dreg:$0xe] =	wrdreg s18  }
0x1a: {  	s14 =	sadd.s32 $0x1400, s0;
	s6 =	sadd.s32 s6, s4;
	[dreg:$0x6] =	wrdreg s11  }
0x1b: {  	s18 =	sadd.s32 s9, s21;
	s21 =	sadd.s32 s14, s22;
	[dreg:$0x1c] =	wrdreg s6  }
0x1c: {  	s13 =	sor.u32 $0x180, s13;
	s11 =	sshrl.u32 s19, $0x3;
	[dreg:$0x15] =	wrdreg s21  }
0x1d: {  	s24 =	sor.u32 $0x10, s22;
	s11 =	sadd.s32 s11, s9;
	[dreg:$0xf] =	wrdreg s18  }
0x1e: {  	s13 =	sshrl.u32 s13, $0x3;
	s17 =	sadd.s32 s14, s24;
	[dreg:$0x7] =	wrdreg s11  }
0x1f: {  	s9 =	sadd.s32 s13, s9;
	s13 =	sadd.s32 $0x6400, s0;
	[dreg:$0x11] =	wrdreg s17  }
0x20: {  	s26 =	sor.u32 $0x20, s22;
	s25 =	sadd.s32 s13, s24;
	[dreg:$0x8] =	wrdreg s9  }
0x21: {  	p2 =	seq.s32 s23, $0xF;
	s28 =	sadd.s32 s13, s26;
	[dreg:$0x10] =	wrdreg s25  }
0x22: {  	p1 =	sne.s32 s7, $0x0;
	s17 =	sadd.s32 s14, s26;
	[dreg:$0x12] =	wrdreg s28  }
0x23: {  	s19 =	sadd.s32 s13, s22;
	s11 =	sor.u32 $0x30, s22;
	[dreg:$0x13] =	wrdreg s17  }
0x24: {  	s7 =	simm.s32 $0x4;
	[dreg:$0x14] =	wrdreg s19;
	s24 =	sadd.s32 s13, s11  }
0x25: {  	s10 =	simm.s32 $0x7;
	s11 =	sadd.s32 s14, s11;
	[dreg:$0x16] =	wrdreg s24  }
0x26: {  	s12 =	simm.s32 $0x8;
	s28 =	sadd.s32 $0x15600, s0;
	[dreg:$0x17] =	wrdreg s11  }
0x27: {  	s22 =	smul.u32 $0x500, s23;
	s0 =	sadd.s32 $0x15400, s0;
	[dreg:$0x18] =	wrdreg s28  }
0x28: {  	s9 =	sshll.u32 s23, $0x6;
	s17 =	sadd.s32 $0x1000, s6;
	[dreg:$0x19] =	wrdreg s0  }
0x29: {  	s25 =	smul.u32 $0x50000, s23;
	s19 =	sadd.s32 $0x1800, s6;
	[smem:$0x7F8] =	sst s17  }
0x2a: {  	s23 =	sadd.s32 $0x10, s18;
	s21 =	sadd.s32 s22, s14;
	[smem:$0x7F9] =	sst s19  }
0x2b: {  	s22 =	sadd.s32 s22, s13;
	s11 =	sadd.s32 s8, s4;
	[smem:$0x7FB] =	sst s23  }
0x2c: {  	s13 =	sadd.s32 s15, s4;
	s14 =	sadd.s32 s16, s4;
	[dreg:$0x1e] =	wrdreg s11  }
0x2d: {  	s0 =	sadd.s32 $0x12C000, s2;
	s15 =	sadd.s32 s20, s4;
	[smem:$0x7F2] =	sst s13  }
0x2e: {  	s16 =	sadd.s32 $0x800, s6;
	s20 =	sadd.s32 $0x2000, s6;
	[smem:$0x7F3] =	sst s14  }
0x2f: {  	s28 =	sadd.s32 $0x30, s18;
	s17 =	simm.s32 $0xA;
	[smem:$0x7F4] =	sst s15  }
0x30: {  	s6 =	simm.s32 $0x80;
	s8 =	simm.s32 $0x4000;
	[smem:$0x7F7] =	sst s16  }
0x31: {  	s19 =	simm.s32 $0x5;
	s26 =	sshrl.u32 s25, $0x2;
	[smem:$0x7FA] =	sst s20  }
0x32: {  	s25 =	sor.u32 $0x1C0A, s9;
	s0 =	sshrl.u32 @p2 s0, $0x3;
	[smem:$0x7FD] =	sst s28  }
0x33: {  	s15 =	simm.s32 $0x8780;
	s20 =	simm.s32 $0x8080;
	s9 =	simm.s32 $0x1  }
0x34: {  	s11 =	simm.s32 $0x2;
	s13 =	simm.s32 $0x6;
	[smem:$0x7F6] =	sst s0  }
0x35: {  	s24 =	sadd.s32 s26, s2;
	s26 =	sadd.s32 $0x20, s18;
	[dreg:$0x1b] =	wrdreg s25  }
0x36: {  	s14 =	simm.s32 $0x0;
	s18 =	simm.s32 $0x8200;
	[smem:$0x7FC] =	sst s26  }
0x37: {  	v0 =	vimm.f32 $1.000000000e+00;
	s0 =	simm.s32 $0x8380;
	s26 =	simm.s32 $0x8300;
	[dreg:$0x1a] =	wrdreg s24  }
.LBB2_1:
0x38: {  	[smem:$0x7F1] =	sst s14  }
0x39: {  	s3 =	sshrl.u32 s24, $0x3;
	s16 =	rddreg [dreg:$0x18]  }
0x3a: {  	[spmem:s3], [sflag:s25] =	dma.local [hbm:s16], $0x2800  }
0x3b: {  	_ =	swait.ge [sflag:s17], $0x2800  }
0x3c: {  	[sflag:s17] =	ssyncset.done $0x0  }
0x3d: {  	s23 =	rddreg [dreg:$0x19];
	[sflag:s17] =	ssyncadd.s32 $0xFFFFD800  }
0x3e: {  	[tilespmem:s15], [sflag:$0xA] =	stream.linear.gather [hbm4b:s23+s5], $0x800, $0x38;
	[tilespmem:$0x1F780] =	vst v63  }
0x3f: {  	_ =	swait.ge [sflag:s17], $0x800  }
0x40: {  	[sflag:s17] =	ssyncset.done $0x0  }
0x41: {  	s24 =	rddreg [dreg:$0x1c];
	[sflag:s17] =	ssyncadd.s32 $0xFFFFF800  }
0x42: {  	[spmem:s24] =	stream.linear.scatter [tilespmem:s15], [sflag:$0xA], $0x800, $0x38;
	[tilespmem:$0x1F780] =	vst v63  }
0x43: {  	_ =	swait.ge [sflag:s17], $0x800  }
0x44: {  	s25 =	sld [smem:$0x7F7]  }
0x45: {  	[sflag:s17] =	ssyncset.done $0x0  }
0x46: {  	[sflag:s17] =	ssyncadd.s32 $0xFFFFF800  }
0x47: {  	[spmem:s25] =	stream.linear.scatter [tilespmem:s15], [sflag:$0xA], $0x800, $0x38;
	[tilespmem:$0x1F780] =	vst v63  }
0x48: {  	_ =	swait.ge [sflag:s17], $0x800  }
0x49: {  	s28 =	sld [smem:$0x7F8]  }
0x4a: {  	[sflag:s17] =	ssyncset.done $0x0  }
0x4b: {  	[sflag:s17] =	ssyncadd.s32 $0xFFFFF800  }
0x4c: {  	[spmem:s28] =	stream.linear.scatter [tilespmem:s15], [sflag:$0xA], $0x800, $0x38;
	[tilespmem:$0x1F780] =	vst v63  }
0x4d: {  	_ =	swait.ge [sflag:s17], $0x800  }
0x4e: {  	s14 =	sld [smem:$0x7F9]  }
0x4f: {  	[sflag:s17] =	ssyncset.done $0x0  }
0x50: {  	[sflag:s17] =	ssyncadd.s32 $0xFFFFF800  }
0x51: {  	[spmem:s14] =	stream.linear.scatter [tilespmem:s15], [sflag:$0xA], $0x800, $0x38;
	[tilespmem:$0x1F780] =	vst v63  }
0x52: {  	_ =	swait.ge [sflag:s17], $0x800  }
0x53: {  	s16 =	sld [smem:$0x7FA]  }
0x54: {  	[sflag:s17] =	ssyncset.done $0x0  }
0x55: {  	[sflag:s17] =	ssyncadd.s32 $0xFFFFF800  }
0x56: {  	[spmem:s16] =	stream.linear.scatter [tilespmem:s15], [sflag:$0xA], $0x800, $0x38;
	[tilespmem:$0x1F780] =	vst v63  }
0x57: {  	_ =	swait.ge [sflag:s17], $0x800  }
0x58: {  	[sflag:s17] =	ssyncset.done $0x0  }
0x59: {  	[sflag:s17] =	ssyncadd.s32 $0xFFFFF800  }
0x5a: {  	[tilespmem:$0x8700] =	vst v0  }
0x5b: {  	[tilespmem:$0x8710] =	vst v0  }
0x5c: {  	[tilespmem:$0x8720] =	vst v0  }
0x5d: {  	[tilespmem:$0x8730] =	vst v0  }
0x5e: {  	[tilespmem:$0x8740] =	vst v0  }
0x5f: {  	[tilespmem:$0x8750] =	vst v0  }
0x60: {  	[tilespmem:$0x8760] =	vst v0  }
0x61: {  	[tilespmem:$0x8770] =	vst v0  }
0x62: {  	[bflag:$0x0] =	sbarrier.arrive $0xFFFF  }
0x63: {  	s23 =	rddreg [dreg:$0xf]  }
0x64: {  	s14 =	simm.s32 $0x8000;
	s24 =	rddreg [dreg:$0x14]  }
0x65: {  	[tilespmem:s14], [sflag:$0x3] =	stream.linear.gather [hbm4b:s23+s5], $0x80, $0x38;
	[tilespmem:$0x1F780] =	vst v63  }
0x66: {  	s25 =	rddreg [dreg:$0x15]  }
0x67: {  	[tilespmem:s18], [sflag:$0x3] =	stream.linear.gather [hbm4b:s24+s5], $0x80, $0x38;
	[tilespmem:$0x1F780] =	vst v63  }
0x68: {  	s28 =	simm.s32 $0x8400;
	s15 =	sld [smem:$0x7FB]  }
0x69: {  	[tilespmem:s28], [sflag:$0x3] =	stream.linear.gather [hbm4b:s25+s5], $0x80, $0x38;
	[tilespmem:$0x1F780] =	vst v63  }
0x6a: {  	s16 =	rddreg [dreg:$0x10]  }
0x6b: {  	[tilespmem:s20], [sflag:$0x4] =	stream.linear.gather [hbm4b:s15+s5], $0x80, $0x38;
	[tilespmem:$0x1F780] =	vst v63  }
0x6c: {  	s23 =	rddreg [dreg:$0x11]  }
0x6d: {  	[tilespmem:s29], [sflag:$0x4] =	stream.linear.gather [hbm4b:s16+s5], $0x80, $0x38;
	[tilespmem:$0x1F780] =	vst v63  }
0x6e: {  	s24 =	simm.s32 $0x8480;
	s25 =	sld [smem:$0x7FC]  }
0x6f: {  	[tilespmem:s24], [sflag:$0x4] =	stream.linear.gather [hbm4b:s23+s5], $0x80, $0x38;
	[tilespmem:$0x1F780] =	vst v63  }
0x70: {  	s28 =	rddreg [dreg:$0x12]  }
0x71: {  	[tilespmem:s30], [sflag:$0x5] =	stream.linear.gather [hbm4b:s25+s5], $0x80, $0x38;
	[tilespmem:$0x1F780] =	vst v63  }
0x72: {  	s15 =	rddreg [dreg:$0x13]  }
0x73: {  	[tilespmem:s26], [sflag:$0x5] =	stream.linear.gather [hbm4b:s28+s5], $0x80, $0x38;
	[tilespmem:$0x1F780] =	vst v63  }
0x74: {  	s16 =	simm.s32 $0x8500;
	s23 =	sld [smem:$0x7FD]  }
0x75: {  	[tilespmem:s16], [sflag:$0x5] =	stream.linear.gather [hbm4b:s15+s5], $0x80, $0x38;
	[tilespmem:$0x1F780] =	vst v63  }
0x76: {  	_ = 	snop  }
0x77: {  	[tilespmem:s31], [sflag:$0x6] =	stream.linear.gather [hbm4b:s23+s5], $0x80, $0x38;
	[tilespmem:$0x1F780] =	vst v63  }
0x78: {  	s24 =	rddreg [dreg:$0x16]  }
0x79: {  	[tilespmem:s0], [sflag:$0x6] =	stream.linear.gather [hbm4b:s24+s5], $0x80, $0x38;
	[tilespmem:$0x1F780] =	vst v63  }
0x7a: {  	s25 =	rddreg [dreg:$0x17];
	s26 =	simm.s32 $0x8580;
	s28 =	simm.s32 $0x3  }
0x7b: {  	[tilespmem:s26], [sflag:$0x6] =	stream.linear.gather [hbm4b:s25+s5], $0x80, $0x38;
	[tilespmem:$0x1F780] =	vst v63  }
0x7c: {  	_ =	swait.ge [sflag:s28], $0x80  }
0x7d: {  	[sflag:s28] =	ssyncset.done $0x0  }
0x7e: {  	[sflag:s28] =	ssyncadd.s32 $0xFFFFFF80  }
0x7f: {  	_ =	swait.ge [sflag:s28], $0x80  }
0x80: {  	[sflag:s28] =	ssyncset.done $0x0  }
0x81: {  	[sflag:s28] =	ssyncadd.s32 $0xFFFFFF80  }
0x82: {  	_ =	swait.ge [sflag:s28], $0x80  }
0x83: {  	[sflag:s28] =	ssyncset.done $0x0  }
0x84: {  	s16 =	simm.s32 $0x0;
	[sflag:s28] =	ssyncadd.s32 $0xFFFFFF80  }
0x85: {  	[tilespmem:s5], [sflag:$0x1] =	stream.indirect.gather [hbm4b:s1+s6], $0x80, s14, s6, $0xb8;
	[tilespmem:$0x1F780] =	vst v63  }
.LBB2_2:
0x86: {  	p3 =	seq.s32 s16, $0x0  }
0x87: {  	s3 =	simm.s32 @!p3 $0x8  }
0x88: {  	_ =	swait.ge @!p3 [sflag:s3], $0x4000  }
0x89: {  	s15 =	simm.s32 @!p3 $0x8180;
	s14 =	rddreg [dreg:$0x8];
	[sflag:s3] =	ssyncset.done @!p3 $0x0  }
0x8a: {  	[sflag:s3] =	ssyncadd.s32 @!p3 $0xFFFFC000;
	s3 =	sadd.s32 @!p3 s16, s14;
	s14 =	simm.s32 @!p3 $0x0  }
0x8b: {  	[tilespmem:s15], [sflag:$0x6] =	stream.linear.gather @!p3 [hbm4b:s3+s14], $0x80, $0x38;
	[tilespmem:$0x1F780] =	vst v63  }
0x8c: {  	s3 =	sadd.s32 @!p3 s16, s22  }
0x8d: {  	s15 =	simm.s32 @!p3 $0x8380;
	s3 =	sadd.s32 @!p3 $0x30, s3  }
0x8e: {  	[tilespmem:s15], [sflag:$0x6] =	stream.linear.gather @!p3 [hbm4b:s3+s14], $0x80, $0x38;
	[tilespmem:$0x1F780] =	vst v63  }
0x8f: {  	s3 =	sadd.s32 @!p3 s16, s21  }
0x90: {  	s15 =	simm.s32 @!p3 $0x8580;
	s3 =	sadd.s32 @!p3 $0x30, s3  }
0x91: {  	[tilespmem:s15], [sflag:$0x6] =	stream.linear.gather @!p3 [hbm4b:s3+s14], $0x80, $0x38;
	[tilespmem:$0x1F780] =	vst v63  }
0x92: {  	_ =	swait.ge [sflag:s7], $0x80  }
0x93: {  	[sflag:s7] =	ssyncset.done $0x0  }
0x94: {  	[sflag:s7] =	ssyncadd.s32 $0xFFFFFF80  }
0x95: {  	_ =	swait.ge [sflag:s7], $0x80  }
0x96: {  	[sflag:s7] =	ssyncset.done $0x0  }
0x97: {  	[sflag:s7] =	ssyncadd.s32 $0xFFFFFF80  }
0x98: {  	_ =	swait.ge [sflag:s7], $0x80  }
0x99: {  	[sflag:s7] =	ssyncset.done $0x0  }
0x9a: {  	[sflag:s7] =	ssyncadd.s32 $0xFFFFFF80  }
0x9b: {  	[tilespmem:s8], [sflag:$0x2] =	stream.indirect.gather [hbm4b:s1+s6], $0x80, s20, s6, $0xb8;
	[tilespmem:$0x1F780] =	vst v63  }
0x9c: {  	p3 =	seq.s32 @!p1 s16, $0x0;
	_ =	swait.ge [sflag:s9], $0x4000  }
0x9d: {  	p3 =	por p3, p1;
	[sflag:s9] =	ssyncset.done $0x0  }
0x9e: {  	s3 =	simm.s32 @!p3 $0x9;
	[sflag:s9] =	ssyncadd.s32 $0xFFFFC000  }
0x9f: {  	_ =	swait.ge @!p3 [sflag:s3], $0x80  }
0xa0: {  	[sflag:s3] =	ssyncset.done @!p3 $0x0  }
0xa1: {  	[sflag:s3] =	ssyncadd.s32 @!p3 $0xFFFFFF80  }
0xa2: {  	v1 =	vld @!p1 [tilespmem:$0x8200]  }
0xa3: {  	v2 =	vld @!p1 [tilespmem:$0x8400]  }
0xa4: {  	v3 =	vld @!p1 [tilespmem:$0x8210]  }
0xa5: {  	v4 =	vld @!p1 [tilespmem:$0x8410]  }
0xa6: {  	v5 =	vld @!p1 [tilespmem:$0x8220]  }
0xa7: {  	v6 =	vld @!p1 [tilespmem:$0x8420]  }
0xa8: {  	v7 =	vld @!p1 [tilespmem:$0x8230]  }
0xa9: {  	v8 =	vld @!p1 [tilespmem:$0x8430]  }
0xaa: {  	v9 =	vld @!p1 [tilespmem:$0x8240]  }
0xab: {  	v10 =	vld @!p1 [tilespmem:$0x8440]  }
0xac: {  	v11 =	vld @!p1 [tilespmem:$0x8250]  }
0xad: {  	v12 =	vld @!p1 [tilespmem:$0x8450]  }
0xae: {  	v13 =	vld @!p1 [tilespmem:$0x8260];
	v1 =	vshll.u32 @!p1 v1, $0x4  }
0xaf: {  	v1 =	vadd.s32 @!p1 v2, v1;
	v2 =	vshll.u32 @!p1 v3, $0x4;
	v3 =	vld @!p1 [tilespmem:$0x8460]  }
0xb0: {  	[tilespmem:$0x8600] =	vst @!p1 v1;
	v1 =	vadd.s32 @!p1 v4, v2;
	v2 =	vshll.u32 @!p1 v5, $0x4;
	v4 =	vld @!p1 [tilespmem:$0x8270]  }
0xb1: {  	v5 =	vld @!p1 [tilespmem:$0x8470];
	[tilespmem:$0x8610] =	vst @!p1 v1;
	v1 =	vadd.s32 @!p1 v6, v2;
	v2 =	vshll.u32 @!p1 v7, $0x4  }
0xb2: {  	[tilespmem:$0x8620] =	vst @!p1 v1;
	v1 =	vadd.s32 @!p1 v8, v2;
	v2 =	vshll.u32 @!p1 v9, $0x4  }
0xb3: {  	[tilespmem:$0x8630] =	vst @!p1 v1;
	v1 =	vadd.s32 @!p1 v10, v2;
	v2 =	vshll.u32 @!p1 v11, $0x4  }
0xb4: {  	[tilespmem:$0x8640] =	vst @!p1 v1;
	v1 =	vadd.s32 @!p1 v12, v2;
	v2 =	vshll.u32 @!p1 v13, $0x4  }
0xb5: {  	[tilespmem:$0x8650] =	vst @!p1 v1;
	v1 =	vadd.s32 @!p1 v3, v2;
	v2 =	vshll.u32 @!p1 v4, $0x4  }
0xb6: {  	[tilespmem:$0x8660] =	vst @!p1 v1;
	v1 =	vadd.s32 @!p1 v5, v2  }
0xb7: {  	s25 =	simm.s32 @!p1 $0x80;
	s26 =	simm.s32 @!p1 $0x8600;
	s3 =	simm.s32 @!p1 $0x8700;
	[tilespmem:$0x8670] =	vst @!p1 v1  }
0xb8: {  	[spmem:s4] =	stream.indirect.scatter.add.f32 @!p1 [tilespmem:s3], [sflag:$0x9], $0x1, s26, s25, $0xb8;
	[tilespmem:$0x1F780] =	vst v63  }
0xb9: {  	_ = 	snop  }
0xba: {  	[spmem:s2] =	stream.indirect.scatter.add.f32 [tilespmem:s5], [sflag:$0x7], $0x80, s18, s6, $0xb8;
	[tilespmem:$0x1F780] =	vst v63  }
0xbb: {  	p3 =	seq.s32 s16, $0x4C0;
	_ =	swait.ge [sflag:s10], $0x4000  }
0xbc: {  	s28 =	simm.s32 @!p3 $0x0;
	s14 =	rddreg [dreg:$0x7];
	[sflag:s10] =	ssyncset.done $0x0  }
0xbd: {  	[sflag:s10] =	ssyncadd.s32 $0xFFFFC000;
	s15 =	sadd.s32 @!p3 s16, s14;
	s14 =	simm.s32 @!p3 $0x8000  }
0xbe: {  	[tilespmem:s14], [sflag:$0x3] =	stream.linear.gather @!p3 [hbm4b:s15+s28], $0x80, $0x38;
	[tilespmem:$0x1F780] =	vst v63  }
0xbf: {  	s15 =	sadd.s32 @!p3 s16, s22  }
0xc0: {  	s20 =	simm.s32 @!p3 $0x8200;
	s18 =	sadd.s32 @!p3 $0x40, s15  }
0xc1: {  	[tilespmem:s20], [sflag:$0x3] =	stream.linear.gather @!p3 [hbm4b:s18+s28], $0x80, $0x38;
	[tilespmem:$0x1F780] =	vst v63  }
0xc2: {  	s18 =	sadd.s32 @!p3 s16, s21  }
0xc3: {  	s23 =	simm.s32 @!p3 $0x8400;
	s20 =	sadd.s32 @!p3 $0x40, s18  }
0xc4: {  	[tilespmem:s23], [sflag:$0x3] =	stream.linear.gather @!p3 [hbm4b:s20+s28], $0x80, $0x38;
	[tilespmem:$0x1F780] =	vst v63  }
0xc5: {  	_ =	swait.ge [sflag:s19], $0x80  }
0xc6: {  	[sflag:s19] =	ssyncset.done $0x0  }
0xc7: {  	[sflag:s19] =	ssyncadd.s32 $0xFFFFFF80  }
0xc8: {  	_ =	swait.ge [sflag:s19], $0x80  }
0xc9: {  	[sflag:s19] =	ssyncset.done $0x0  }
0xca: {  	[sflag:s19] =	ssyncadd.s32 $0xFFFFFF80  }
0xcb: {  	_ =	swait.ge [sflag:s19], $0x80  }
0xcc: {  	[sflag:s19] =	ssyncset.done $0x0  }
0xcd: {  	[sflag:s19] =	ssyncadd.s32 $0xFFFFFF80  }
0xce: {  	[tilespmem:s5], [sflag:$0x1] =	stream.indirect.gather [hbm4b:s1+s6], $0x80, s30, s6, $0xb8;
	[tilespmem:$0x1F780] =	vst v63  }
0xcf: {  	p4 =	seq.s32 @!p0 s16, $0x0;
	_ =	swait.ge [sflag:s11], $0x4000  }
0xd0: {  	p4 =	por p4, p0;
	[sflag:s11] =	ssyncset.done $0x0  }
0xd1: {  	s20 =	simm.s32 @!p4 $0x9;
	[sflag:s11] =	ssyncadd.s32 $0xFFFFC000  }
0xd2: {  	_ =	swait.ge @!p4 [sflag:s20], $0x80  }
0xd3: {  	[sflag:s20] =	ssyncset.done @!p4 $0x0  }
0xd4: {  	[sflag:s20] =	ssyncadd.s32 @!p4 $0xFFFFFF80  }
0xd5: {  	v1 =	vld @!p0 [tilespmem:$0x8280]  }
0xd6: {  	v2 =	vld @!p0 [tilespmem:$0x8480]  }
0xd7: {  	v3 =	vld @!p0 [tilespmem:$0x8290]  }
0xd8: {  	v4 =	vld @!p0 [tilespmem:$0x8490]  }
0xd9: {  	v5 =	vld @!p0 [tilespmem:$0x82A0]  }
0xda: {  	v6 =	vld @!p0 [tilespmem:$0x84A0]  }
0xdb: {  	v7 =	vld @!p0 [tilespmem:$0x82B0]  }
0xdc: {  	v8 =	vld @!p0 [tilespmem:$0x84B0]  }
0xdd: {  	v9 =	vld @!p0 [tilespmem:$0x82C0]  }
0xde: {  	v10 =	vld @!p0 [tilespmem:$0x84C0]  }
0xdf: {  	v11 =	vld @!p0 [tilespmem:$0x82D0]  }
0xe0: {  	v12 =	vld @!p0 [tilespmem:$0x84D0]  }
0xe1: {  	v13 =	vld @!p0 [tilespmem:$0x82E0];
	v1 =	vshll.u32 @!p0 v1, $0x4  }
0xe2: {  	v1 =	vadd.s32 @!p0 v2, v1;
	v2 =	vshll.u32 @!p0 v3, $0x4;
	v3 =	vld @!p0 [tilespmem:$0x84E0]  }
0xe3: {  	[tilespmem:$0x8680] =	vst @!p0 v1;
	v1 =	vadd.s32 @!p0 v4, v2;
	v2 =	vshll.u32 @!p0 v5, $0x4;
	v4 =	vld @!p0 [tilespmem:$0x82F0]  }
0xe4: {  	v5 =	vld @!p0 [tilespmem:$0x84F0];
	[tilespmem:$0x8690] =	vst @!p0 v1;
	v1 =	vadd.s32 @!p0 v6, v2;
	v2 =	vshll.u32 @!p0 v7, $0x4  }
0xe5: {  	[tilespmem:$0x86A0] =	vst @!p0 v1;
	v1 =	vadd.s32 @!p0 v8, v2;
	v2 =	vshll.u32 @!p0 v9, $0x4  }
0xe6: {  	[tilespmem:$0x86B0] =	vst @!p0 v1;
	v1 =	vadd.s32 @!p0 v10, v2;
	v2 =	vshll.u32 @!p0 v11, $0x4  }
0xe7: {  	[tilespmem:$0x86C0] =	vst @!p0 v1;
	v1 =	vadd.s32 @!p0 v12, v2;
	v2 =	vshll.u32 @!p0 v13, $0x4  }
0xe8: {  	[tilespmem:$0x86D0] =	vst @!p0 v1;
	v1 =	vadd.s32 @!p0 v3, v2;
	v2 =	vshll.u32 @!p0 v4, $0x4  }
0xe9: {  	[tilespmem:$0x86E0] =	vst @!p0 v1;
	v1 =	vadd.s32 @!p0 v5, v2  }
0xea: {  	s24 =	simm.s32 @!p0 $0x8700;
	s23 =	simm.s32 @!p0 $0x8680;
	s20 =	simm.s32 @!p0 $0x80;
	[tilespmem:$0x86F0] =	vst @!p0 v1  }
0xeb: {  	[spmem:s4] =	stream.indirect.scatter.add.f32 @!p0 [tilespmem:s24], [sflag:$0x9], $0x1, s23, s20, $0xb8;
	[tilespmem:$0x1F780] =	vst v63  }
0xec: {  	_ = 	snop  }
0xed: {  	[spmem:s2] =	stream.indirect.scatter.add.f32 [tilespmem:s8], [sflag:$0x8], $0x80, s29, s6, $0xb8;
	[tilespmem:$0x1F780] =	vst v63  }
0xee: {  	_ =	swait.ge [sflag:s12], $0x4000  }
0xef: {  	s29 =	rddreg [dreg:$0x6];
	[sflag:s12] =	ssyncset.done $0x0  }
0xf0: {  	s30 =	simm.s32 @!p3 $0x8080;
	[sflag:s12] =	ssyncadd.s32 $0xFFFFC000;
	s29 =	sadd.s32 @!p3 s16, s29  }
0xf1: {  	[tilespmem:s30], [sflag:$0x4] =	stream.linear.gather @!p3 [hbm4b:s29+s28], $0x80, $0x38;
	[tilespmem:$0x1F780] =	vst v63  }
0xf2: {  	s29 =	sadd.s32 @!p3 $0x50, s15;
	s30 =	simm.s32 @!p3 $0x8280  }
0xf3: {  	[tilespmem:s30], [sflag:$0x4] =	stream.linear.gather @!p3 [hbm4b:s29+s28], $0x80, $0x38;
	[tilespmem:$0x1F780] =	vst v63  }
0xf4: {  	s29 =	sadd.s32 @!p3 $0x50, s18;
	s30 =	simm.s32 @!p3 $0x8480  }
0xf5: {  	[tilespmem:s30], [sflag:$0x4] =	stream.linear.gather @!p3 [hbm4b:s29+s28], $0x80, $0x38;
	[tilespmem:$0x1F780] =	vst v63  }
0xf6: {  	_ =	swait.ge [sflag:s13], $0x80  }
0xf7: {  	[sflag:s13] =	ssyncset.done $0x0  }
0xf8: {  	[sflag:s13] =	ssyncadd.s32 $0xFFFFFF80  }
0xf9: {  	_ =	swait.ge [sflag:s13], $0x80  }
0xfa: {  	[sflag:s13] =	ssyncset.done $0x0  }
0xfb: {  	[sflag:s13] =	ssyncadd.s32 $0xFFFFFF80  }
0xfc: {  	_ =	swait.ge [sflag:s13], $0x80  }
0xfd: {  	[sflag:s13] =	ssyncset.done $0x0  }
0xfe: {  	[sflag:s13] =	ssyncadd.s32 $0xFFFFFF80  }
0xff: {  	[tilespmem:s8], [sflag:$0x2] =	stream.indirect.gather [hbm4b:s1+s6], $0x80, s31, s6, $0xb8;
	[tilespmem:$0x1F780] =	vst v63  }
0x100: {  	_ =	swait.ge [sflag:s9], $0x4000  }
0x101: {  	[sflag:s9] =	ssyncset.done $0x0  }
0x102: {  	s29 =	simm.s32 @!p1 $0x9;
	[sflag:s9] =	ssyncadd.s32 $0xFFFFC000  }
0x103: {  	_ =	swait.ge @!p1 [sflag:s29], $0x80  }
0x104: {  	[sflag:s29] =	ssyncset.done @!p1 $0x0  }
0x105: {  	[sflag:s29] =	ssyncadd.s32 @!p1 $0xFFFFFF80  }
0x106: {  	v1 =	vld @!p1 [tilespmem:$0x8300]  }
0x107: {  	v2 =	vld @!p1 [tilespmem:$0x8500]  }
0x108: {  	v3 =	vld @!p1 [tilespmem:$0x8310]  }
0x109: {  	v4 =	vld @!p1 [tilespmem:$0x8510]  }
0x10a: {  	v5 =	vld @!p1 [tilespmem:$0x8320]  }
0x10b: {  	v6 =	vld @!p1 [tilespmem:$0x8520]  }
0x10c: {  	v7 =	vld @!p1 [tilespmem:$0x8330]  }
0x10d: {  	v8 =	vld @!p1 [tilespmem:$0x8530]  }
0x10e: {  	v9 =	vld @!p1 [tilespmem:$0x8340]  }
0x10f: {  	v10 =	vld @!p1 [tilespmem:$0x8540]  }
0x110: {  	v11 =	vld @!p1 [tilespmem:$0x8350]  }
0x111: {  	v12 =	vld @!p1 [tilespmem:$0x8550]  }
0x112: {  	v13 =	vld @!p1 [tilespmem:$0x8360];
	v1 =	vshll.u32 @!p1 v1, $0x4  }
0x113: {  	v1 =	vadd.s32 @!p1 v2, v1;
	v2 =	vshll.u32 @!p1 v3, $0x4;
	v3 =	vld @!p1 [tilespmem:$0x8560]  }
0x114: {  	[tilespmem:$0x8600] =	vst @!p1 v1;
	v1 =	vadd.s32 @!p1 v4, v2;
	v2 =	vshll.u32 @!p1 v5, $0x4;
	v4 =	vld @!p1 [tilespmem:$0x8370]  }
0x115: {  	v5 =	vld @!p1 [tilespmem:$0x8570];
	[tilespmem:$0x8610] =	vst @!p1 v1;
	v1 =	vadd.s32 @!p1 v6, v2;
	v2 =	vshll.u32 @!p1 v7, $0x4  }
0x116: {  	[tilespmem:$0x8620] =	vst @!p1 v1;
	v1 =	vadd.s32 @!p1 v8, v2;
	v2 =	vshll.u32 @!p1 v9, $0x4  }
0x117: {  	[tilespmem:$0x8630] =	vst @!p1 v1;
	v1 =	vadd.s32 @!p1 v10, v2;
	v2 =	vshll.u32 @!p1 v11, $0x4  }
0x118: {  	[tilespmem:$0x8640] =	vst @!p1 v1;
	v1 =	vadd.s32 @!p1 v12, v2;
	v2 =	vshll.u32 @!p1 v13, $0x4  }
0x119: {  	[tilespmem:$0x8650] =	vst @!p1 v1;
	v1 =	vadd.s32 @!p1 v3, v2;
	v2 =	vshll.u32 @!p1 v4, $0x4  }
0x11a: {  	[tilespmem:$0x8660] =	vst @!p1 v1;
	v1 =	vadd.s32 @!p1 v5, v2  }
0x11b: {  	[tilespmem:$0x8670] =	vst @!p1 v1  }
0x11c: {  	[spmem:s4] =	stream.indirect.scatter.add.f32 @!p1 [tilespmem:s3], [sflag:$0x9], $0x1, s26, s25, $0xb8;
	[tilespmem:$0x1F780] =	vst v63  }
0x11d: {  	s26 =	simm.s32 $0x8300  }
0x11e: {  	[spmem:s2] =	stream.indirect.scatter.add.f32 [tilespmem:s5], [sflag:$0x7], $0x80, s26, s6, $0xb8;
	[tilespmem:$0x1F780] =	vst v63  }
0x11f: {  	_ =	swait.ge [sflag:s10], $0x4000  }
0x120: {  	s3 =	rddreg [dreg:$0x5];
	[sflag:s10] =	ssyncset.done $0x0  }
0x121: {  	s25 =	simm.s32 @!p3 $0x8100;
	[sflag:s10] =	ssyncadd.s32 $0xFFFFC000;
	s3 =	sadd.s32 @!p3 s16, s3  }
0x122: {  	[tilespmem:s25], [sflag:$0x5] =	stream.linear.gather @!p3 [hbm4b:s3+s28], $0x80, $0x38;
	[tilespmem:$0x1F780] =	vst v63  }
0x123: {  	s3 =	sadd.s32 @!p3 $0x60, s15;
	s15 =	simm.s32 @!p3 $0x8300  }
0x124: {  	[tilespmem:s15], [sflag:$0x5] =	stream.linear.gather @!p3 [hbm4b:s3+s28], $0x80, $0x38;
	[tilespmem:$0x1F780] =	vst v63  }
0x125: {  	s3 =	sadd.s32 @!p3 $0x60, s18;
	s15 =	simm.s32 @!p3 $0x8500  }
0x126: {  	[tilespmem:s15], [sflag:$0x5] =	stream.linear.gather @!p3 [hbm4b:s3+s28], $0x80, $0x38;
	[tilespmem:$0x1F780] =	vst v63  }
0x127: {  	s3 =	simm.s32 @!p3 $0x3  }
0x128: {  	_ =	swait.ge @!p3 [sflag:s3], $0x80  }
0x129: {  	[sflag:s3] =	ssyncset.done @!p3 $0x0  }
0x12a: {  	[sflag:s3] =	ssyncadd.s32 @!p3 $0xFFFFFF80  }
0x12b: {  	_ =	swait.ge @!p3 [sflag:s3], $0x80  }
0x12c: {  	[sflag:s3] =	ssyncset.done @!p3 $0x0  }
0x12d: {  	[sflag:s3] =	ssyncadd.s32 @!p3 $0xFFFFFF80  }
0x12e: {  	_ =	swait.ge @!p3 [sflag:s3], $0x80  }
0x12f: {  	[sflag:s3] =	ssyncset.done @!p3 $0x0  }
0x130: {  	[sflag:s3] =	ssyncadd.s32 @!p3 $0xFFFFFF80;
	s3 =	simm.s32 @!p3 $0x80  }
0x131: {  	[tilespmem:s28], [sflag:$0x1] =	stream.indirect.gather @!p3 [hbm4b:s1+s3], $0x80, s14, s3, $0xb8;
	[tilespmem:$0x1F780] =	vst v63  }
0x132: {  	_ =	swait.ge [sflag:s11], $0x4000  }
0x133: {  	[sflag:s11] =	ssyncset.done $0x0  }
0x134: {  	s3 =	simm.s32 @!p0 $0x9;
	[sflag:s11] =	ssyncadd.s32 $0xFFFFC000  }
0x135: {  	_ =	swait.ge @!p0 [sflag:s3], $0x80  }
0x136: {  	[sflag:s3] =	ssyncset.done @!p0 $0x0  }
0x137: {  	[sflag:s3] =	ssyncadd.s32 @!p0 $0xFFFFFF80  }
0x138: {  	v1 =	vld @!p0 [tilespmem:$0x8380]  }
0x139: {  	v2 =	vld @!p0 [tilespmem:$0x8580]  }
0x13a: {  	v3 =	vld @!p0 [tilespmem:$0x8390]  }
0x13b: {  	v4 =	vld @!p0 [tilespmem:$0x8590]  }
0x13c: {  	v5 =	vld @!p0 [tilespmem:$0x83A0]  }
0x13d: {  	v6 =	vld @!p0 [tilespmem:$0x85A0]  }
0x13e: {  	v7 =	vld @!p0 [tilespmem:$0x83B0]  }
0x13f: {  	v8 =	vld @!p0 [tilespmem:$0x85B0]  }
0x140: {  	v9 =	vld @!p0 [tilespmem:$0x83C0]  }
0x141: {  	v10 =	vld @!p0 [tilespmem:$0x85C0]  }
0x142: {  	v11 =	vld @!p0 [tilespmem:$0x83D0]  }
0x143: {  	v12 =	vld @!p0 [tilespmem:$0x85D0]  }
0x144: {  	v13 =	vld @!p0 [tilespmem:$0x83E0];
	v1 =	vshll.u32 @!p0 v1, $0x4  }
0x145: {  	v1 =	vadd.s32 @!p0 v2, v1;
	v2 =	vshll.u32 @!p0 v3, $0x4;
	v3 =	vld @!p0 [tilespmem:$0x85E0]  }
0x146: {  	[tilespmem:$0x8680] =	vst @!p0 v1;
	v1 =	vadd.s32 @!p0 v4, v2;
	v2 =	vshll.u32 @!p0 v5, $0x4;
	v4 =	vld @!p0 [tilespmem:$0x83F0]  }
0x147: {  	v5 =	vld @!p0 [tilespmem:$0x85F0];
	[tilespmem:$0x8690] =	vst @!p0 v1;
	v1 =	vadd.s32 @!p0 v6, v2;
	v2 =	vshll.u32 @!p0 v7, $0x4  }
0x148: {  	[tilespmem:$0x86A0] =	vst @!p0 v1;
	v1 =	vadd.s32 @!p0 v8, v2;
	v2 =	vshll.u32 @!p0 v9, $0x4  }
0x149: {  	[tilespmem:$0x86B0] =	vst @!p0 v1;
	v1 =	vadd.s32 @!p0 v10, v2;
	v2 =	vshll.u32 @!p0 v11, $0x4  }
0x14a: {  	s16 =	sadd.s32 $0x40, s16;
	[tilespmem:$0x86C0] =	vst @!p0 v1;
	v1 =	vadd.s32 @!p0 v12, v2;
	v2 =	vshll.u32 @!p0 v13, $0x4  }
0x14b: {  	p3 =	sne.s32 s16, $0x500;
	[tilespmem:$0x86D0] =	vst @!p0 v1;
	v1 =	vadd.s32 @!p0 v3, v2;
	v2 =	vshll.u32 @!p0 v4, $0x4  }
.Ltmp0:
0x14c: {  	[tilespmem:$0x86E0] =	vst @!p0 v1;
	v1 =	vadd.s32 @!p0 v5, v2;
	(pc) =	sbr.rel @p3 .LBB2_2-.Ltmp0, $4  }
0x14d: {  	s30 =	simm.s32 $0x8100;
	[tilespmem:$0x86F0] =	vst @!p0 v1  }
0x14e: {  	[spmem:s4] =	stream.indirect.scatter.add.f32 @!p0 [tilespmem:s24], [sflag:$0x9], $0x1, s23, s20, $0xb8;
	[tilespmem:$0x1F780] =	vst v63  }
0x14f: {  	s29 =	simm.s32 $0x8280;
	s18 =	simm.s32 $0x8200;
	s20 =	simm.s32 $0x8080  }
0x150: {  	[spmem:s2] =	stream.indirect.scatter.add.f32 [tilespmem:s8], [sflag:$0x8], $0x80, s0, s6, $0xb8;
	[tilespmem:$0x1F780] =	vst v63  }
0x151: {  	_ =	swait.ge [sflag:s12], $0x4000  }
0x152: {  	[sflag:s12] =	ssyncset.done $0x0  }
0x153: {  	s3 =	simm.s32 $0x9;
	[sflag:s12] =	ssyncadd.s32 $0xFFFFC000  }
0x154: {  	_ =	swait.ge [sflag:s3], $0x80  }
0x155: {  	[sflag:s3] =	ssyncset.done $0x0  }
0x156: {  	[sflag:s3] =	ssyncadd.s32 $0xFFFFFF80  }
0x157: {  	[bflag:$0x0] =	sbarrier.arrive $0xFFFF  }
0x158: {  	s14 =	sld [smem:$0x7F6]  }
0x159: {  	s25 =	rddreg [dreg:$0x1b]  }
0x15a: {  	s3 =	rddreg [dreg:$0x1d]  }
0x15b: {  	[hbm:s3], [sflag:s25] =	dma.local @p2 [spmem:s14], $0x1900  }
0x15c: {  	s3 =	simm.s32 @p2 $0xA  }
0x15d: {  	_ =	swait.ge @p2 [sflag:s3], $0x1900  }
0x15e: {  	[sflag:s3] =	ssyncset.done @p2 $0x0;
	s24 =	rddreg [dreg:$0x1a]  }
0x15f: {  	s14 =	rddreg [dreg:$0x9];
	[sflag:s3] =	ssyncadd.s32 @p2 $0xFFFFE700;
	s3 =	sshrl.u32 @!p2 s24, $0x3  }
0x160: {  	[hbm:s14], [sflag:s25] =	dma.local @!p2 [spmem:s3], $0x2800  }
0x161: {  	s3 =	simm.s32 @!p2 $0xA  }
0x162: {  	_ =	swait.ge @!p2 [sflag:s3], $0x2800  }
0x163: {  	[sflag:s3] =	ssyncset.done @!p2 $0x0  }
0x164: {  	s15 =	simm.s32 $0x8780;
	s14 =	rddreg [dreg:$0x1e];
	[sflag:s3] =	ssyncadd.s32 @!p2 $0xFFFFD800  }
0x165: {  	[tilespmem:s15], [sflag:$0xA] =	stream.linear.gather [spmem:s14], $0x7D0, $0x38;
	[tilespmem:$0x1F780] =	vst v63  }
0x166: {  	_ =	swait.ge [sflag:s17], $0x7D0  }
0x167: {  	[sflag:s17] =	ssyncset.done $0x0  }
0x168: {  	s16 =	rddreg [dreg:$0xa];
	[sflag:s17] =	ssyncadd.s32 $0xFFFFF830  }
0x169: {  	[hbm4b:s16+s5] =	stream.linear.scatter [tilespmem:s15], [sflag:$0xA], $0x7D0, $0x38;
	[tilespmem:$0x1F780] =	vst v63  }
0x16a: {  	_ =	swait.ge [sflag:s17], $0x7D0  }
0x16b: {  	[sflag:s17] =	ssyncset.done $0x0  }
0x16c: {  	s23 =	rddreg [dreg:$0x1f];
	[sflag:s17] =	ssyncadd.s32 $0xFFFFF830  }
0x16d: {  	[tilespmem:s15], [sflag:$0xA] =	stream.linear.gather [spmem:s23], $0x7D0, $0x38;
	[tilespmem:$0x1F780] =	vst v63  }
0x16e: {  	_ =	swait.ge [sflag:s17], $0x7D0  }
0x16f: {  	[sflag:s17] =	ssyncset.done $0x0  }
0x170: {  	s28 =	rddreg [dreg:$0xb];
	[sflag:s17] =	ssyncadd.s32 $0xFFFFF830  }
0x171: {  	[hbm4b:s28+s5] =	stream.linear.scatter [tilespmem:s15], [sflag:$0xA], $0x7D0, $0x38;
	[tilespmem:$0x1F780] =	vst v63  }
0x172: {  	_ =	swait.ge [sflag:s17], $0x7D0  }
0x173: {  	s14 =	sld [smem:$0x7F2]  }
0x174: {  	[sflag:s17] =	ssyncset.done $0x0  }
0x175: {  	[sflag:s17] =	ssyncadd.s32 $0xFFFFF830  }
0x176: {  	[tilespmem:s15], [sflag:$0xA] =	stream.linear.gather [spmem:s14], $0x7D0, $0x38;
	[tilespmem:$0x1F780] =	vst v63  }
0x177: {  	_ =	swait.ge [sflag:s17], $0x7D0  }
0x178: {  	[sflag:s17] =	ssyncset.done $0x0  }
0x179: {  	s16 =	rddreg [dreg:$0xc];
	[sflag:s17] =	ssyncadd.s32 $0xFFFFF830  }
0x17a: {  	[hbm4b:s16+s5] =	stream.linear.scatter [tilespmem:s15], [sflag:$0xA], $0x7D0, $0x38;
	[tilespmem:$0x1F780] =	vst v63  }
0x17b: {  	_ =	swait.ge [sflag:s17], $0x7D0  }
0x17c: {  	s23 =	sld [smem:$0x7F3]  }
0x17d: {  	[sflag:s17] =	ssyncset.done $0x0  }
0x17e: {  	[sflag:s17] =	ssyncadd.s32 $0xFFFFF830  }
0x17f: {  	[tilespmem:s15], [sflag:$0xA] =	stream.linear.gather [spmem:s23], $0x7D0, $0x38;
	[tilespmem:$0x1F780] =	vst v63  }
0x180: {  	_ =	swait.ge [sflag:s17], $0x7D0  }
0x181: {  	[sflag:s17] =	ssyncset.done $0x0  }
0x182: {  	s28 =	rddreg [dreg:$0xd];
	[sflag:s17] =	ssyncadd.s32 $0xFFFFF830  }
0x183: {  	[hbm4b:s28+s5] =	stream.linear.scatter [tilespmem:s15], [sflag:$0xA], $0x7D0, $0x38;
	[tilespmem:$0x1F780] =	vst v63  }
0x184: {  	_ =	swait.ge [sflag:s17], $0x7D0  }
0x185: {  	s14 =	sld [smem:$0x7F4]  }
0x186: {  	[sflag:s17] =	ssyncset.done $0x0  }
0x187: {  	[sflag:s17] =	ssyncadd.s32 $0xFFFFF830  }
0x188: {  	[tilespmem:s15], [sflag:$0xA] =	stream.linear.gather [spmem:s14], $0x7D0, $0x38;
	[tilespmem:$0x1F780] =	vst v63  }
0x189: {  	_ =	swait.ge [sflag:s17], $0x7D0  }
0x18a: {  	[sflag:s17] =	ssyncset.done $0x0  }
0x18b: {  	s16 =	rddreg [dreg:$0xe];
	[sflag:s17] =	ssyncadd.s32 $0xFFFFF830  }
0x18c: {  	[hbm4b:s16+s5] =	stream.linear.scatter [tilespmem:s15], [sflag:$0xA], $0x7D0, $0x38;
	[tilespmem:$0x1F780] =	vst v63  }
0x18d: {  	_ =	swait.ge [sflag:s17], $0x7D0  }
0x18e: {  	s23 =	sld [smem:$0x7F1]  }
0x18f: {  	s28 =	sld [smem:$0x7F5];
	_ =	sdelay $0x1  }
0x190: {  	s14 =	sadd.s32 $0x1, s23  }
0x191: {  	p3 =	sne.s32 s14, s28  }
.Ltmp1:
0x192: {  	_ = 	snop;
	(pc) =	sbr.rel @p3 .LBB2_1-.Ltmp1, $3  }
0x193: {  	_ =	sdelay $0x1  }
0x194: {  	[sflag:s17] =	ssyncset.done $0x0  }
0x195: {  	[sflag:s17] =	ssyncadd.s32 $0xFFFFF830  }
0x196: {  	_ =	sfence.sel $0x180000  }
0x197: {  	[bflag:$0x0] =	sbarrier.arrive $0xFFFF  }
0x198: {  	_ =	strace $0x90000047  }
0x199: {  	s0 =	stileid.u32;
	[bflag:$0x2] =	sbarrier.arrive $0xFFFF  }
0x19a: {  	p0 =	sne.s32 s0, $0x0;
	s0 =	rddreg [dreg:$0x4]  }
0x19b: {  	s0 =	sadd.s32 @!p0 $0x100000, s0  }
0x19c: {  	[sflag:s0] =	ssyncadd.tile.s32 @!p0 $0x1;
	_ =	shalt  }
.Lfunc_end2:
_tile_overlayer_lowered:
.L_overlay_start_2:
0x19d: {  	(tag) =	ssettag $0x2  }
0x19e: {  	s0 =	rddreg [dreg:$0x0];
	s2 =	stileid.u32  }
0x19f: {  	s1 =	rddreg [dreg:$0x1];
	p0 =	sne.s32 s2, $0x0  }
0x1a0: {  	s3 =	rddreg [dreg:$0x2];
	[bflag:$0x3] =	sbarrier.arrive $0xFFFF;
	s2 =	simm.s32 @!p0 $0x1C0A  }
0x1a1: {  	[timem:s3], [sflag:s2] =	dma.local @!p0 [hbm:s0], s1  }
0x1a2: {  	s0 =	simm.s32 @!p0 $0xA  }
0x1a3: {  	_ =	swait.ge @!p0 [sflag:s0], s1  }
0x1a4: {  	s1 =	ssub.s32 @!p0 $0x0, s1;
	[sflag:s0] =	ssyncset.done @!p0 $0x0  }
0x1a5: {  	[sflag:s0] =	ssyncadd.s32 @!p0 s1  }
0x1a6: {  	[bflag:$0x3] =	sbarrier.arrive $0xFFFF  }
0x1a7: {  	_ =	shalt  }

</sc_bundles>
